<compile_context>
chip_gen: v7x
topology: tpu7x:2x2x1
jax: 0.10.2.dev20260603
libtpu: 0.0.44.dev20260713+nightly
codegen_flags: <defaults>
</compile_context>

<pallas_src>
import functools

import jax
import jax.numpy as jnp
from jax import lax
from jax.experimental import pallas as pl
from jax.experimental.pallas import tpu as pltpu, tpu_sc as plsc

N = 32768
NG = 16
TAU = 0.2
GAMMA = 0.05
MAX_ITERS = 30
L16 = 16
SLICE = 2048
CH = 2048
BIG = 1e30

_mesh = plsc.VectorSubcoreMesh(
    core_axis_name="c", subcore_axis_name="s", num_cores=1)


@functools.partial(
    pl.kernel,
    out_type=(jax.ShapeDtypeStruct((N,), jnp.float32),
              jax.ShapeDtypeStruct((2 * L16, L16), jnp.float32),
              jax.ShapeDtypeStruct((L16, L16), jnp.float32)),
    mesh=_mesh,
    compiler_params=pltpu.CompilerParams(needs_layout_passes=False),
    scratch_types=[
        pltpu.VMEM((SLICE,), jnp.int32),
        pltpu.VMEM((SLICE,), jnp.float32),
        pltpu.VMEM((SLICE,), jnp.float32),
        pltpu.VMEM((SLICE,), jnp.float32),
        pltpu.VMEM((N,), jnp.float32),
        pltpu.VMEM((CH,), jnp.float32),
        pltpu.VMEM((CH,), jnp.float32),
        pltpu.VMEM((L16,), jnp.float32),
        pltpu.VMEM((L16,), jnp.float32),
        pltpu.VMEM((2, L16), jnp.float32),
        pltpu.VMEM((2 * L16, L16), jnp.float32),
        pltpu.VMEM((L16,), jnp.float32),
        pltpu.VMEM((L16, L16), jnp.float32),
        pltpu.VMEM((L16,), jnp.float32),
        pltpu.SemaphoreType.DMA,
        pltpu.SemaphoreType.DMA,
        pltpu.SemaphoreType.DMA,
        pltpu.SemaphoreType.DMA,
    ],
)
def _projector(y_raw_hbm, y_real_hbm, gid_hbm, out_hbm, xch_a,
               xch_m, gbuf, rbuf, ebuf, obuf, abuf, craw, creal, cnt_v,
               s0_v, acc2_v, rows2_v, tmp_v, mrows_v, mtab_v,
               sem_g, sem_r, sem_e, sem_o):
    s = lax.axis_index("s")
    iota = lax.iota(jnp.int32, L16)
    zeros_f = jnp.zeros((L16,), jnp.float32)
    zeros_i = jnp.zeros((L16,), jnp.int32)
    ones_f = jnp.ones((L16,), jnp.float32)
    ones_i = jnp.ones((L16,), jnp.int32)
    ob = s * SLICE

    cp_g = pltpu.async_copy(gid_hbm.at[pl.ds(ob, SLICE)], gbuf, sem_g)
    cp_r = pltpu.async_copy(y_raw_hbm.at[pl.ds(ob, SLICE)], rbuf, sem_r)
    cp_e = pltpu.async_copy(y_real_hbm.at[pl.ds(ob, SLICE)], ebuf, sem_e)
    cp_g.wait()
    cp_r.wait()
    cp_e.wait()

    cnt_v[...] = zeros_f
    s0_v[...] = zeros_f

    def phase_a(j, carry):
        for u in range(4):
            o = (4 * j + u) * L16
            gv = gbuf[pl.ds(o, L16)]
            vr = rbuf[pl.ds(o, L16)]
            vy = ebuf[pl.ds(o, L16)]
            yc = jnp.maximum(vy, 1e-9)
            a = vr / yc
            cv = jnp.minimum(jnp.maximum(a, 1.0 - TAU), 1.0 + TAU)
            plsc.addupdate_scatter(cnt_v, [gv], ones_f)
            plsc.addupdate_scatter(s0_v, [gv], cv)
            obuf[pl.ds(o, L16)] = yc * cv
        return carry

    lax.fori_loop(0, SLICE // (4 * L16), phase_a, 0)
    cp_o = pltpu.async_copy(obuf, out_hbm.at[pl.ds(ob, SLICE)], sem_o)
    acc2_v[0] = cnt_v[...]
    acc2_v[1] = s0_v[...]
    pltpu.sync_copy(acc2_v, xch_a.at[pl.ds(2 * s, 2)])
    plsc.subcore_barrier()
    pltpu.sync_copy(xch_a, rows2_v)
    cp_o.wait()

    nf_v = rows2_v[0]
    s0t = rows2_v[1]
    for h in range(1, L16):
        nf_v = nf_v + rows2_v[2 * h]
        s0t = s0t + rows2_v[2 * h + 1]
    tot = nf_v.astype(jnp.int32)
    inb_v = (s0t >= (1.0 - GAMMA) * nf_v) & (s0t <= (1.0 + GAMMA) * nf_v)
    all_inb = jnp.all(inb_v)

    @pl.when(jnp.logical_not(all_inb))
    def _rare():
        start = jnp.sum(jnp.where(iota < s, tot, 0))
        n_g = jnp.sum(jnp.where(iota == s, tot, 0))
        end = start + n_g
        S0 = jnp.sum(jnp.where(iota == s, s0t, 0.0))
        nf = n_g.astype(jnp.float32)
        Lb = (1.0 - GAMMA) * nf
        Ub = (1.0 + GAMMA) * nf
        T = jnp.where(S0 < Lb, Lb, Ub)
        own_out = jnp.sum(
            jnp.where(iota == s,
                      jnp.logical_not(inb_v).astype(jnp.int32), 0)) > 0
        tmp_v[...] = zeros_f

        @pl.when(own_out)
        def _bisect():
            base = (start // CH) * CH
            stop = ((end + CH - 1) // CH) * CH
            nchunks = (stop - base) // CH

            def stage_chunk(k, carry):
                off = base + k * CH
                pltpu.sync_copy(y_raw_hbm.at[pl.ds(off, CH)], craw)
                pltpu.sync_copy(y_real_hbm.at[pl.ds(off, CH)], creal)

                def inner(j, car):
                    amina, amaxa = car
                    for u in range(8):
                        o = (8 * j + u) * L16
                        vr = craw[pl.ds(o, L16)]
                        vy = creal[pl.ds(o, L16)]
                        yc = jnp.maximum(vy, 1e-9)
                        a = vr / yc
                        idx0 = off + o
                        msk = (iota >= start - idx0) & (iota < end - idx0)
                        a_s = jnp.where(msk, a, BIG)
                        abuf[pl.ds(idx0, L16)] = a_s
                        amina = jnp.minimum(amina, a_s)
                        amaxa = jnp.maximum(amaxa, jnp.where(msk, a, -BIG))
                    return (amina, amaxa)

                return lax.fori_loop(0, CH // (8 * L16), inner, carry)

            amina, amaxa = lax.fori_loop(
                0, nchunks, stage_chunk,
                (jnp.full((L16,), BIG, jnp.float32),
                 jnp.full((L16,), -BIG, jnp.float32)))

            amin = jnp.min(amina)
            amax = jnp.max(amaxa)
            lo0 = ((1.0 - TAU) - amax) - 1.0
            hi0 = ((1.0 + TAU) - amin) + 1.0
            base_b = (start // (8 * L16)) * (8 * L16)
            stop_b = ((end + 8 * L16 - 1) // (8 * L16)) * (8 * L16)
            pad_b = (1.0 + TAU) * (stop_b - base_b - n_g).astype(jnp.float32)
            nv = (stop_b - base_b) // (8 * L16)

            def bis(it, carry):
                lo, hi, _ = carry
                mid = 0.5 * (lo + hi)

                def red(k, acc):
                    a0, a1, a2, a3 = acc
                    off = base_b + k * (8 * L16)
                    for u in range(8):
                        v = abuf[pl.ds(off + u * L16, L16)]
                        cv = jnp.minimum(
                            jnp.maximum(v + mid, 1.0 - TAU), 1.0 + TAU)
                        if u % 4 == 0:
                            a0 = a0 + cv
                        elif u % 4 == 1:
                            a1 = a1 + cv
                        elif u % 4 == 2:
                            a2 = a2 + cv
                        else:
                            a3 = a3 + cv
                    return (a0, a1, a2, a3)

                a0, a1, a2, a3 = lax.fori_loop(
                    0, nv, red, (zeros_f, zeros_f, zeros_f, zeros_f))
                Sm = jnp.sum((a0 + a1) + (a2 + a3)) - pad_b
                pred = Sm < T
                return (jnp.where(pred, mid, lo),
                        jnp.where(pred, hi, mid), mid)

            _, _, mid_last = lax.fori_loop(
                0, MAX_ITERS, bis, (lo0, hi0, jnp.float32(0.0)))
            tmp_v[...] = jnp.broadcast_to(mid_last, (L16,))

        pltpu.sync_copy(tmp_v, xch_m.at[s])
        plsc.subcore_barrier()
        pltpu.sync_copy(xch_m, mrows_v)
        mt = zeros_f
        for h in range(L16):
            mt = jnp.where(iota == h, mrows_v[h], mt)
        mtab_v[...] = mt

        def phase_out(j, carry):
            for u in range(4):
                o = (4 * j + u) * L16
                vr = rbuf[pl.ds(o, L16)]
                vy = ebuf[pl.ds(o, L16)]
                gv = gbuf[pl.ds(o, L16)]
                yc = jnp.maximum(vy, 1e-9)
                a = vr / yc
                mv = plsc.load_gather(mtab_v, [gv])
                res = yc * jnp.minimum(
                    jnp.maximum(a + mv, 1.0 - TAU), 1.0 + TAU)
                obuf[pl.ds(o, L16)] = res
            return carry

        lax.fori_loop(0, SLICE // (4 * L16), phase_out, 0)
        pltpu.sync_copy(obuf, out_hbm.at[pl.ds(ob, SLICE)])


def kernel(y_raw, y_real, group_ids, n_groups):
    del n_groups
    if group_ids.dtype != jnp.int32:
        group_ids = group_ids.astype(jnp.int32)
    out, _, _ = _projector(y_raw, y_real, group_ids)
    return out

# --- scband reference (transcript-rebuilt; emitter-appended) ---
"""Pipeline reference for scband-ratio-box-group-projector-1838246003111 (READ-ONLY COPY).

The authoritative reference and input builder live on the scoring server;
editing this copy changes nothing except your own understanding.
"""

import jax, jax.numpy as jnp
import numpy as np

TAU = 0.2
GAMMA = 0.05
MAX_ITERS = 30
N = 32768
NG = 16

def setup_inputs(seed: int = 0) -> dict:
    key = jax.random.key(seed)
    k1, k2, k3 = jax.random.split(key, 3)
    y_raw = jax.random.uniform(k1, (N,), dtype=jnp.float32)
    y_real = jax.random.uniform(k2, (N,), dtype=jnp.float32)
    group_ids = jnp.sort(jax.random.randint(k3, (N,), 0, NG)).astype(jnp.int64)
    return {"y_raw": y_raw, "y_real": y_real, "group_ids": group_ids, "n_groups": NG}

def reference(y_raw, y_real, group_ids, n_groups):
    eps = 1e-9
    dtype = y_raw.dtype
    y_real_c = jnp.clip(y_real, eps, None)
    l = (1.0 - TAU) * y_real_c
    u = (1.0 + TAU) * y_real_c
    y_clipped = jnp.clip(y_raw, l, u)
    y_out = y_clipped
    w = 1.0 / jnp.clip(y_real_c, 1e-9, None)
    for g in range(NG):
        mask = (group_ids == g) & (g < n_groups)
        n_g = jnp.sum(mask)
        n_gf = n_g.astype(dtype)
        L = (1.0 - GAMMA) * n_gf
        U = (1.0 + GAMMA) * n_gf
        def S(alpha):
            y_alpha = jnp.clip(y_raw + alpha / w, l, u)
            return jnp.sum(jnp.where(mask, w * y_alpha, 0.0)), y_alpha
        S0, y_clip0 = S(jnp.array(0.0, dtype=dtype))
        in_band = (S0 >= L) & (S0 <= U)
        alpha_to_low = (l - y_raw) * w
        alpha_to_high = (u - y_raw) * w
        alpha_lo = jnp.min(jnp.where(mask, alpha_to_low, jnp.inf)) - 1.0
        alpha_hi = jnp.max(jnp.where(mask, alpha_to_high, -jnp.inf)) + 1.0
        T = jnp.where(S0 < L, L, U)
        lo = alpha_lo
        hi = alpha_hi
        y_mid = y_clip0
        for _ in range(MAX_ITERS):
            mid = 0.5 * (lo + hi)
            Smid, ymid = S(mid)
            y_mid = ymid
            lo = jnp.where(Smid < T, mid, lo)
            hi = jnp.where(Smid >= T, mid, hi)
        y_sel = jnp.where(in_band, y_clip0, y_mid)
        y_out = jnp.where(mask, y_sel, y_out)
    return y_out

if __name__ == "__main__":
    import jax
    _d = setup_inputs()
    print(jax.jit(kernel)(*tuple(_d.values())))

</pallas_src>

<mosaic_0001>
#map = affine_map<(d0, d1) -> (0)>
#map1 = affine_map<(d0, d1) -> (0, 0)>
module attributes {stable_mosaic.version = 14 : i64} {
  func.func @_projector(%arg0: i32, %arg1: i32, %arg2: memref<32768xf32, #tpu.memory_space<hbm>>, %arg3: memref<32768xf32, #tpu.memory_space<hbm>>, %arg4: memref<32768xi32, #tpu.memory_space<hbm>>, %arg5: memref<32768xf32, #tpu.memory_space<hbm>>, %arg6: memref<32x16xf32, #tpu.memory_space<hbm>>, %arg7: memref<16x16xf32, #tpu.memory_space<hbm>>, %arg8: memref<2048xi32, #tpu.memory_space<vmem>>, %arg9: memref<2048xf32, #tpu.memory_space<vmem>>, %arg10: memref<2048xf32, #tpu.memory_space<vmem>>, %arg11: memref<2048xf32, #tpu.memory_space<vmem>>, %arg12: memref<32768xf32, #tpu.memory_space<vmem>>, %arg13: memref<2048xf32, #tpu.memory_space<vmem>>, %arg14: memref<2048xf32, #tpu.memory_space<vmem>>, %arg15: memref<16xf32, #tpu.memory_space<vmem>>, %arg16: memref<16xf32, #tpu.memory_space<vmem>>, %arg17: memref<2x16xf32, #tpu.memory_space<vmem>>, %arg18: memref<32x16xf32, #tpu.memory_space<vmem>>, %arg19: memref<16xf32, #tpu.memory_space<vmem>>, %arg20: memref<16x16xf32, #tpu.memory_space<vmem>>, %arg21: memref<16xf32, #tpu.memory_space<vmem>>, %arg22: memref<!tpu.dma_semaphore, #tpu.memory_space<semaphore_mem>>, %arg23: memref<!tpu.dma_semaphore, #tpu.memory_space<semaphore_mem>>, %arg24: memref<!tpu.dma_semaphore, #tpu.memory_space<semaphore_mem>>, %arg25: memref<!tpu.dma_semaphore, #tpu.memory_space<semaphore_mem>>) attributes {dimension_semantics = [#tpu.dimension_semantics<core_parallel>, #tpu.dimension_semantics<subcore_parallel>], iteration_bounds = array<i64: 1, 16>, scalar_prefetch = 0 : i64, scratch_operands = 18 : i64, tpu.core_type = #tpu.core_type<sc_vector_subcore>, window_params = [{transform_indices = #map}, {transform_indices = #map}, {transform_indices = #map}, {transform_indices = #map}, {transform_indices = #map1}, {transform_indices = #map1}]} {
    %iota3A = tpu.iota {dimensions = array<i32: 0>} : vector<16xi32>
    %broadcast_in_dim3A = arith.constant 0.000000e+00 : f32
    %broadcast_in_dim3A_0 = vector.broadcast %broadcast_in_dim3A : f32 to vector<16xf32>
    %broadcast_in_dim3A_1 = arith.constant 0 : i32
    %broadcast_in_dim3A_2 = vector.broadcast %broadcast_in_dim3A_1 : i32 to vector<16xi32>
    %broadcast_in_dim3A_3 = arith.constant 1.000000e+00 : f32
    %broadcast_in_dim3A_4 = vector.broadcast %broadcast_in_dim3A_3 : f32 to vector<16xf32>
    %broadcast_in_dim3A_5 = arith.constant 1 : i32
    %broadcast_in_dim3A_6 = vector.broadcast %broadcast_in_dim3A_5 : i32 to vector<16xi32>
    %mul3A = arith.constant 2048 : i32
    %mul3A_7 = arith.muli %arg1, %mul3A : i32
    %dma_start3A = tpu.memref_slice %arg4[%mul3A_7] : memref<32768xi32, #tpu.memory_space<hbm>> -> memref<2048xi32, #tpu.memory_space<hbm>>
    %dma_start3A_8 = tpu.memref_slice %arg4[%mul3A_7] : memref<32768xi32, #tpu.memory_space<hbm>> -> memref<2048xi32, #tpu.memory_space<hbm>>
    tpu.enqueue_dma source(%dma_start3A_8 : memref<2048xi32, #tpu.memory_space<hbm>>) target(%arg8 : memref<2048xi32, #tpu.memory_space<vmem>>) target_semaphore(%arg22 : memref<!tpu.dma_semaphore, #tpu.memory_space<semaphore_mem>>)
    %dma_start3A_9 = tpu.memref_slice %arg2[%mul3A_7] : memref<32768xf32, #tpu.memory_space<hbm>> -> memref<2048xf32, #tpu.memory_space<hbm>>
    %dma_start3A_10 = tpu.memref_slice %arg2[%mul3A_7] : memref<32768xf32, #tpu.memory_space<hbm>> -> memref<2048xf32, #tpu.memory_space<hbm>>
    tpu.enqueue_dma source(%dma_start3A_10 : memref<2048xf32, #tpu.memory_space<hbm>>) target(%arg9 : memref<2048xf32, #tpu.memory_space<vmem>>) target_semaphore(%arg23 : memref<!tpu.dma_semaphore, #tpu.memory_space<semaphore_mem>>)
    %dma_start3A_11 = tpu.memref_slice %arg3[%mul3A_7] : memref<32768xf32, #tpu.memory_space<hbm>> -> memref<2048xf32, #tpu.memory_space<hbm>>
    %dma_start3A_12 = tpu.memref_slice %arg3[%mul3A_7] : memref<32768xf32, #tpu.memory_space<hbm>> -> memref<2048xf32, #tpu.memory_space<hbm>>
    tpu.enqueue_dma source(%dma_start3A_12 : memref<2048xf32, #tpu.memory_space<hbm>>) target(%arg10 : memref<2048xf32, #tpu.memory_space<vmem>>) target_semaphore(%arg24 : memref<!tpu.dma_semaphore, #tpu.memory_space<semaphore_mem>>)
    %dma_wait3A = tpu.memref_slice %arg4[%mul3A_7] : memref<32768xi32, #tpu.memory_space<hbm>> -> memref<2048xi32, #tpu.memory_space<hbm>>
    %dma_wait3A_13 = tpu.memref_slice %arg4[%mul3A_7] : memref<32768xi32, #tpu.memory_space<hbm>> -> memref<2048xi32, #tpu.memory_space<hbm>>
    tpu.wait_dma2 semaphore(%arg22 : memref<!tpu.dma_semaphore, #tpu.memory_space<semaphore_mem>>) src(%dma_wait3A_13 : memref<2048xi32, #tpu.memory_space<hbm>>) dst(%arg8 : memref<2048xi32, #tpu.memory_space<vmem>>)
    %dma_wait3A_14 = tpu.memref_slice %arg2[%mul3A_7] : memref<32768xf32, #tpu.memory_space<hbm>> -> memref<2048xf32, #tpu.memory_space<hbm>>
    %dma_wait3A_15 = tpu.memref_slice %arg2[%mul3A_7] : memref<32768xf32, #tpu.memory_space<hbm>> -> memref<2048xf32, #tpu.memory_space<hbm>>
    tpu.wait_dma2 semaphore(%arg23 : memref<!tpu.dma_semaphore, #tpu.memory_space<semaphore_mem>>) src(%dma_wait3A_15 : memref<2048xf32, #tpu.memory_space<hbm>>) dst(%arg9 : memref<2048xf32, #tpu.memory_space<vmem>>)
    %dma_wait3A_16 = tpu.memref_slice %arg3[%mul3A_7] : memref<32768xf32, #tpu.memory_space<hbm>> -> memref<2048xf32, #tpu.memory_space<hbm>>
    %dma_wait3A_17 = tpu.memref_slice %arg3[%mul3A_7] : memref<32768xf32, #tpu.memory_space<hbm>> -> memref<2048xf32, #tpu.memory_space<hbm>>
    tpu.wait_dma2 semaphore(%arg24 : memref<!tpu.dma_semaphore, #tpu.memory_space<semaphore_mem>>) src(%dma_wait3A_17 : memref<2048xf32, #tpu.memory_space<hbm>>) dst(%arg10 : memref<2048xf32, #tpu.memory_space<vmem>>)
    %swap3A = arith.constant 0 : index
    %swap3A_18 = tpu.vector_load %arg15[%swap3A] {strides = array<i32>} : memref<16xf32, #tpu.memory_space<vmem>>, vector<16xf32>,
    tpu.vector_store %arg15[%swap3A], %broadcast_in_dim3A_0 {strides = array<i32>} : memref<16xf32, #tpu.memory_space<vmem>>, vector<16xf32>,
    %swap3A_19 = arith.constant 0 : index
    %swap3A_20 = tpu.vector_load %arg16[%swap3A_19] {strides = array<i32>} : memref<16xf32, #tpu.memory_space<vmem>>, vector<16xf32>,
    tpu.vector_store %arg16[%swap3A_19], %broadcast_in_dim3A_0 {strides = array<i32>} : memref<16xf32, #tpu.memory_space<vmem>>, vector<16xf32>,
    %scan3A = arith.constant 0 : i32
    %scan3A_21 = arith.constant 0 : i32
    %scan3A_22 = arith.constant 32 : i32
    %scan3A_23 = arith.addi %scan3A_21, %scan3A_22 : i32
    %scan3A_24 = arith.constant 1 : i32
    scf.for %scan3A_219 = %scan3A_21 to %scan3A_23 step %scan3A_24  : i32 {
      %mul3A_220 = arith.constant 4 : i32
      %mul3A_221 = arith.muli %mul3A_220, %scan3A_219 : i32
      %add3A_222 = arith.constant 0 : i32
      %add3A_223 = arith.addi %mul3A_221, %add3A_222 : i32
      %mul3A_224 = arith.constant 16 : i32
      %mul3A_225 = arith.muli %add3A_223, %mul3A_224 : i32
      %get3A_226 = arith.index_cast %mul3A_225 : i32 to index
      %get3A_227 = tpu.vector_load %arg8[%get3A_226] {strides = array<i32>} : memref<2048xi32, #tpu.memory_space<vmem>>, vector<16xi32>,
      %get3A_228 = arith.index_cast %mul3A_225 : i32 to index
      %get3A_229 = tpu.vector_load %arg9[%get3A_228] {strides = array<i32>} : memref<2048xf32, #tpu.memory_space<vmem>>, vector<16xf32>,
      %get3A_230 = arith.index_cast %mul3A_225 : i32 to index
      %get3A_231 = tpu.vector_load %arg10[%get3A_230] {strides = array<i32>} : memref<2048xf32, #tpu.memory_space<vmem>>, vector<16xf32>,
      %max3A = arith.constant 9.99999971E-10 : f32
      %max3A_232 = vector.broadcast %max3A : f32 to vector<16xf32>
      %max3A_233 = arith.maximumf %get3A_231, %max3A_232 : vector<16xf32>
      %div3A = arith.divf %get3A_229, %max3A_233 : vector<16xf32>
      %max3A_234 = arith.constant 8.000000e-01 : f32
      %max3A_235 = vector.broadcast %max3A_234 : f32 to vector<16xf32>
      %max3A_236 = arith.maximumf %div3A, %max3A_235 : vector<16xf32>
      %min3A = arith.constant 1.200000e+00 : f32
      %min3A_237 = vector.broadcast %min3A : f32 to vector<16xf32>
      %min3A_238 = arith.minimumf %max3A_236, %min3A_237 : vector<16xf32>
      tpu.vector_store_idx %arg15[%get3A_227], %broadcast_in_dim3A_4 {add = true} : memref<16xf32, #tpu.memory_space<vmem>>[vector<16xi32>], vector<16xf32>,
      tpu.vector_store_idx %arg16[%get3A_227], %min3A_238 {add = true} : memref<16xf32, #tpu.memory_space<vmem>>[vector<16xi32>], vector<16xf32>,
      %mul3A_239 = arith.mulf %max3A_233, %min3A_238 : vector<16xf32>
      %swap3A_240 = arith.index_cast %mul3A_225 : i32 to index
      %swap3A_241 = tpu.vector_load %arg11[%swap3A_240] {strides = array<i32>} : memref<2048xf32, #tpu.memory_space<vmem>>, vector<16xf32>,
      tpu.vector_store %arg11[%swap3A_240], %mul3A_239 {strides = array<i32>} : memref<2048xf32, #tpu.memory_space<vmem>>, vector<16xf32>,
      %mul3A_242 = arith.constant 4 : i32
      %mul3A_243 = arith.muli %mul3A_242, %scan3A_219 : i32
      %add3A_244 = arith.constant 1 : i32
      %add3A_245 = arith.addi %mul3A_243, %add3A_244 : i32
      %mul3A_246 = arith.constant 16 : i32
      %mul3A_247 = arith.muli %add3A_245, %mul3A_246 : i32
      %get3A_248 = arith.index_cast %mul3A_247 : i32 to index
      %get3A_249 = tpu.vector_load %arg8[%get3A_248] {strides = array<i32>} : memref<2048xi32, #tpu.memory_space<vmem>>, vector<16xi32>,
      %get3A_250 = arith.index_cast %mul3A_247 : i32 to index
      %get3A_251 = tpu.vector_load %arg9[%get3A_250] {strides = array<i32>} : memref<2048xf32, #tpu.memory_space<vmem>>, vector<16xf32>,
      %get3A_252 = arith.index_cast %mul3A_247 : i32 to index
      %get3A_253 = tpu.vector_load %arg10[%get3A_252] {strides = array<i32>} : memref<2048xf32, #tpu.memory_space<vmem>>, vector<16xf32>,
      %max3A_254 = arith.constant 9.99999971E-10 : f32
      %max3A_255 = vector.broadcast %max3A_254 : f32 to vector<16xf32>
      %max3A_256 = arith.maximumf %get3A_253, %max3A_255 : vector<16xf32>
      %div3A_257 = arith.divf %get3A_251, %max3A_256 : vector<16xf32>
      %max3A_258 = arith.constant 8.000000e-01 : f32
      %max3A_259 = vector.broadcast %max3A_258 : f32 to vector<16xf32>
      %max3A_260 = arith.maximumf %div3A_257, %max3A_259 : vector<16xf32>
      %min3A_261 = arith.constant 1.200000e+00 : f32
      %min3A_262 = vector.broadcast %min3A_261 : f32 to vector<16xf32>
      %min3A_263 = arith.minimumf %max3A_260, %min3A_262 : vector<16xf32>
      tpu.vector_store_idx %arg15[%get3A_249], %broadcast_in_dim3A_4 {add = true} : memref<16xf32, #tpu.memory_space<vmem>>[vector<16xi32>], vector<16xf32>,
      tpu.vector_store_idx %arg16[%get3A_249], %min3A_263 {add = true} : memref<16xf32, #tpu.memory_space<vmem>>[vector<16xi32>], vector<16xf32>,
      %mul3A_264 = arith.mulf %max3A_256, %min3A_263 : vector<16xf32>
      %swap3A_265 = arith.index_cast %mul3A_247 : i32 to index
      %swap3A_266 = tpu.vector_load %arg11[%swap3A_265] {strides = array<i32>} : memref<2048xf32, #tpu.memory_space<vmem>>, vector<16xf32>,
      tpu.vector_store %arg11[%swap3A_265], %mul3A_264 {strides = array<i32>} : memref<2048xf32, #tpu.memory_space<vmem>>, vector<16xf32>,
      %mul3A_267 = arith.constant 4 : i32
      %mul3A_268 = arith.muli %mul3A_267, %scan3A_219 : i32
      %add3A_269 = arith.constant 2 : i32
      %add3A_270 = arith.addi %mul3A_268, %add3A_269 : i32
      %mul3A_271 = arith.constant 16 : i32
      %mul3A_272 = arith.muli %add3A_270, %mul3A_271 : i32
      %get3A_273 = arith.index_cast %mul3A_272 : i32 to index
      %get3A_274 = tpu.vector_load %arg8[%get3A_273] {strides = array<i32>} : memref<2048xi32, #tpu.memory_space<vmem>>, vector<16xi32>,
      %get3A_275 = arith.index_cast %mul3A_272 : i32 to index
      %get3A_276 = tpu.vector_load %arg9[%get3A_275] {strides = array<i32>} : memref<2048xf32, #tpu.memory_space<vmem>>, vector<16xf32>,
      %get3A_277 = arith.index_cast %mul3A_272 : i32 to index
      %get3A_278 = tpu.vector_load %arg10[%get3A_277] {strides = array<i32>} : memref<2048xf32, #tpu.memory_space<vmem>>, vector<16xf32>,
      %max3A_279 = arith.constant 9.99999971E-10 : f32
      %max3A_280 = vector.broadcast %max3A_279 : f32 to vector<16xf32>
      %max3A_281 = arith.maximumf %get3A_278, %max3A_280 : vector<16xf32>
      %div3A_282 = arith.divf %get3A_276, %max3A_281 : vector<16xf32>
      %max3A_283 = arith.constant 8.000000e-01 : f32
      %max3A_284 = vector.broadcast %max3A_283 : f32 to vector<16xf32>
      %max3A_285 = arith.maximumf %div3A_282, %max3A_284 : vector<16xf32>
      %min3A_286 = arith.constant 1.200000e+00 : f32
      %min3A_287 = vector.broadcast %min3A_286 : f32 to vector<16xf32>
      %min3A_288 = arith.minimumf %max3A_285, %min3A_287 : vector<16xf32>
      tpu.vector_store_idx %arg15[%get3A_274], %broadcast_in_dim3A_4 {add = true} : memref<16xf32, #tpu.memory_space<vmem>>[vector<16xi32>], vector<16xf32>,
      tpu.vector_store_idx %arg16[%get3A_274], %min3A_288 {add = true} : memref<16xf32, #tpu.memory_space<vmem>>[vector<16xi32>], vector<16xf32>,
      %mul3A_289 = arith.mulf %max3A_281, %min3A_288 : vector<16xf32>
      %swap3A_290 = arith.index_cast %mul3A_272 : i32 to index
      %swap3A_291 = tpu.vector_load %arg11[%swap3A_290] {strides = array<i32>} : memref<2048xf32, #tpu.memory_space<vmem>>, vector<16xf32>,
      tpu.vector_store %arg11[%swap3A_290], %mul3A_289 {strides = array<i32>} : memref<2048xf32, #tpu.memory_space<vmem>>, vector<16xf32>,
      %mul3A_292 = arith.constant 4 : i32
      %mul3A_293 = arith.muli %mul3A_292, %scan3A_219 : i32
      %add3A_294 = arith.constant 3 : i32
      %add3A_295 = arith.addi %mul3A_293, %add3A_294 : i32
      %mul3A_296 = arith.constant 16 : i32
      %mul3A_297 = arith.muli %add3A_295, %mul3A_296 : i32
      %get3A_298 = arith.index_cast %mul3A_297 : i32 to index
      %get3A_299 = tpu.vector_load %arg8[%get3A_298] {strides = array<i32>} : memref<2048xi32, #tpu.memory_space<vmem>>, vector<16xi32>,
      %get3A_300 = arith.index_cast %mul3A_297 : i32 to index
      %get3A_301 = tpu.vector_load %arg9[%get3A_300] {strides = array<i32>} : memref<2048xf32, #tpu.memory_space<vmem>>, vector<16xf32>,
      %get3A_302 = arith.index_cast %mul3A_297 : i32 to index
      %get3A_303 = tpu.vector_load %arg10[%get3A_302] {strides = array<i32>} : memref<2048xf32, #tpu.memory_space<vmem>>, vector<16xf32>,
      %max3A_304 = arith.constant 9.99999971E-10 : f32
      %max3A_305 = vector.broadcast %max3A_304 : f32 to vector<16xf32>
      %max3A_306 = arith.maximumf %get3A_303, %max3A_305 : vector<16xf32>
      %div3A_307 = arith.divf %get3A_301, %max3A_306 : vector<16xf32>
      %max3A_308 = arith.constant 8.000000e-01 : f32
      %max3A_309 = vector.broadcast %max3A_308 : f32 to vector<16xf32>
      %max3A_310 = arith.maximumf %div3A_307, %max3A_309 : vector<16xf32>
      %min3A_311 = arith.constant 1.200000e+00 : f32
      %min3A_312 = vector.broadcast %min3A_311 : f32 to vector<16xf32>
      %min3A_313 = arith.minimumf %max3A_310, %min3A_312 : vector<16xf32>
      tpu.vector_store_idx %arg15[%get3A_299], %broadcast_in_dim3A_4 {add = true} : memref<16xf32, #tpu.memory_space<vmem>>[vector<16xi32>], vector<16xf32>,
      tpu.vector_store_idx %arg16[%get3A_299], %min3A_313 {add = true} : memref<16xf32, #tpu.memory_space<vmem>>[vector<16xi32>], vector<16xf32>,
      %mul3A_314 = arith.mulf %max3A_306, %min3A_313 : vector<16xf32>
      %swap3A_315 = arith.index_cast %mul3A_297 : i32 to index
      %swap3A_316 = tpu.vector_load %arg11[%swap3A_315] {strides = array<i32>} : memref<2048xf32, #tpu.memory_space<vmem>>, vector<16xf32>,
      tpu.vector_store %arg11[%swap3A_315], %mul3A_314 {strides = array<i32>} : memref<2048xf32, #tpu.memory_space<vmem>>, vector<16xf32>,
    }
    %scan3A_25 = arith.constant 32 : i32
    %dma_start3A_26 = tpu.memref_slice %arg5[%mul3A_7] : memref<32768xf32, #tpu.memory_space<hbm>> -> memref<2048xf32, #tpu.memory_space<hbm>>
    %dma_start3A_27 = tpu.memref_slice %arg5[%mul3A_7] : memref<32768xf32, #tpu.memory_space<hbm>> -> memref<2048xf32, #tpu.memory_space<hbm>>
    tpu.enqueue_dma source(%arg11 : memref<2048xf32, #tpu.memory_space<vmem>>) target(%dma_start3A_27 : memref<2048xf32, #tpu.memory_space<hbm>>) target_semaphore(%arg25 : memref<!tpu.dma_semaphore, #tpu.memory_space<semaphore_mem>>)
    %get3A = arith.constant 0 : index
    %get3A_28 = tpu.vector_load %arg15[%get3A] {strides = array<i32>} : memref<16xf32, #tpu.memory_space<vmem>>, vector<16xf32>,
    %swap3A_29 = arith.constant 0 : i32
    %swap3A_30 = arith.index_cast %swap3A_29 : i32 to index
    %swap3A_31 = arith.constant 0 : index
    %swap3A_32 = tpu.vector_load %arg17[%swap3A_30, %swap3A_31] {strides = array<i32>} : memref<2x16xf32, #tpu.memory_space<vmem>>, vector<16xf32>,
    tpu.vector_store %arg17[%swap3A_30, %swap3A_31], %get3A_28 {strides = array<i32>} : memref<2x16xf32, #tpu.memory_space<vmem>>, vector<16xf32>,
    %get3A_33 = arith.constant 0 : index
    %get3A_34 = tpu.vector_load %arg16[%get3A_33] {strides = array<i32>} : memref<16xf32, #tpu.memory_space<vmem>>, vector<16xf32>,
    %swap3A_35 = arith.constant 1 : i32
    %swap3A_36 = arith.index_cast %swap3A_35 : i32 to index
    %swap3A_37 = arith.constant 0 : index
    %swap3A_38 = tpu.vector_load %arg17[%swap3A_36, %swap3A_37] {strides = array<i32>} : memref<2x16xf32, #tpu.memory_space<vmem>>, vector<16xf32>,
    tpu.vector_store %arg17[%swap3A_36, %swap3A_37], %get3A_34 {strides = array<i32>} : memref<2x16xf32, #tpu.memory_space<vmem>>, vector<16xf32>,
    %mul3A_39 = arith.constant 2 : i32
    %mul3A_40 = arith.muli %mul3A_39, %arg1 : i32
    "tpu.region"() ({
      %run_scoped3A = tpu.sem_alloc : memref<!tpu.dma_semaphore, #tpu.memory_space<semaphore_mem>>
      %dma_start3A_219 = arith.constant 0 : i32
      %dma_start3A_220 = tpu.memref_slice %arg6[%mul3A_40, %dma_start3A_219] : memref<32x16xf32, #tpu.memory_space<hbm>> -> memref<2x16xf32, #tpu.memory_space<hbm>>
      %dma_start3A_221 = arith.constant 0 : i32
      %dma_start3A_222 = tpu.memref_slice %arg6[%mul3A_40, %dma_start3A_221] : memref<32x16xf32, #tpu.memory_space<hbm>> -> memref<2x16xf32, #tpu.memory_space<hbm>>
      tpu.enqueue_dma source(%arg17 : memref<2x16xf32, #tpu.memory_space<vmem>>) target(%dma_start3A_222 : memref<2x16xf32, #tpu.memory_space<hbm>>) target_semaphore(%run_scoped3A : memref<!tpu.dma_semaphore, #tpu.memory_space<semaphore_mem>>)
      %dma_wait3A_223 = arith.constant 0 : i32
      %dma_wait3A_224 = tpu.memref_slice %arg6[%mul3A_40, %dma_wait3A_223] : memref<32x16xf32, #tpu.memory_space<hbm>> -> memref<2x16xf32, #tpu.memory_space<hbm>>
      %dma_wait3A_225 = arith.constant 0 : i32
      %dma_wait3A_226 = tpu.memref_slice %arg6[%mul3A_40, %dma_wait3A_225] : memref<32x16xf32, #tpu.memory_space<hbm>> -> memref<2x16xf32, #tpu.memory_space<hbm>>
      tpu.wait_dma2 semaphore(%run_scoped3A : memref<!tpu.dma_semaphore, #tpu.memory_space<semaphore_mem>>) src(%arg17 : memref<2x16xf32, #tpu.memory_space<vmem>>) dst(%dma_wait3A_226 : memref<2x16xf32, #tpu.memory_space<hbm>>)
      tpu.yield
    }) : () -> ()
    %barrier3A = arith.constant 0 : index
    tpu.barrier barrier_id(%barrier3A)
    "tpu.region"() ({
      %run_scoped3A = tpu.sem_alloc : memref<!tpu.dma_semaphore, #tpu.memory_space<semaphore_mem>>
      tpu.enqueue_dma source(%arg6 : memref<32x16xf32, #tpu.memory_space<hbm>>) target(%arg18 : memref<32x16xf32, #tpu.memory_space<vmem>>) target_semaphore(%run_scoped3A : memref<!tpu.dma_semaphore, #tpu.memory_space<semaphore_mem>>)
      tpu.wait_dma2 semaphore(%run_scoped3A : memref<!tpu.dma_semaphore, #tpu.memory_space<semaphore_mem>>) src(%arg6 : memref<32x16xf32, #tpu.memory_space<hbm>>) dst(%arg18 : memref<32x16xf32, #tpu.memory_space<vmem>>)
      tpu.yield
    }) : () -> ()
    %dma_wait3A_41 = tpu.memref_slice %arg5[%mul3A_7] : memref<32768xf32, #tpu.memory_space<hbm>> -> memref<2048xf32, #tpu.memory_space<hbm>>
    %dma_wait3A_42 = tpu.memref_slice %arg5[%mul3A_7] : memref<32768xf32, #tpu.memory_space<hbm>> -> memref<2048xf32, #tpu.memory_space<hbm>>
    tpu.wait_dma2 semaphore(%arg25 : memref<!tpu.dma_semaphore, #tpu.memory_space<semaphore_mem>>) src(%arg11 : memref<2048xf32, #tpu.memory_space<vmem>>) dst(%dma_wait3A_42 : memref<2048xf32, #tpu.memory_space<hbm>>)
    %get3A_43 = arith.constant 0 : i32
    %get3A_44 = arith.index_cast %get3A_43 : i32 to index
    %get3A_45 = arith.constant 0 : index
    %get3A_46 = tpu.vector_load %arg18[%get3A_44, %get3A_45] {strides = array<i32>} : memref<32x16xf32, #tpu.memory_space<vmem>>, vector<16xf32>,
    %get3A_47 = arith.constant 1 : i32
    %get3A_48 = arith.index_cast %get3A_47 : i32 to index
    %get3A_49 = arith.constant 0 : index
    %get3A_50 = tpu.vector_load %arg18[%get3A_48, %get3A_49] {strides = array<i32>} : memref<32x16xf32, #tpu.memory_space<vmem>>, vector<16xf32>,
    %get3A_51 = arith.constant 2 : i32
    %get3A_52 = arith.index_cast %get3A_51 : i32 to index
    %get3A_53 = arith.constant 0 : index
    %get3A_54 = tpu.vector_load %arg18[%get3A_52, %get3A_53] {strides = array<i32>} : memref<32x16xf32, #tpu.memory_space<vmem>>, vector<16xf32>,
    %add3A = arith.addf %get3A_46, %get3A_54 : vector<16xf32>
    %get3A_55 = arith.constant 3 : i32
    %get3A_56 = arith.index_cast %get3A_55 : i32 to index
    %get3A_57 = arith.constant 0 : index
    %get3A_58 = tpu.vector_load %arg18[%get3A_56, %get3A_57] {strides = array<i32>} : memref<32x16xf32, #tpu.memory_space<vmem>>, vector<16xf32>,
    %add3A_59 = arith.addf %get3A_50, %get3A_58 : vector<16xf32>
    %get3A_60 = arith.constant 4 : i32
    %get3A_61 = arith.index_cast %get3A_60 : i32 to index
    %get3A_62 = arith.constant 0 : index
    %get3A_63 = tpu.vector_load %arg18[%get3A_61, %get3A_62] {strides = array<i32>} : memref<32x16xf32, #tpu.memory_space<vmem>>, vector<16xf32>,
    %add3A_64 = arith.addf %add3A, %get3A_63 : vector<16xf32>
    %get3A_65 = arith.constant 5 : i32
    %get3A_66 = arith.index_cast %get3A_65 : i32 to index
    %get3A_67 = arith.constant 0 : index
    %get3A_68 = tpu.vector_load %arg18[%get3A_66, %get3A_67] {strides = array<i32>} : memref<32x16xf32, #tpu.memory_space<vmem>>, vector<16xf32>,
    %add3A_69 = arith.addf %add3A_59, %get3A_68 : vector<16xf32>
    %get3A_70 = arith.constant 6 : i32
    %get3A_71 = arith.index_cast %get3A_70 : i32 to index
    %get3A_72 = arith.constant 0 : index
    %get3A_73 = tpu.vector_load %arg18[%get3A_71, %get3A_72] {strides = array<i32>} : memref<32x16xf32, #tpu.memory_space<vmem>>, vector<16xf32>,
    %add3A_74 = arith.addf %add3A_64, %get3A_73 : vector<16xf32>
    %get3A_75 = arith.constant 7 : i32
    %get3A_76 = arith.index_cast %get3A_75 : i32 to index
    %get3A_77 = arith.constant 0 : index
    %get3A_78 = tpu.vector_load %arg18[%get3A_76, %get3A_77] {strides = array<i32>} : memref<32x16xf32, #tpu.memory_space<vmem>>, vector<16xf32>,
    %add3A_79 = arith.addf %add3A_69, %get3A_78 : vector<16xf32>
    %get3A_80 = arith.constant 8 : i32
    %get3A_81 = arith.index_cast %get3A_80 : i32 to index
    %get3A_82 = arith.constant 0 : index
    %get3A_83 = tpu.vector_load %arg18[%get3A_81, %get3A_82] {strides = array<i32>} : memref<32x16xf32, #tpu.memory_space<vmem>>, vector<16xf32>,
    %add3A_84 = arith.addf %add3A_74, %get3A_83 : vector<16xf32>
    %get3A_85 = arith.constant 9 : i32
    %get3A_86 = arith.index_cast %get3A_85 : i32 to index
    %get3A_87 = arith.constant 0 : index
    %get3A_88 = tpu.vector_load %arg18[%get3A_86, %get3A_87] {strides = array<i32>} : memref<32x16xf32, #tpu.memory_space<vmem>>, vector<16xf32>,
    %add3A_89 = arith.addf %add3A_79, %get3A_88 : vector<16xf32>
    %get3A_90 = arith.constant 10 : i32
    %get3A_91 = arith.index_cast %get3A_90 : i32 to index
    %get3A_92 = arith.constant 0 : index
    %get3A_93 = tpu.vector_load %arg18[%get3A_91, %get3A_92] {strides = array<i32>} : memref<32x16xf32, #tpu.memory_space<vmem>>, vector<16xf32>,
    %add3A_94 = arith.addf %add3A_84, %get3A_93 : vector<16xf32>
    %get3A_95 = arith.constant 11 : i32
    %get3A_96 = arith.index_cast %get3A_95 : i32 to index
    %get3A_97 = arith.constant 0 : index
    %get3A_98 = tpu.vector_load %arg18[%get3A_96, %get3A_97] {strides = array<i32>} : memref<32x16xf32, #tpu.memory_space<vmem>>, vector<16xf32>,
    %add3A_99 = arith.addf %add3A_89, %get3A_98 : vector<16xf32>
    %get3A_100 = arith.constant 12 : i32
    %get3A_101 = arith.index_cast %get3A_100 : i32 to index
    %get3A_102 = arith.constant 0 : index
    %get3A_103 = tpu.vector_load %arg18[%get3A_101, %get3A_102] {strides = array<i32>} : memref<32x16xf32, #tpu.memory_space<vmem>>, vector<16xf32>,
    %add3A_104 = arith.addf %add3A_94, %get3A_103 : vector<16xf32>
    %get3A_105 = arith.constant 13 : i32
    %get3A_106 = arith.index_cast %get3A_105 : i32 to index
    %get3A_107 = arith.constant 0 : index
    %get3A_108 = tpu.vector_load %arg18[%get3A_106, %get3A_107] {strides = array<i32>} : memref<32x16xf32, #tpu.memory_space<vmem>>, vector<16xf32>,
    %add3A_109 = arith.addf %add3A_99, %get3A_108 : vector<16xf32>
    %get3A_110 = arith.constant 14 : i32
    %get3A_111 = arith.index_cast %get3A_110 : i32 to index
    %get3A_112 = arith.constant 0 : index
    %get3A_113 = tpu.vector_load %arg18[%get3A_111, %get3A_112] {strides = array<i32>} : memref<32x16xf32, #tpu.memory_space<vmem>>, vector<16xf32>,
    %add3A_114 = arith.addf %add3A_104, %get3A_113 : vector<16xf32>
    %get3A_115 = arith.constant 15 : i32
    %get3A_116 = arith.index_cast %get3A_115 : i32 to index
    %get3A_117 = arith.constant 0 : index
    %get3A_118 = tpu.vector_load %arg18[%get3A_116, %get3A_117] {strides = array<i32>} : memref<32x16xf32, #tpu.memory_space<vmem>>, vector<16xf32>,
    %add3A_119 = arith.addf %add3A_109, %get3A_118 : vector<16xf32>
    %get3A_120 = arith.constant 16 : i32
    %get3A_121 = arith.index_cast %get3A_120 : i32 to index
    %get3A_122 = arith.constant 0 : index
    %get3A_123 = tpu.vector_load %arg18[%get3A_121, %get3A_122] {strides = array<i32>} : memref<32x16xf32, #tpu.memory_space<vmem>>, vector<16xf32>,
    %add3A_124 = arith.addf %add3A_114, %get3A_123 : vector<16xf32>
    %get3A_125 = arith.constant 17 : i32
    %get3A_126 = arith.index_cast %get3A_125 : i32 to index
    %get3A_127 = arith.constant 0 : index
    %get3A_128 = tpu.vector_load %arg18[%get3A_126, %get3A_127] {strides = array<i32>} : memref<32x16xf32, #tpu.memory_space<vmem>>, vector<16xf32>,
    %add3A_129 = arith.addf %add3A_119, %get3A_128 : vector<16xf32>
    %get3A_130 = arith.constant 18 : i32
    %get3A_131 = arith.index_cast %get3A_130 : i32 to index
    %get3A_132 = arith.constant 0 : index
    %get3A_133 = tpu.vector_load %arg18[%get3A_131, %get3A_132] {strides = array<i32>} : memref<32x16xf32, #tpu.memory_space<vmem>>, vector<16xf32>,
    %add3A_134 = arith.addf %add3A_124, %get3A_133 : vector<16xf32>
    %get3A_135 = arith.constant 19 : i32
    %get3A_136 = arith.index_cast %get3A_135 : i32 to index
    %get3A_137 = arith.constant 0 : index
    %get3A_138 = tpu.vector_load %arg18[%get3A_136, %get3A_137] {strides = array<i32>} : memref<32x16xf32, #tpu.memory_space<vmem>>, vector<16xf32>,
    %add3A_139 = arith.addf %add3A_129, %get3A_138 : vector<16xf32>
    %get3A_140 = arith.constant 20 : i32
    %get3A_141 = arith.index_cast %get3A_140 : i32 to index
    %get3A_142 = arith.constant 0 : index
    %get3A_143 = tpu.vector_load %arg18[%get3A_141, %get3A_142] {strides = array<i32>} : memref<32x16xf32, #tpu.memory_space<vmem>>, vector<16xf32>,
    %add3A_144 = arith.addf %add3A_134, %get3A_143 : vector<16xf32>
    %get3A_145 = arith.constant 21 : i32
    %get3A_146 = arith.index_cast %get3A_145 : i32 to index
    %get3A_147 = arith.constant 0 : index
    %get3A_148 = tpu.vector_load %arg18[%get3A_146, %get3A_147] {strides = array<i32>} : memref<32x16xf32, #tpu.memory_space<vmem>>, vector<16xf32>,
    %add3A_149 = arith.addf %add3A_139, %get3A_148 : vector<16xf32>
    %get3A_150 = arith.constant 22 : i32
    %get3A_151 = arith.index_cast %get3A_150 : i32 to index
    %get3A_152 = arith.constant 0 : index
    %get3A_153 = tpu.vector_load %arg18[%get3A_151, %get3A_152] {strides = array<i32>} : memref<32x16xf32, #tpu.memory_space<vmem>>, vector<16xf32>,
    %add3A_154 = arith.addf %add3A_144, %get3A_153 : vector<16xf32>
    %get3A_155 = arith.constant 23 : i32
    %get3A_156 = arith.index_cast %get3A_155 : i32 to index
    %get3A_157 = arith.constant 0 : index
    %get3A_158 = tpu.vector_load %arg18[%get3A_156, %get3A_157] {strides = array<i32>} : memref<32x16xf32, #tpu.memory_space<vmem>>, vector<16xf32>,
    %add3A_159 = arith.addf %add3A_149, %get3A_158 : vector<16xf32>
    %get3A_160 = arith.constant 24 : i32
    %get3A_161 = arith.index_cast %get3A_160 : i32 to index
    %get3A_162 = arith.constant 0 : index
    %get3A_163 = tpu.vector_load %arg18[%get3A_161, %get3A_162] {strides = array<i32>} : memref<32x16xf32, #tpu.memory_space<vmem>>, vector<16xf32>,
    %add3A_164 = arith.addf %add3A_154, %get3A_163 : vector<16xf32>
    %get3A_165 = arith.constant 25 : i32
    %get3A_166 = arith.index_cast %get3A_165 : i32 to index
    %get3A_167 = arith.constant 0 : index
    %get3A_168 = tpu.vector_load %arg18[%get3A_166, %get3A_167] {strides = array<i32>} : memref<32x16xf32, #tpu.memory_space<vmem>>, vector<16xf32>,
    %add3A_169 = arith.addf %add3A_159, %get3A_168 : vector<16xf32>
    %get3A_170 = arith.constant 26 : i32
    %get3A_171 = arith.index_cast %get3A_170 : i32 to index
    %get3A_172 = arith.constant 0 : index
    %get3A_173 = tpu.vector_load %arg18[%get3A_171, %get3A_172] {strides = array<i32>} : memref<32x16xf32, #tpu.memory_space<vmem>>, vector<16xf32>,
    %add3A_174 = arith.addf %add3A_164, %get3A_173 : vector<16xf32>
    %get3A_175 = arith.constant 27 : i32
    %get3A_176 = arith.index_cast %get3A_175 : i32 to index
    %get3A_177 = arith.constant 0 : index
    %get3A_178 = tpu.vector_load %arg18[%get3A_176, %get3A_177] {strides = array<i32>} : memref<32x16xf32, #tpu.memory_space<vmem>>, vector<16xf32>,
    %add3A_179 = arith.addf %add3A_169, %get3A_178 : vector<16xf32>
    %get3A_180 = arith.constant 28 : i32
    %get3A_181 = arith.index_cast %get3A_180 : i32 to index
    %get3A_182 = arith.constant 0 : index
    %get3A_183 = tpu.vector_load %arg18[%get3A_181, %get3A_182] {strides = array<i32>} : memref<32x16xf32, #tpu.memory_space<vmem>>, vector<16xf32>,
    %add3A_184 = arith.addf %add3A_174, %get3A_183 : vector<16xf32>
    %get3A_185 = arith.constant 29 : i32
    %get3A_186 = arith.index_cast %get3A_185 : i32 to index
    %get3A_187 = arith.constant 0 : index
    %get3A_188 = tpu.vector_load %arg18[%get3A_186, %get3A_187] {strides = array<i32>} : memref<32x16xf32, #tpu.memory_space<vmem>>, vector<16xf32>,
    %add3A_189 = arith.addf %add3A_179, %get3A_188 : vector<16xf32>
    %get3A_190 = arith.constant 30 : i32
    %get3A_191 = arith.index_cast %get3A_190 : i32 to index
    %get3A_192 = arith.constant 0 : index
    %get3A_193 = tpu.vector_load %arg18[%get3A_191, %get3A_192] {strides = array<i32>} : memref<32x16xf32, #tpu.memory_space<vmem>>, vector<16xf32>,
    %add3A_194 = arith.addf %add3A_184, %get3A_193 : vector<16xf32>
    %get3A_195 = arith.constant 31 : i32
    %get3A_196 = arith.index_cast %get3A_195 : i32 to index
    %get3A_197 = arith.constant 0 : index
    %get3A_198 = tpu.vector_load %arg18[%get3A_196, %get3A_197] {strides = array<i32>} : memref<32x16xf32, #tpu.memory_space<vmem>>, vector<16xf32>,
    %add3A_199 = arith.addf %add3A_189, %get3A_198 : vector<16xf32>
    %convert_element_type3A = arith.fptosi %add3A_194 : vector<16xf32> to vector<16xi32>
    %mul3A_200 = arith.constant 0.949999988 : f32
    %mul3A_201 = vector.broadcast %mul3A_200 : f32 to vector<16xf32>
    %mul3A_202 = arith.mulf %mul3A_201, %add3A_194 : vector<16xf32>
    %ge3A = arith.cmpf oge, %add3A_199, %mul3A_202 : vector<16xf32>
    %mul3A_203 = arith.constant 1.050000e+00 : f32
    %mul3A_204 = vector.broadcast %mul3A_203 : f32 to vector<16xf32>
    %mul3A_205 = arith.mulf %mul3A_204, %add3A_194 : vector<16xf32>
    %le3A = arith.cmpf ole, %add3A_199, %mul3A_205 : vector<16xf32>
    %and3A = arith.andi %ge3A, %le3A : vector<16xi1>
    %reduce_and3A = arith.constant 1.000000e+00 : f32
    %reduce_and3A_206 = arith.constant 0.000000e+00 : f32
    %reduce_and3A_207 = vector.broadcast %reduce_and3A : f32 to vector<16xf32>
    %reduce_and3A_208 = vector.broadcast %reduce_and3A_206 : f32 to vector<16xf32>
    %reduce_and3A_209 = arith.select %and3A, %reduce_and3A_207, %reduce_and3A_208 : vector<16xi1>, vector<16xf32>
    %reduce_and3A_210 = arith.constant true
    %reduce_and3A_211 = vector.broadcast %reduce_and3A_210 : i1 to vector<16xi1>
    %reduce_and3A_212 = tpu.scan <min>, %reduce_and3A_209 masked %reduce_and3A_211 : vector<16xf32>, vector<16xi1> -> vector<16xf32>
    %reduce_and3A_213 = vector.extract %reduce_and3A_212[15] : f32 from vector<16xf32>
    %reduce_and3A_214 = arith.constant 0.000000e+00 : f32
    %reduce_and3A_215 = arith.cmpf ogt, %reduce_and3A_213, %reduce_and3A_214 : f32
    %not3A = arith.constant true
    %not3A_216 = arith.xori %reduce_and3A_215, %not3A : i1
    %convert_element_type3A_217 = arith.extui %not3A_216 : i1 to i32
    %cond3A = arith.constant 0 : i32
    %cond3A_218 = arith.cmpi ne, %convert_element_type3A_217, %cond3A : i32
    scf.if %cond3A_218 {
      %lt3A = vector.broadcast %arg1 : i32 to vector<16xi32>
      %lt3A_219 = arith.cmpi slt, %iota3A, %lt3A : vector<16xi32>
      %jit3A = arith.constant 0 : i32
      %broadcast_in_dim3A_220 = vector.broadcast %jit3A : i32 to vector<16xi32>
      %select_n3A = arith.select %lt3A_219, %convert_element_type3A, %broadcast_in_dim3A_220 : vector<16xi1>, vector<16xi32>
      %reduce_sum3A = arith.constant true
      %reduce_sum3A_221 = vector.broadcast %reduce_sum3A : i1 to vector<16xi1>
      %reduce_sum3A_222 = tpu.scan <sum>, %select_n3A masked %reduce_sum3A_221 : vector<16xi32>, vector<16xi1> -> vector<16xi32>
      %reduce_sum3A_223 = vector.extract %reduce_sum3A_222[15] : i32 from vector<16xi32>
      %eq3A = vector.broadcast %arg1 : i32 to vector<16xi32>
      %eq3A_224 = arith.cmpi eq, %iota3A, %eq3A : vector<16xi32>
      %jit3A_225 = arith.constant 0 : i32
      %broadcast_in_dim3A_226 = vector.broadcast %jit3A_225 : i32 to vector<16xi32>
      %select_n3A_227 = arith.select %eq3A_224, %convert_element_type3A, %broadcast_in_dim3A_226 : vector<16xi1>, vector<16xi32>
      %reduce_sum3A_228 = arith.constant true
      %reduce_sum3A_229 = vector.broadcast %reduce_sum3A_228 : i1 to vector<16xi1>
      %reduce_sum3A_230 = tpu.scan <sum>, %select_n3A_227 masked %reduce_sum3A_229 : vector<16xi32>, vector<16xi1> -> vector<16xi32>
      %reduce_sum3A_231 = vector.extract %reduce_sum3A_230[15] : i32 from vector<16xi32>
      %add3A_232 = arith.addi %reduce_sum3A_223, %reduce_sum3A_231 : i32
      %eq3A_233 = vector.broadcast %arg1 : i32 to vector<16xi32>
      %eq3A_234 = arith.cmpi eq, %iota3A, %eq3A_233 : vector<16xi32>
      %jit3A_235 = arith.constant 0.000000e+00 : f32
      %broadcast_in_dim3A_236 = vector.broadcast %jit3A_235 : f32 to vector<16xf32>
      %select_n3A_237 = arith.select %eq3A_234, %add3A_199, %broadcast_in_dim3A_236 : vector<16xi1>, vector<16xf32>
      %reduce_sum3A_238 = arith.constant true
      %reduce_sum3A_239 = vector.broadcast %reduce_sum3A_238 : i1 to vector<16xi1>
      %reduce_sum3A_240 = tpu.scan <sum>, %select_n3A_237 masked %reduce_sum3A_239 : vector<16xf32>, vector<16xi1> -> vector<16xf32>
      %reduce_sum3A_241 = vector.extract %reduce_sum3A_240[15] : f32 from vector<16xf32>
      %convert_element_type3A_242 = arith.sitofp %reduce_sum3A_231 : i32 to f32
      %mul3A_243 = arith.constant 0.949999988 : f32
      %mul3A_244 = arith.mulf %mul3A_243, %convert_element_type3A_242 : f32
      %mul3A_245 = arith.constant 1.050000e+00 : f32
      %mul3A_246 = arith.mulf %mul3A_245, %convert_element_type3A_242 : f32
      %lt3A_247 = arith.cmpf olt, %reduce_sum3A_241, %mul3A_244 : f32
      %select_n3A_248 = arith.select %lt3A_247, %mul3A_244, %mul3A_246 : f32
      %eq3A_249 = vector.broadcast %arg1 : i32 to vector<16xi32>
      %eq3A_250 = arith.cmpi eq, %iota3A, %eq3A_249 : vector<16xi32>
      %not3A_251 = arith.constant dense<true> : vector<16xi1>
      %not3A_252 = arith.xori %and3A, %not3A_251 : vector<16xi1>
      %convert_element_type3A_253 = arith.extui %not3A_252 : vector<16xi1> to vector<16xi32>
      %jit3A_254 = arith.constant 0 : i32
      %broadcast_in_dim3A_255 = vector.broadcast %jit3A_254 : i32 to vector<16xi32>
      %select_n3A_256 = arith.select %eq3A_250, %convert_element_type3A_253, %broadcast_in_dim3A_255 : vector<16xi1>, vector<16xi32>
      %reduce_sum3A_257 = arith.constant true
      %reduce_sum3A_258 = vector.broadcast %reduce_sum3A_257 : i1 to vector<16xi1>
      %reduce_sum3A_259 = tpu.scan <sum>, %select_n3A_256 masked %reduce_sum3A_258 : vector<16xi32>, vector<16xi1> -> vector<16xi32>
      %reduce_sum3A_260 = vector.extract %reduce_sum3A_259[15] : i32 from vector<16xi32>
      %gt3A = arith.constant 0 : i32
      %gt3A_261 = arith.cmpi sgt, %reduce_sum3A_260, %gt3A : i32
      %swap3A_262 = arith.constant 0 : index
      %swap3A_263 = tpu.vector_load %arg19[%swap3A_262] {strides = array<i32>} : memref<16xf32, #tpu.memory_space<vmem>>, vector<16xf32>,
      tpu.vector_store %arg19[%swap3A_262], %broadcast_in_dim3A_0 {strides = array<i32>} : memref<16xf32, #tpu.memory_space<vmem>>, vector<16xf32>,
      %convert_element_type3A_264 = arith.extui %gt3A_261 : i1 to i32
      %cond3A_265 = arith.constant 0 : i32
      %cond3A_266 = arith.cmpi ne, %convert_element_type3A_264, %cond3A_265 : i32
      scf.if %cond3A_266 {
        %jit3A_404 = arith.constant 2048 : i32
        %div3A = arith.divsi %reduce_sum3A_223, %jit3A_404 : i32
        %sign3A = arith.constant 0 : i32
        %sign3A_405 = arith.cmpi sgt, %reduce_sum3A_223, %sign3A : i32
        %sign3A_406 = arith.extui %sign3A_405 : i1 to i32
        %sign3A_407 = arith.constant 0 : i32
        %sign3A_408 = arith.cmpi slt, %reduce_sum3A_223, %sign3A_407 : i32
        %sign3A_409 = arith.extui %sign3A_408 : i1 to i32
        %sign3A_410 = arith.subi %sign3A_406, %sign3A_409 : i32
        %sign3A_411 = arith.constant 0 : i32
        %sign3A_412 = arith.cmpi sgt, %jit3A_404, %sign3A_411 : i32
        %sign3A_413 = arith.extui %sign3A_412 : i1 to i32
        %sign3A_414 = arith.constant 0 : i32
        %sign3A_415 = arith.cmpi slt, %jit3A_404, %sign3A_414 : i32
        %sign3A_416 = arith.extui %sign3A_415 : i1 to i32
        %sign3A_417 = arith.subi %sign3A_413, %sign3A_416 : i32
        %ne3A = arith.cmpi ne, %sign3A_410, %sign3A_417 : i32
        %rem3A = arith.remsi %reduce_sum3A_223, %jit3A_404 : i32
        %ne3A_418 = arith.constant 0 : i32
        %ne3A_419 = arith.cmpi ne, %rem3A, %ne3A_418 : i32
        %and3A_420 = arith.andi %ne3A, %ne3A_419 : i1
        %sub3A = arith.constant 1 : i32
        %sub3A_421 = arith.subi %div3A, %sub3A : i32
        %select_n3A_422 = arith.select %and3A_420, %sub3A_421, %div3A : i32
        %mul3A_423 = arith.constant 2048 : i32
        %mul3A_424 = arith.muli %select_n3A_422, %mul3A_423 : i32
        %add3A_425 = arith.constant 2048 : i32
        %add3A_426 = arith.addi %add3A_232, %add3A_425 : i32
        %sub3A_427 = arith.constant 1 : i32
        %sub3A_428 = arith.subi %add3A_426, %sub3A_427 : i32
        %jit3A_429 = arith.constant 2048 : i32
        %div3A_430 = arith.divsi %sub3A_428, %jit3A_429 : i32
        %sign3A_431 = arith.constant 0 : i32
        %sign3A_432 = arith.cmpi sgt, %sub3A_428, %sign3A_431 : i32
        %sign3A_433 = arith.extui %sign3A_432 : i1 to i32
        %sign3A_434 = arith.constant 0 : i32
        %sign3A_435 = arith.cmpi slt, %sub3A_428, %sign3A_434 : i32
        %sign3A_436 = arith.extui %sign3A_435 : i1 to i32
        %sign3A_437 = arith.subi %sign3A_433, %sign3A_436 : i32
        %sign3A_438 = arith.constant 0 : i32
        %sign3A_439 = arith.cmpi sgt, %jit3A_429, %sign3A_438 : i32
        %sign3A_440 = arith.extui %sign3A_439 : i1 to i32
        %sign3A_441 = arith.constant 0 : i32
        %sign3A_442 = arith.cmpi slt, %jit3A_429, %sign3A_441 : i32
        %sign3A_443 = arith.extui %sign3A_442 : i1 to i32
        %sign3A_444 = arith.subi %sign3A_440, %sign3A_443 : i32
        %ne3A_445 = arith.cmpi ne, %sign3A_437, %sign3A_444 : i32
        %rem3A_446 = arith.remsi %sub3A_428, %jit3A_429 : i32
        %ne3A_447 = arith.constant 0 : i32
        %ne3A_448 = arith.cmpi ne, %rem3A_446, %ne3A_447 : i32
        %and3A_449 = arith.andi %ne3A_445, %ne3A_448 : i1
        %sub3A_450 = arith.constant 1 : i32
        %sub3A_451 = arith.subi %div3A_430, %sub3A_450 : i32
        %select_n3A_452 = arith.select %and3A_449, %sub3A_451, %div3A_430 : i32
        %mul3A_453 = arith.constant 2048 : i32
        %mul3A_454 = arith.muli %select_n3A_452, %mul3A_453 : i32
        %sub3A_455 = arith.subi %mul3A_454, %mul3A_424 : i32
        %jit3A_456 = arith.constant 2048 : i32
        %div3A_457 = arith.divsi %sub3A_455, %jit3A_456 : i32
        %sign3A_458 = arith.constant 0 : i32
        %sign3A_459 = arith.cmpi sgt, %sub3A_455, %sign3A_458 : i32
        %sign3A_460 = arith.extui %sign3A_459 : i1 to i32
        %sign3A_461 = arith.constant 0 : i32
        %sign3A_462 = arith.cmpi slt, %sub3A_455, %sign3A_461 : i32
        %sign3A_463 = arith.extui %sign3A_462 : i1 to i32
        %sign3A_464 = arith.subi %sign3A_460, %sign3A_463 : i32
        %sign3A_465 = arith.constant 0 : i32
        %sign3A_466 = arith.cmpi sgt, %jit3A_456, %sign3A_465 : i32
        %sign3A_467 = arith.extui %sign3A_466 : i1 to i32
        %sign3A_468 = arith.constant 0 : i32
        %sign3A_469 = arith.cmpi slt, %jit3A_456, %sign3A_468 : i32
        %sign3A_470 = arith.extui %sign3A_469 : i1 to i32
        %sign3A_471 = arith.subi %sign3A_467, %sign3A_470 : i32
        %ne3A_472 = arith.cmpi ne, %sign3A_464, %sign3A_471 : i32
        %rem3A_473 = arith.remsi %sub3A_455, %jit3A_456 : i32
        %ne3A_474 = arith.constant 0 : i32
        %ne3A_475 = arith.cmpi ne, %rem3A_473, %ne3A_474 : i32
        %and3A_476 = arith.andi %ne3A_472, %ne3A_475 : i1
        %sub3A_477 = arith.constant 1 : i32
        %sub3A_478 = arith.subi %div3A_457, %sub3A_477 : i32
        %select_n3A_479 = arith.select %and3A_476, %sub3A_478, %div3A_457 : i32
        %broadcast_in_dim3A_480 = arith.constant 1.000000e+30 : f32
        %broadcast_in_dim3A_481 = vector.broadcast %broadcast_in_dim3A_480 : f32 to vector<16xf32>
        %broadcast_in_dim3A_482 = arith.constant -1.000000e+30 : f32
        %broadcast_in_dim3A_483 = vector.broadcast %broadcast_in_dim3A_482 : f32 to vector<16xf32>
        %while3A = arith.constant 0 : i32
        %while3A_484 = arith.subi %select_n3A_479, %while3A : i32
        %while3A_485 = arith.addi %while3A, %while3A_484 : i32
        %while3A_486 = arith.constant 1 : i32
        %while3A_487 = arith.divsi %while3A_484, %while3A_486 : i32
        %while3A_488 = arith.muli %while3A_487, %while3A_486 : i32
        %while3A_489 = arith.addi %while3A, %while3A_488 : i32
        %while3A_490 = arith.constant 1 : i32
        %while3A_491:2 = scf.for %while3A_604 = %while3A to %while3A_489 step %while3A_490 iter_args(%while3A_605 = %broadcast_in_dim3A_481, %while3A_606 = %broadcast_in_dim3A_483) -> (vector<16xf32>, vector<16xf32>)  : i32 {
          %mul3A_607 = arith.constant 2048 : i32
          %mul3A_608 = arith.muli %while3A_604, %mul3A_607 : i32
          %add3A_609 = arith.addi %mul3A_424, %mul3A_608 : i32
          "tpu.region"() ({
            %run_scoped3A = tpu.sem_alloc : memref<!tpu.dma_semaphore, #tpu.memory_space<semaphore_mem>>
            %dma_start3A_616 = tpu.memref_slice %arg2[%add3A_609] : memref<32768xf32, #tpu.memory_space<hbm>> -> memref<2048xf32, #tpu.memory_space<hbm>>
            %dma_start3A_617 = tpu.memref_slice %arg2[%add3A_609] : memref<32768xf32, #tpu.memory_space<hbm>> -> memref<2048xf32, #tpu.memory_space<hbm>>
            tpu.enqueue_dma source(%dma_start3A_617 : memref<2048xf32, #tpu.memory_space<hbm>>) target(%arg13 : memref<2048xf32, #tpu.memory_space<vmem>>) target_semaphore(%run_scoped3A : memref<!tpu.dma_semaphore, #tpu.memory_space<semaphore_mem>>)
            %dma_wait3A_618 = tpu.memref_slice %arg2[%add3A_609] : memref<32768xf32, #tpu.memory_space<hbm>> -> memref<2048xf32, #tpu.memory_space<hbm>>
            %dma_wait3A_619 = tpu.memref_slice %arg2[%add3A_609] : memref<32768xf32, #tpu.memory_space<hbm>> -> memref<2048xf32, #tpu.memory_space<hbm>>
            tpu.wait_dma2 semaphore(%run_scoped3A : memref<!tpu.dma_semaphore, #tpu.memory_space<semaphore_mem>>) src(%dma_wait3A_619 : memref<2048xf32, #tpu.memory_space<hbm>>) dst(%arg13 : memref<2048xf32, #tpu.memory_space<vmem>>)
            tpu.yield
          }) : () -> ()
          "tpu.region"() ({
            %run_scoped3A = tpu.sem_alloc : memref<!tpu.dma_semaphore, #tpu.memory_space<semaphore_mem>>
            %dma_start3A_616 = tpu.memref_slice %arg3[%add3A_609] : memref<32768xf32, #tpu.memory_space<hbm>> -> memref<2048xf32, #tpu.memory_space<hbm>>
            %dma_start3A_617 = tpu.memref_slice %arg3[%add3A_609] : memref<32768xf32, #tpu.memory_space<hbm>> -> memref<2048xf32, #tpu.memory_space<hbm>>
            tpu.enqueue_dma source(%dma_start3A_617 : memref<2048xf32, #tpu.memory_space<hbm>>) target(%arg14 : memref<2048xf32, #tpu.memory_space<vmem>>) target_semaphore(%run_scoped3A : memref<!tpu.dma_semaphore, #tpu.memory_space<semaphore_mem>>)
            %dma_wait3A_618 = tpu.memref_slice %arg3[%add3A_609] : memref<32768xf32, #tpu.memory_space<hbm>> -> memref<2048xf32, #tpu.memory_space<hbm>>
            %dma_wait3A_619 = tpu.memref_slice %arg3[%add3A_609] : memref<32768xf32, #tpu.memory_space<hbm>> -> memref<2048xf32, #tpu.memory_space<hbm>>
            tpu.wait_dma2 semaphore(%run_scoped3A : memref<!tpu.dma_semaphore, #tpu.memory_space<semaphore_mem>>) src(%dma_wait3A_619 : memref<2048xf32, #tpu.memory_space<hbm>>) dst(%arg14 : memref<2048xf32, #tpu.memory_space<vmem>>)
            tpu.yield
          }) : () -> ()
          %scan3A_610 = arith.constant 0 : i32
          %scan3A_611 = arith.constant 16 : i32
          %scan3A_612 = arith.addi %scan3A_610, %scan3A_611 : i32
          %scan3A_613 = arith.constant 1 : i32
          %scan3A_614:2 = scf.for %scan3A_616 = %scan3A_610 to %scan3A_612 step %scan3A_613 iter_args(%scan3A_617 = %while3A_605, %scan3A_618 = %while3A_606) -> (vector<16xf32>, vector<16xf32>)  : i32 {
            %mul3A_619 = arith.constant 8 : i32
            %mul3A_620 = arith.muli %mul3A_619, %scan3A_616 : i32
            %add3A_621 = arith.constant 0 : i32
            %add3A_622 = arith.addi %mul3A_620, %add3A_621 : i32
            %mul3A_623 = arith.constant 16 : i32
            %mul3A_624 = arith.muli %add3A_622, %mul3A_623 : i32
            %get3A_625 = arith.index_cast %mul3A_624 : i32 to index
            %get3A_626 = tpu.vector_load %arg13[%get3A_625] {strides = array<i32>} : memref<2048xf32, #tpu.memory_space<vmem>>, vector<16xf32>,
            %get3A_627 = arith.index_cast %mul3A_624 : i32 to index
            %get3A_628 = tpu.vector_load %arg14[%get3A_627] {strides = array<i32>} : memref<2048xf32, #tpu.memory_space<vmem>>, vector<16xf32>,
            %max3A = arith.constant 9.99999971E-10 : f32
            %max3A_629 = vector.broadcast %max3A : f32 to vector<16xf32>
            %max3A_630 = arith.maximumf %get3A_628, %max3A_629 : vector<16xf32>
            %div3A_631 = arith.divf %get3A_626, %max3A_630 : vector<16xf32>
            %add3A_632 = arith.addi %add3A_609, %mul3A_624 : i32
            %sub3A_633 = arith.subi %reduce_sum3A_223, %add3A_632 : i32
            %ge3A_634 = vector.broadcast %sub3A_633 : i32 to vector<16xi32>
            %ge3A_635 = arith.cmpi sge, %iota3A, %ge3A_634 : vector<16xi32>
            %sub3A_636 = arith.subi %add3A_232, %add3A_632 : i32
            %lt3A_637 = vector.broadcast %sub3A_636 : i32 to vector<16xi32>
            %lt3A_638 = arith.cmpi slt, %iota3A, %lt3A_637 : vector<16xi32>
            %and3A_639 = arith.andi %ge3A_635, %lt3A_638 : vector<16xi1>
            %jit3A_640 = arith.constant 1.000000e+30 : f32
            %broadcast_in_dim3A_641 = vector.broadcast %jit3A_640 : f32 to vector<16xf32>
            %select_n3A_642 = arith.select %and3A_639, %div3A_631, %broadcast_in_dim3A_641 : vector<16xi1>, vector<16xf32>
            %swap3A_643 = arith.index_cast %add3A_632 : i32 to index
            %swap3A_644 = tpu.vector_load %arg12[%swap3A_643] {strides = array<i32>} : memref<32768xf32, #tpu.memory_space<vmem>>, vector<16xf32>,
            tpu.vector_store %arg12[%swap3A_643], %select_n3A_642 {strides = array<i32>} : memref<32768xf32, #tpu.memory_space<vmem>>, vector<16xf32>,
            %min3A = arith.minimumf %scan3A_617, %select_n3A_642 : vector<16xf32>
            %jit3A_645 = arith.constant -1.000000e+30 : f32
            %broadcast_in_dim3A_646 = vector.broadcast %jit3A_645 : f32 to vector<16xf32>
            %select_n3A_647 = arith.select %and3A_639, %div3A_631, %broadcast_in_dim3A_646 : vector<16xi1>, vector<16xf32>
            %max3A_648 = arith.maximumf %scan3A_618, %select_n3A_647 : vector<16xf32>
            %mul3A_649 = arith.constant 8 : i32
            %mul3A_650 = arith.muli %mul3A_649, %scan3A_616 : i32
            %add3A_651 = arith.constant 1 : i32
            %add3A_652 = arith.addi %mul3A_650, %add3A_651 : i32
            %mul3A_653 = arith.constant 16 : i32
            %mul3A_654 = arith.muli %add3A_652, %mul3A_653 : i32
            %get3A_655 = arith.index_cast %mul3A_654 : i32 to index
            %get3A_656 = tpu.vector_load %arg13[%get3A_655] {strides = array<i32>} : memref<2048xf32, #tpu.memory_space<vmem>>, vector<16xf32>,
            %get3A_657 = arith.index_cast %mul3A_654 : i32 to index
            %get3A_658 = tpu.vector_load %arg14[%get3A_657] {strides = array<i32>} : memref<2048xf32, #tpu.memory_space<vmem>>, vector<16xf32>,
            %max3A_659 = arith.constant 9.99999971E-10 : f32
            %max3A_660 = vector.broadcast %max3A_659 : f32 to vector<16xf32>
            %max3A_661 = arith.maximumf %get3A_658, %max3A_660 : vector<16xf32>
            %div3A_662 = arith.divf %get3A_656, %max3A_661 : vector<16xf32>
            %add3A_663 = arith.addi %add3A_609, %mul3A_654 : i32
            %sub3A_664 = arith.subi %reduce_sum3A_223, %add3A_663 : i32
            %ge3A_665 = vector.broadcast %sub3A_664 : i32 to vector<16xi32>
            %ge3A_666 = arith.cmpi sge, %iota3A, %ge3A_665 : vector<16xi32>
            %sub3A_667 = arith.subi %add3A_232, %add3A_663 : i32
            %lt3A_668 = vector.broadcast %sub3A_667 : i32 to vector<16xi32>
            %lt3A_669 = arith.cmpi slt, %iota3A, %lt3A_668 : vector<16xi32>
            %and3A_670 = arith.andi %ge3A_666, %lt3A_669 : vector<16xi1>
            %jit3A_671 = arith.constant 1.000000e+30 : f32
            %broadcast_in_dim3A_672 = vector.broadcast %jit3A_671 : f32 to vector<16xf32>
            %select_n3A_673 = arith.select %and3A_670, %div3A_662, %broadcast_in_dim3A_672 : vector<16xi1>, vector<16xf32>
            %swap3A_674 = arith.index_cast %add3A_663 : i32 to index
            %swap3A_675 = tpu.vector_load %arg12[%swap3A_674] {strides = array<i32>} : memref<32768xf32, #tpu.memory_space<vmem>>, vector<16xf32>,
            tpu.vector_store %arg12[%swap3A_674], %select_n3A_673 {strides = array<i32>} : memref<32768xf32, #tpu.memory_space<vmem>>, vector<16xf32>,
            %min3A_676 = arith.minimumf %min3A, %select_n3A_673 : vector<16xf32>
            %jit3A_677 = arith.constant -1.000000e+30 : f32
            %broadcast_in_dim3A_678 = vector.broadcast %jit3A_677 : f32 to vector<16xf32>
            %select_n3A_679 = arith.select %and3A_670, %div3A_662, %broadcast_in_dim3A_678 : vector<16xi1>, vector<16xf32>
            %max3A_680 = arith.maximumf %max3A_648, %select_n3A_679 : vector<16xf32>
            %mul3A_681 = arith.constant 8 : i32
            %mul3A_682 = arith.muli %mul3A_681, %scan3A_616 : i32
            %add3A_683 = arith.constant 2 : i32
            %add3A_684 = arith.addi %mul3A_682, %add3A_683 : i32
            %mul3A_685 = arith.constant 16 : i32
            %mul3A_686 = arith.muli %add3A_684, %mul3A_685 : i32
            %get3A_687 = arith.index_cast %mul3A_686 : i32 to index
            %get3A_688 = tpu.vector_load %arg13[%get3A_687] {strides = array<i32>} : memref<2048xf32, #tpu.memory_space<vmem>>, vector<16xf32>,
            %get3A_689 = arith.index_cast %mul3A_686 : i32 to index
            %get3A_690 = tpu.vector_load %arg14[%get3A_689] {strides = array<i32>} : memref<2048xf32, #tpu.memory_space<vmem>>, vector<16xf32>,
            %max3A_691 = arith.constant 9.99999971E-10 : f32
            %max3A_692 = vector.broadcast %max3A_691 : f32 to vector<16xf32>
            %max3A_693 = arith.maximumf %get3A_690, %max3A_692 : vector<16xf32>
            %div3A_694 = arith.divf %get3A_688, %max3A_693 : vector<16xf32>
            %add3A_695 = arith.addi %add3A_609, %mul3A_686 : i32
            %sub3A_696 = arith.subi %reduce_sum3A_223, %add3A_695 : i32
            %ge3A_697 = vector.broadcast %sub3A_696 : i32 to vector<16xi32>
            %ge3A_698 = arith.cmpi sge, %iota3A, %ge3A_697 : vector<16xi32>
            %sub3A_699 = arith.subi %add3A_232, %add3A_695 : i32
            %lt3A_700 = vector.broadcast %sub3A_699 : i32 to vector<16xi32>
            %lt3A_701 = arith.cmpi slt, %iota3A, %lt3A_700 : vector<16xi32>
            %and3A_702 = arith.andi %ge3A_698, %lt3A_701 : vector<16xi1>
            %jit3A_703 = arith.constant 1.000000e+30 : f32
            %broadcast_in_dim3A_704 = vector.broadcast %jit3A_703 : f32 to vector<16xf32>
            %select_n3A_705 = arith.select %and3A_702, %div3A_694, %broadcast_in_dim3A_704 : vector<16xi1>, vector<16xf32>
            %swap3A_706 = arith.index_cast %add3A_695 : i32 to index
            %swap3A_707 = tpu.vector_load %arg12[%swap3A_706] {strides = array<i32>} : memref<32768xf32, #tpu.memory_space<vmem>>, vector<16xf32>,
            tpu.vector_store %arg12[%swap3A_706], %select_n3A_705 {strides = array<i32>} : memref<32768xf32, #tpu.memory_space<vmem>>, vector<16xf32>,
            %min3A_708 = arith.minimumf %min3A_676, %select_n3A_705 : vector<16xf32>
            %jit3A_709 = arith.constant -1.000000e+30 : f32
            %broadcast_in_dim3A_710 = vector.broadcast %jit3A_709 : f32 to vector<16xf32>
            %select_n3A_711 = arith.select %and3A_702, %div3A_694, %broadcast_in_dim3A_710 : vector<16xi1>, vector<16xf32>
            %max3A_712 = arith.maximumf %max3A_680, %select_n3A_711 : vector<16xf32>
            %mul3A_713 = arith.constant 8 : i32
            %mul3A_714 = arith.muli %mul3A_713, %scan3A_616 : i32
            %add3A_715 = arith.constant 3 : i32
            %add3A_716 = arith.addi %mul3A_714, %add3A_715 : i32
            %mul3A_717 = arith.constant 16 : i32
            %mul3A_718 = arith.muli %add3A_716, %mul3A_717 : i32
            %get3A_719 = arith.index_cast %mul3A_718 : i32 to index
            %get3A_720 = tpu.vector_load %arg13[%get3A_719] {strides = array<i32>} : memref<2048xf32, #tpu.memory_space<vmem>>, vector<16xf32>,
            %get3A_721 = arith.index_cast %mul3A_718 : i32 to index
            %get3A_722 = tpu.vector_load %arg14[%get3A_721] {strides = array<i32>} : memref<2048xf32, #tpu.memory_space<vmem>>, vector<16xf32>,
            %max3A_723 = arith.constant 9.99999971E-10 : f32
            %max3A_724 = vector.broadcast %max3A_723 : f32 to vector<16xf32>
            %max3A_725 = arith.maximumf %get3A_722, %max3A_724 : vector<16xf32>
            %div3A_726 = arith.divf %get3A_720, %max3A_725 : vector<16xf32>
            %add3A_727 = arith.addi %add3A_609, %mul3A_718 : i32
            %sub3A_728 = arith.subi %reduce_sum3A_223, %add3A_727 : i32
            %ge3A_729 = vector.broadcast %sub3A_728 : i32 to vector<16xi32>
            %ge3A_730 = arith.cmpi sge, %iota3A, %ge3A_729 : vector<16xi32>
            %sub3A_731 = arith.subi %add3A_232, %add3A_727 : i32
            %lt3A_732 = vector.broadcast %sub3A_731 : i32 to vector<16xi32>
            %lt3A_733 = arith.cmpi slt, %iota3A, %lt3A_732 : vector<16xi32>
            %and3A_734 = arith.andi %ge3A_730, %lt3A_733 : vector<16xi1>
            %jit3A_735 = arith.constant 1.000000e+30 : f32
            %broadcast_in_dim3A_736 = vector.broadcast %jit3A_735 : f32 to vector<16xf32>
            %select_n3A_737 = arith.select %and3A_734, %div3A_726, %broadcast_in_dim3A_736 : vector<16xi1>, vector<16xf32>
            %swap3A_738 = arith.index_cast %add3A_727 : i32 to index
            %swap3A_739 = tpu.vector_load %arg12[%swap3A_738] {strides = array<i32>} : memref<32768xf32, #tpu.memory_space<vmem>>, vector<16xf32>,
            tpu.vector_store %arg12[%swap3A_738], %select_n3A_737 {strides = array<i32>} : memref<32768xf32, #tpu.memory_space<vmem>>, vector<16xf32>,
            %min3A_740 = arith.minimumf %min3A_708, %select_n3A_737 : vector<16xf32>
            %jit3A_741 = arith.constant -1.000000e+30 : f32
            %broadcast_in_dim3A_742 = vector.broadcast %jit3A_741 : f32 to vector<16xf32>
            %select_n3A_743 = arith.select %and3A_734, %div3A_726, %broadcast_in_dim3A_742 : vector<16xi1>, vector<16xf32>
            %max3A_744 = arith.maximumf %max3A_712, %select_n3A_743 : vector<16xf32>
            %mul3A_745 = arith.constant 8 : i32
            %mul3A_746 = arith.muli %mul3A_745, %scan3A_616 : i32
            %add3A_747 = arith.constant 4 : i32
            %add3A_748 = arith.addi %mul3A_746, %add3A_747 : i32
            %mul3A_749 = arith.constant 16 : i32
            %mul3A_750 = arith.muli %add3A_748, %mul3A_749 : i32
            %get3A_751 = arith.index_cast %mul3A_750 : i32 to index
            %get3A_752 = tpu.vector_load %arg13[%get3A_751] {strides = array<i32>} : memref<2048xf32, #tpu.memory_space<vmem>>, vector<16xf32>,
            %get3A_753 = arith.index_cast %mul3A_750 : i32 to index
            %get3A_754 = tpu.vector_load %arg14[%get3A_753] {strides = array<i32>} : memref<2048xf32, #tpu.memory_space<vmem>>, vector<16xf32>,
            %max3A_755 = arith.constant 9.99999971E-10 : f32
            %max3A_756 = vector.broadcast %max3A_755 : f32 to vector<16xf32>
            %max3A_757 = arith.maximumf %get3A_754, %max3A_756 : vector<16xf32>
            %div3A_758 = arith.divf %get3A_752, %max3A_757 : vector<16xf32>
            %add3A_759 = arith.addi %add3A_609, %mul3A_750 : i32
            %sub3A_760 = arith.subi %reduce_sum3A_223, %add3A_759 : i32
            %ge3A_761 = vector.broadcast %sub3A_760 : i32 to vector<16xi32>
            %ge3A_762 = arith.cmpi sge, %iota3A, %ge3A_761 : vector<16xi32>
            %sub3A_763 = arith.subi %add3A_232, %add3A_759 : i32
            %lt3A_764 = vector.broadcast %sub3A_763 : i32 to vector<16xi32>
            %lt3A_765 = arith.cmpi slt, %iota3A, %lt3A_764 : vector<16xi32>
            %and3A_766 = arith.andi %ge3A_762, %lt3A_765 : vector<16xi1>
            %jit3A_767 = arith.constant 1.000000e+30 : f32
            %broadcast_in_dim3A_768 = vector.broadcast %jit3A_767 : f32 to vector<16xf32>
            %select_n3A_769 = arith.select %and3A_766, %div3A_758, %broadcast_in_dim3A_768 : vector<16xi1>, vector<16xf32>
            %swap3A_770 = arith.index_cast %add3A_759 : i32 to index
            %swap3A_771 = tpu.vector_load %arg12[%swap3A_770] {strides = array<i32>} : memref<32768xf32, #tpu.memory_space<vmem>>, vector<16xf32>,
            tpu.vector_store %arg12[%swap3A_770], %select_n3A_769 {strides = array<i32>} : memref<32768xf32, #tpu.memory_space<vmem>>, vector<16xf32>,
            %min3A_772 = arith.minimumf %min3A_740, %select_n3A_769 : vector<16xf32>
            %jit3A_773 = arith.constant -1.000000e+30 : f32
            %broadcast_in_dim3A_774 = vector.broadcast %jit3A_773 : f32 to vector<16xf32>
            %select_n3A_775 = arith.select %and3A_766, %div3A_758, %broadcast_in_dim3A_774 : vector<16xi1>, vector<16xf32>
            %max3A_776 = arith.maximumf %max3A_744, %select_n3A_775 : vector<16xf32>
            %mul3A_777 = arith.constant 8 : i32
            %mul3A_778 = arith.muli %mul3A_777, %scan3A_616 : i32
            %add3A_779 = arith.constant 5 : i32
            %add3A_780 = arith.addi %mul3A_778, %add3A_779 : i32
            %mul3A_781 = arith.constant 16 : i32
            %mul3A_782 = arith.muli %add3A_780, %mul3A_781 : i32
            %get3A_783 = arith.index_cast %mul3A_782 : i32 to index
            %get3A_784 = tpu.vector_load %arg13[%get3A_783] {strides = array<i32>} : memref<2048xf32, #tpu.memory_space<vmem>>, vector<16xf32>,
            %get3A_785 = arith.index_cast %mul3A_782 : i32 to index
            %get3A_786 = tpu.vector_load %arg14[%get3A_785] {strides = array<i32>} : memref<2048xf32, #tpu.memory_space<vmem>>, vector<16xf32>,
            %max3A_787 = arith.constant 9.99999971E-10 : f32
            %max3A_788 = vector.broadcast %max3A_787 : f32 to vector<16xf32>
            %max3A_789 = arith.maximumf %get3A_786, %max3A_788 : vector<16xf32>
            %div3A_790 = arith.divf %get3A_784, %max3A_789 : vector<16xf32>
            %add3A_791 = arith.addi %add3A_609, %mul3A_782 : i32
            %sub3A_792 = arith.subi %reduce_sum3A_223, %add3A_791 : i32
            %ge3A_793 = vector.broadcast %sub3A_792 : i32 to vector<16xi32>
            %ge3A_794 = arith.cmpi sge, %iota3A, %ge3A_793 : vector<16xi32>
            %sub3A_795 = arith.subi %add3A_232, %add3A_791 : i32
            %lt3A_796 = vector.broadcast %sub3A_795 : i32 to vector<16xi32>
            %lt3A_797 = arith.cmpi slt, %iota3A, %lt3A_796 : vector<16xi32>
            %and3A_798 = arith.andi %ge3A_794, %lt3A_797 : vector<16xi1>
            %jit3A_799 = arith.constant 1.000000e+30 : f32
            %broadcast_in_dim3A_800 = vector.broadcast %jit3A_799 : f32 to vector<16xf32>
            %select_n3A_801 = arith.select %and3A_798, %div3A_790, %broadcast_in_dim3A_800 : vector<16xi1>, vector<16xf32>
            %swap3A_802 = arith.index_cast %add3A_791 : i32 to index
            %swap3A_803 = tpu.vector_load %arg12[%swap3A_802] {strides = array<i32>} : memref<32768xf32, #tpu.memory_space<vmem>>, vector<16xf32>,
            tpu.vector_store %arg12[%swap3A_802], %select_n3A_801 {strides = array<i32>} : memref<32768xf32, #tpu.memory_space<vmem>>, vector<16xf32>,
            %min3A_804 = arith.minimumf %min3A_772, %select_n3A_801 : vector<16xf32>
            %jit3A_805 = arith.constant -1.000000e+30 : f32
            %broadcast_in_dim3A_806 = vector.broadcast %jit3A_805 : f32 to vector<16xf32>
            %select_n3A_807 = arith.select %and3A_798, %div3A_790, %broadcast_in_dim3A_806 : vector<16xi1>, vector<16xf32>
            %max3A_808 = arith.maximumf %max3A_776, %select_n3A_807 : vector<16xf32>
            %mul3A_809 = arith.constant 8 : i32
            %mul3A_810 = arith.muli %mul3A_809, %scan3A_616 : i32
            %add3A_811 = arith.constant 6 : i32
            %add3A_812 = arith.addi %mul3A_810, %add3A_811 : i32
            %mul3A_813 = arith.constant 16 : i32
            %mul3A_814 = arith.muli %add3A_812, %mul3A_813 : i32
            %get3A_815 = arith.index_cast %mul3A_814 : i32 to index
            %get3A_816 = tpu.vector_load %arg13[%get3A_815] {strides = array<i32>} : memref<2048xf32, #tpu.memory_space<vmem>>, vector<16xf32>,
            %get3A_817 = arith.index_cast %mul3A_814 : i32 to index
            %get3A_818 = tpu.vector_load %arg14[%get3A_817] {strides = array<i32>} : memref<2048xf32, #tpu.memory_space<vmem>>, vector<16xf32>,
            %max3A_819 = arith.constant 9.99999971E-10 : f32
            %max3A_820 = vector.broadcast %max3A_819 : f32 to vector<16xf32>
            %max3A_821 = arith.maximumf %get3A_818, %max3A_820 : vector<16xf32>
            %div3A_822 = arith.divf %get3A_816, %max3A_821 : vector<16xf32>
            %add3A_823 = arith.addi %add3A_609, %mul3A_814 : i32
            %sub3A_824 = arith.subi %reduce_sum3A_223, %add3A_823 : i32
            %ge3A_825 = vector.broadcast %sub3A_824 : i32 to vector<16xi32>
            %ge3A_826 = arith.cmpi sge, %iota3A, %ge3A_825 : vector<16xi32>
            %sub3A_827 = arith.subi %add3A_232, %add3A_823 : i32
            %lt3A_828 = vector.broadcast %sub3A_827 : i32 to vector<16xi32>
            %lt3A_829 = arith.cmpi slt, %iota3A, %lt3A_828 : vector<16xi32>
            %and3A_830 = arith.andi %ge3A_826, %lt3A_829 : vector<16xi1>
            %jit3A_831 = arith.constant 1.000000e+30 : f32
            %broadcast_in_dim3A_832 = vector.broadcast %jit3A_831 : f32 to vector<16xf32>
            %select_n3A_833 = arith.select %and3A_830, %div3A_822, %broadcast_in_dim3A_832 : vector<16xi1>, vector<16xf32>
            %swap3A_834 = arith.index_cast %add3A_823 : i32 to index
            %swap3A_835 = tpu.vector_load %arg12[%swap3A_834] {strides = array<i32>} : memref<32768xf32, #tpu.memory_space<vmem>>, vector<16xf32>,
            tpu.vector_store %arg12[%swap3A_834], %select_n3A_833 {strides = array<i32>} : memref<32768xf32, #tpu.memory_space<vmem>>, vector<16xf32>,
            %min3A_836 = arith.minimumf %min3A_804, %select_n3A_833 : vector<16xf32>
            %jit3A_837 = arith.constant -1.000000e+30 : f32
            %broadcast_in_dim3A_838 = vector.broadcast %jit3A_837 : f32 to vector<16xf32>
            %select_n3A_839 = arith.select %and3A_830, %div3A_822, %broadcast_in_dim3A_838 : vector<16xi1>, vector<16xf32>
            %max3A_840 = arith.maximumf %max3A_808, %select_n3A_839 : vector<16xf32>
            %mul3A_841 = arith.constant 8 : i32
            %mul3A_842 = arith.muli %mul3A_841, %scan3A_616 : i32
            %add3A_843 = arith.constant 7 : i32
            %add3A_844 = arith.addi %mul3A_842, %add3A_843 : i32
            %mul3A_845 = arith.constant 16 : i32
            %mul3A_846 = arith.muli %add3A_844, %mul3A_845 : i32
            %get3A_847 = arith.index_cast %mul3A_846 : i32 to index
            %get3A_848 = tpu.vector_load %arg13[%get3A_847] {strides = array<i32>} : memref<2048xf32, #tpu.memory_space<vmem>>, vector<16xf32>,
            %get3A_849 = arith.index_cast %mul3A_846 : i32 to index
            %get3A_850 = tpu.vector_load %arg14[%get3A_849] {strides = array<i32>} : memref<2048xf32, #tpu.memory_space<vmem>>, vector<16xf32>,
            %max3A_851 = arith.constant 9.99999971E-10 : f32
            %max3A_852 = vector.broadcast %max3A_851 : f32 to vector<16xf32>
            %max3A_853 = arith.maximumf %get3A_850, %max3A_852 : vector<16xf32>
            %div3A_854 = arith.divf %get3A_848, %max3A_853 : vector<16xf32>
            %add3A_855 = arith.addi %add3A_609, %mul3A_846 : i32
            %sub3A_856 = arith.subi %reduce_sum3A_223, %add3A_855 : i32
            %ge3A_857 = vector.broadcast %sub3A_856 : i32 to vector<16xi32>
            %ge3A_858 = arith.cmpi sge, %iota3A, %ge3A_857 : vector<16xi32>
            %sub3A_859 = arith.subi %add3A_232, %add3A_855 : i32
            %lt3A_860 = vector.broadcast %sub3A_859 : i32 to vector<16xi32>
            %lt3A_861 = arith.cmpi slt, %iota3A, %lt3A_860 : vector<16xi32>
            %and3A_862 = arith.andi %ge3A_858, %lt3A_861 : vector<16xi1>
            %jit3A_863 = arith.constant 1.000000e+30 : f32
            %broadcast_in_dim3A_864 = vector.broadcast %jit3A_863 : f32 to vector<16xf32>
            %select_n3A_865 = arith.select %and3A_862, %div3A_854, %broadcast_in_dim3A_864 : vector<16xi1>, vector<16xf32>
            %swap3A_866 = arith.index_cast %add3A_855 : i32 to index
            %swap3A_867 = tpu.vector_load %arg12[%swap3A_866] {strides = array<i32>} : memref<32768xf32, #tpu.memory_space<vmem>>, vector<16xf32>,
            tpu.vector_store %arg12[%swap3A_866], %select_n3A_865 {strides = array<i32>} : memref<32768xf32, #tpu.memory_space<vmem>>, vector<16xf32>,
            %min3A_868 = arith.minimumf %min3A_836, %select_n3A_865 : vector<16xf32>
            %jit3A_869 = arith.constant -1.000000e+30 : f32
            %broadcast_in_dim3A_870 = vector.broadcast %jit3A_869 : f32 to vector<16xf32>
            %select_n3A_871 = arith.select %and3A_862, %div3A_854, %broadcast_in_dim3A_870 : vector<16xi1>, vector<16xf32>
            %max3A_872 = arith.maximumf %max3A_840, %select_n3A_871 : vector<16xf32>
            scf.yield %min3A_868, %max3A_872 : vector<16xf32>, vector<16xf32>
          }
          %scan3A_615 = arith.constant 16 : i32
          scf.yield %scan3A_614#0, %scan3A_614#1 : vector<16xf32>, vector<16xf32>
        }
        %while3A_492 = arith.constant 1 : i32
        %while3A_493:2 = scf.for %while3A_604 = %while3A_489 to %while3A_485 step %while3A_492 iter_args(%while3A_605 = %while3A_491#0, %while3A_606 = %while3A_491#1) -> (vector<16xf32>, vector<16xf32>)  : i32 {
          %mul3A_607 = arith.constant 2048 : i32
          %mul3A_608 = arith.muli %while3A_604, %mul3A_607 : i32
          %add3A_609 = arith.addi %mul3A_424, %mul3A_608 : i32
          "tpu.region"() ({
            %run_scoped3A = tpu.sem_alloc : memref<!tpu.dma_semaphore, #tpu.memory_space<semaphore_mem>>
            %dma_start3A_616 = tpu.memref_slice %arg2[%add3A_609] : memref<32768xf32, #tpu.memory_space<hbm>> -> memref<2048xf32, #tpu.memory_space<hbm>>
            %dma_start3A_617 = tpu.memref_slice %arg2[%add3A_609] : memref<32768xf32, #tpu.memory_space<hbm>> -> memref<2048xf32, #tpu.memory_space<hbm>>
            tpu.enqueue_dma source(%dma_start3A_617 : memref<2048xf32, #tpu.memory_space<hbm>>) target(%arg13 : memref<2048xf32, #tpu.memory_space<vmem>>) target_semaphore(%run_scoped3A : memref<!tpu.dma_semaphore, #tpu.memory_space<semaphore_mem>>)
            %dma_wait3A_618 = tpu.memref_slice %arg2[%add3A_609] : memref<32768xf32, #tpu.memory_space<hbm>> -> memref<2048xf32, #tpu.memory_space<hbm>>
            %dma_wait3A_619 = tpu.memref_slice %arg2[%add3A_609] : memref<32768xf32, #tpu.memory_space<hbm>> -> memref<2048xf32, #tpu.memory_space<hbm>>
            tpu.wait_dma2 semaphore(%run_scoped3A : memref<!tpu.dma_semaphore, #tpu.memory_space<semaphore_mem>>) src(%dma_wait3A_619 : memref<2048xf32, #tpu.memory_space<hbm>>) dst(%arg13 : memref<2048xf32, #tpu.memory_space<vmem>>)
            tpu.yield
          }) : () -> ()
          "tpu.region"() ({
            %run_scoped3A = tpu.sem_alloc : memref<!tpu.dma_semaphore, #tpu.memory_space<semaphore_mem>>
            %dma_start3A_616 = tpu.memref_slice %arg3[%add3A_609] : memref<32768xf32, #tpu.memory_space<hbm>> -> memref<2048xf32, #tpu.memory_space<hbm>>
            %dma_start3A_617 = tpu.memref_slice %arg3[%add3A_609] : memref<32768xf32, #tpu.memory_space<hbm>> -> memref<2048xf32, #tpu.memory_space<hbm>>
            tpu.enqueue_dma source(%dma_start3A_617 : memref<2048xf32, #tpu.memory_space<hbm>>) target(%arg14 : memref<2048xf32, #tpu.memory_space<vmem>>) target_semaphore(%run_scoped3A : memref<!tpu.dma_semaphore, #tpu.memory_space<semaphore_mem>>)
            %dma_wait3A_618 = tpu.memref_slice %arg3[%add3A_609] : memref<32768xf32, #tpu.memory_space<hbm>> -> memref<2048xf32, #tpu.memory_space<hbm>>
            %dma_wait3A_619 = tpu.memref_slice %arg3[%add3A_609] : memref<32768xf32, #tpu.memory_space<hbm>> -> memref<2048xf32, #tpu.memory_space<hbm>>
            tpu.wait_dma2 semaphore(%run_scoped3A : memref<!tpu.dma_semaphore, #tpu.memory_space<semaphore_mem>>) src(%dma_wait3A_619 : memref<2048xf32, #tpu.memory_space<hbm>>) dst(%arg14 : memref<2048xf32, #tpu.memory_space<vmem>>)
            tpu.yield
          }) : () -> ()
          %scan3A_610 = arith.constant 0 : i32
          %scan3A_611 = arith.constant 16 : i32
          %scan3A_612 = arith.addi %scan3A_610, %scan3A_611 : i32
          %scan3A_613 = arith.constant 1 : i32
          %scan3A_614:2 = scf.for %scan3A_616 = %scan3A_610 to %scan3A_612 step %scan3A_613 iter_args(%scan3A_617 = %while3A_605, %scan3A_618 = %while3A_606) -> (vector<16xf32>, vector<16xf32>)  : i32 {
            %mul3A_619 = arith.constant 8 : i32
            %mul3A_620 = arith.muli %mul3A_619, %scan3A_616 : i32
            %add3A_621 = arith.constant 0 : i32
            %add3A_622 = arith.addi %mul3A_620, %add3A_621 : i32
            %mul3A_623 = arith.constant 16 : i32
            %mul3A_624 = arith.muli %add3A_622, %mul3A_623 : i32
            %get3A_625 = arith.index_cast %mul3A_624 : i32 to index
            %get3A_626 = tpu.vector_load %arg13[%get3A_625] {strides = array<i32>} : memref<2048xf32, #tpu.memory_space<vmem>>, vector<16xf32>,
            %get3A_627 = arith.index_cast %mul3A_624 : i32 to index
            %get3A_628 = tpu.vector_load %arg14[%get3A_627] {strides = array<i32>} : memref<2048xf32, #tpu.memory_space<vmem>>, vector<16xf32>,
            %max3A = arith.constant 9.99999971E-10 : f32
            %max3A_629 = vector.broadcast %max3A : f32 to vector<16xf32>
            %max3A_630 = arith.maximumf %get3A_628, %max3A_629 : vector<16xf32>
            %div3A_631 = arith.divf %get3A_626, %max3A_630 : vector<16xf32>
            %add3A_632 = arith.addi %add3A_609, %mul3A_624 : i32
            %sub3A_633 = arith.subi %reduce_sum3A_223, %add3A_632 : i32
            %ge3A_634 = vector.broadcast %sub3A_633 : i32 to vector<16xi32>
            %ge3A_635 = arith.cmpi sge, %iota3A, %ge3A_634 : vector<16xi32>
            %sub3A_636 = arith.subi %add3A_232, %add3A_632 : i32
            %lt3A_637 = vector.broadcast %sub3A_636 : i32 to vector<16xi32>
            %lt3A_638 = arith.cmpi slt, %iota3A, %lt3A_637 : vector<16xi32>
            %and3A_639 = arith.andi %ge3A_635, %lt3A_638 : vector<16xi1>
            %jit3A_640 = arith.constant 1.000000e+30 : f32
            %broadcast_in_dim3A_641 = vector.broadcast %jit3A_640 : f32 to vector<16xf32>
            %select_n3A_642 = arith.select %and3A_639, %div3A_631, %broadcast_in_dim3A_641 : vector<16xi1>, vector<16xf32>
            %swap3A_643 = arith.index_cast %add3A_632 : i32 to index
            %swap3A_644 = tpu.vector_load %arg12[%swap3A_643] {strides = array<i32>} : memref<32768xf32, #tpu.memory_space<vmem>>, vector<16xf32>,
            tpu.vector_store %arg12[%swap3A_643], %select_n3A_642 {strides = array<i32>} : memref<32768xf32, #tpu.memory_space<vmem>>, vector<16xf32>,
            %min3A = arith.minimumf %scan3A_617, %select_n3A_642 : vector<16xf32>
            %jit3A_645 = arith.constant -1.000000e+30 : f32
            %broadcast_in_dim3A_646 = vector.broadcast %jit3A_645 : f32 to vector<16xf32>
            %select_n3A_647 = arith.select %and3A_639, %div3A_631, %broadcast_in_dim3A_646 : vector<16xi1>, vector<16xf32>
            %max3A_648 = arith.maximumf %scan3A_618, %select_n3A_647 : vector<16xf32>
            %mul3A_649 = arith.constant 8 : i32
            %mul3A_650 = arith.muli %mul3A_649, %scan3A_616 : i32
            %add3A_651 = arith.constant 1 : i32
            %add3A_652 = arith.addi %mul3A_650, %add3A_651 : i32
            %mul3A_653 = arith.constant 16 : i32
            %mul3A_654 = arith.muli %add3A_652, %mul3A_653 : i32
            %get3A_655 = arith.index_cast %mul3A_654 : i32 to index
            %get3A_656 = tpu.vector_load %arg13[%get3A_655] {strides = array<i32>} : memref<2048xf32, #tpu.memory_space<vmem>>, vector<16xf32>,
            %get3A_657 = arith.index_cast %mul3A_654 : i32 to index
            %get3A_658 = tpu.vector_load %arg14[%get3A_657] {strides = array<i32>} : memref<2048xf32, #tpu.memory_space<vmem>>, vector<16xf32>,
            %max3A_659 = arith.constant 9.99999971E-10 : f32
            %max3A_660 = vector.broadcast %max3A_659 : f32 to vector<16xf32>
            %max3A_661 = arith.maximumf %get3A_658, %max3A_660 : vector<16xf32>
            %div3A_662 = arith.divf %get3A_656, %max3A_661 : vector<16xf32>
            %add3A_663 = arith.addi %add3A_609, %mul3A_654 : i32
            %sub3A_664 = arith.subi %reduce_sum3A_223, %add3A_663 : i32
            %ge3A_665 = vector.broadcast %sub3A_664 : i32 to vector<16xi32>
            %ge3A_666 = arith.cmpi sge, %iota3A, %ge3A_665 : vector<16xi32>
            %sub3A_667 = arith.subi %add3A_232, %add3A_663 : i32
            %lt3A_668 = vector.broadcast %sub3A_667 : i32 to vector<16xi32>
            %lt3A_669 = arith.cmpi slt, %iota3A, %lt3A_668 : vector<16xi32>
            %and3A_670 = arith.andi %ge3A_666, %lt3A_669 : vector<16xi1>
            %jit3A_671 = arith.constant 1.000000e+30 : f32
            %broadcast_in_dim3A_672 = vector.broadcast %jit3A_671 : f32 to vector<16xf32>
            %select_n3A_673 = arith.select %and3A_670, %div3A_662, %broadcast_in_dim3A_672 : vector<16xi1>, vector<16xf32>
            %swap3A_674 = arith.index_cast %add3A_663 : i32 to index
            %swap3A_675 = tpu.vector_load %arg12[%swap3A_674] {strides = array<i32>} : memref<32768xf32, #tpu.memory_space<vmem>>, vector<16xf32>,
            tpu.vector_store %arg12[%swap3A_674], %select_n3A_673 {strides = array<i32>} : memref<32768xf32, #tpu.memory_space<vmem>>, vector<16xf32>,
            %min3A_676 = arith.minimumf %min3A, %select_n3A_673 : vector<16xf32>
            %jit3A_677 = arith.constant -1.000000e+30 : f32
            %broadcast_in_dim3A_678 = vector.broadcast %jit3A_677 : f32 to vector<16xf32>
            %select_n3A_679 = arith.select %and3A_670, %div3A_662, %broadcast_in_dim3A_678 : vector<16xi1>, vector<16xf32>
            %max3A_680 = arith.maximumf %max3A_648, %select_n3A_679 : vector<16xf32>
            %mul3A_681 = arith.constant 8 : i32
            %mul3A_682 = arith.muli %mul3A_681, %scan3A_616 : i32
            %add3A_683 = arith.constant 2 : i32
            %add3A_684 = arith.addi %mul3A_682, %add3A_683 : i32
            %mul3A_685 = arith.constant 16 : i32
            %mul3A_686 = arith.muli %add3A_684, %mul3A_685 : i32
            %get3A_687 = arith.index_cast %mul3A_686 : i32 to index
            %get3A_688 = tpu.vector_load %arg13[%get3A_687] {strides = array<i32>} : memref<2048xf32, #tpu.memory_space<vmem>>, vector<16xf32>,
            %get3A_689 = arith.index_cast %mul3A_686 : i32 to index
            %get3A_690 = tpu.vector_load %arg14[%get3A_689] {strides = array<i32>} : memref<2048xf32, #tpu.memory_space<vmem>>, vector<16xf32>,
            %max3A_691 = arith.constant 9.99999971E-10 : f32
            %max3A_692 = vector.broadcast %max3A_691 : f32 to vector<16xf32>
            %max3A_693 = arith.maximumf %get3A_690, %max3A_692 : vector<16xf32>
            %div3A_694 = arith.divf %get3A_688, %max3A_693 : vector<16xf32>
            %add3A_695 = arith.addi %add3A_609, %mul3A_686 : i32
            %sub3A_696 = arith.subi %reduce_sum3A_223, %add3A_695 : i32
            %ge3A_697 = vector.broadcast %sub3A_696 : i32 to vector<16xi32>
            %ge3A_698 = arith.cmpi sge, %iota3A, %ge3A_697 : vector<16xi32>
            %sub3A_699 = arith.subi %add3A_232, %add3A_695 : i32
            %lt3A_700 = vector.broadcast %sub3A_699 : i32 to vector<16xi32>
            %lt3A_701 = arith.cmpi slt, %iota3A, %lt3A_700 : vector<16xi32>
            %and3A_702 = arith.andi %ge3A_698, %lt3A_701 : vector<16xi1>
            %jit3A_703 = arith.constant 1.000000e+30 : f32
            %broadcast_in_dim3A_704 = vector.broadcast %jit3A_703 : f32 to vector<16xf32>
            %select_n3A_705 = arith.select %and3A_702, %div3A_694, %broadcast_in_dim3A_704 : vector<16xi1>, vector<16xf32>
            %swap3A_706 = arith.index_cast %add3A_695 : i32 to index
            %swap3A_707 = tpu.vector_load %arg12[%swap3A_706] {strides = array<i32>} : memref<32768xf32, #tpu.memory_space<vmem>>, vector<16xf32>,
            tpu.vector_store %arg12[%swap3A_706], %select_n3A_705 {strides = array<i32>} : memref<32768xf32, #tpu.memory_space<vmem>>, vector<16xf32>,
            %min3A_708 = arith.minimumf %min3A_676, %select_n3A_705 : vector<16xf32>
            %jit3A_709 = arith.constant -1.000000e+30 : f32
            %broadcast_in_dim3A_710 = vector.broadcast %jit3A_709 : f32 to vector<16xf32>
            %select_n3A_711 = arith.select %and3A_702, %div3A_694, %broadcast_in_dim3A_710 : vector<16xi1>, vector<16xf32>
            %max3A_712 = arith.maximumf %max3A_680, %select_n3A_711 : vector<16xf32>
            %mul3A_713 = arith.constant 8 : i32
            %mul3A_714 = arith.muli %mul3A_713, %scan3A_616 : i32
            %add3A_715 = arith.constant 3 : i32
            %add3A_716 = arith.addi %mul3A_714, %add3A_715 : i32
            %mul3A_717 = arith.constant 16 : i32
            %mul3A_718 = arith.muli %add3A_716, %mul3A_717 : i32
            %get3A_719 = arith.index_cast %mul3A_718 : i32 to index
            %get3A_720 = tpu.vector_load %arg13[%get3A_719] {strides = array<i32>} : memref<2048xf32, #tpu.memory_space<vmem>>, vector<16xf32>,
            %get3A_721 = arith.index_cast %mul3A_718 : i32 to index
            %get3A_722 = tpu.vector_load %arg14[%get3A_721] {strides = array<i32>} : memref<2048xf32, #tpu.memory_space<vmem>>, vector<16xf32>,
            %max3A_723 = arith.constant 9.99999971E-10 : f32
            %max3A_724 = vector.broadcast %max3A_723 : f32 to vector<16xf32>
            %max3A_725 = arith.maximumf %get3A_722, %max3A_724 : vector<16xf32>
            %div3A_726 = arith.divf %get3A_720, %max3A_725 : vector<16xf32>
            %add3A_727 = arith.addi %add3A_609, %mul3A_718 : i32
            %sub3A_728 = arith.subi %reduce_sum3A_223, %add3A_727 : i32
            %ge3A_729 = vector.broadcast %sub3A_728 : i32 to vector<16xi32>
            %ge3A_730 = arith.cmpi sge, %iota3A, %ge3A_729 : vector<16xi32>
            %sub3A_731 = arith.subi %add3A_232, %add3A_727 : i32
            %lt3A_732 = vector.broadcast %sub3A_731 : i32 to vector<16xi32>
            %lt3A_733 = arith.cmpi slt, %iota3A, %lt3A_732 : vector<16xi32>
            %and3A_734 = arith.andi %ge3A_730, %lt3A_733 : vector<16xi1>
            %jit3A_735 = arith.constant 1.000000e+30 : f32
            %broadcast_in_dim3A_736 = vector.broadcast %jit3A_735 : f32 to vector<16xf32>
            %select_n3A_737 = arith.select %and3A_734, %div3A_726, %broadcast_in_dim3A_736 : vector<16xi1>, vector<16xf32>
            %swap3A_738 = arith.index_cast %add3A_727 : i32 to index
            %swap3A_739 = tpu.vector_load %arg12[%swap3A_738] {strides = array<i32>} : memref<32768xf32, #tpu.memory_space<vmem>>, vector<16xf32>,
            tpu.vector_store %arg12[%swap3A_738], %select_n3A_737 {strides = array<i32>} : memref<32768xf32, #tpu.memory_space<vmem>>, vector<16xf32>,
            %min3A_740 = arith.minimumf %min3A_708, %select_n3A_737 : vector<16xf32>
            %jit3A_741 = arith.constant -1.000000e+30 : f32
            %broadcast_in_dim3A_742 = vector.broadcast %jit3A_741 : f32 to vector<16xf32>
            %select_n3A_743 = arith.select %and3A_734, %div3A_726, %broadcast_in_dim3A_742 : vector<16xi1>, vector<16xf32>
            %max3A_744 = arith.maximumf %max3A_712, %select_n3A_743 : vector<16xf32>
            %mul3A_745 = arith.constant 8 : i32
            %mul3A_746 = arith.muli %mul3A_745, %scan3A_616 : i32
            %add3A_747 = arith.constant 4 : i32
            %add3A_748 = arith.addi %mul3A_746, %add3A_747 : i32
            %mul3A_749 = arith.constant 16 : i32
            %mul3A_750 = arith.muli %add3A_748, %mul3A_749 : i32
            %get3A_751 = arith.index_cast %mul3A_750 : i32 to index
            %get3A_752 = tpu.vector_load %arg13[%get3A_751] {strides = array<i32>} : memref<2048xf32, #tpu.memory_space<vmem>>, vector<16xf32>,
            %get3A_753 = arith.index_cast %mul3A_750 : i32 to index
            %get3A_754 = tpu.vector_load %arg14[%get3A_753] {strides = array<i32>} : memref<2048xf32, #tpu.memory_space<vmem>>, vector<16xf32>,
            %max3A_755 = arith.constant 9.99999971E-10 : f32
            %max3A_756 = vector.broadcast %max3A_755 : f32 to vector<16xf32>
            %max3A_757 = arith.maximumf %get3A_754, %max3A_756 : vector<16xf32>
            %div3A_758 = arith.divf %get3A_752, %max3A_757 : vector<16xf32>
            %add3A_759 = arith.addi %add3A_609, %mul3A_750 : i32
            %sub3A_760 = arith.subi %reduce_sum3A_223, %add3A_759 : i32
            %ge3A_761 = vector.broadcast %sub3A_760 : i32 to vector<16xi32>
            %ge3A_762 = arith.cmpi sge, %iota3A, %ge3A_761 : vector<16xi32>
            %sub3A_763 = arith.subi %add3A_232, %add3A_759 : i32
            %lt3A_764 = vector.broadcast %sub3A_763 : i32 to vector<16xi32>
            %lt3A_765 = arith.cmpi slt, %iota3A, %lt3A_764 : vector<16xi32>
            %and3A_766 = arith.andi %ge3A_762, %lt3A_765 : vector<16xi1>
            %jit3A_767 = arith.constant 1.000000e+30 : f32
            %broadcast_in_dim3A_768 = vector.broadcast %jit3A_767 : f32 to vector<16xf32>
            %select_n3A_769 = arith.select %and3A_766, %div3A_758, %broadcast_in_dim3A_768 : vector<16xi1>, vector<16xf32>
            %swap3A_770 = arith.index_cast %add3A_759 : i32 to index
            %swap3A_771 = tpu.vector_load %arg12[%swap3A_770] {strides = array<i32>} : memref<32768xf32, #tpu.memory_space<vmem>>, vector<16xf32>,
            tpu.vector_store %arg12[%swap3A_770], %select_n3A_769 {strides = array<i32>} : memref<32768xf32, #tpu.memory_space<vmem>>, vector<16xf32>,
            %min3A_772 = arith.minimumf %min3A_740, %select_n3A_769 : vector<16xf32>
            %jit3A_773 = arith.constant -1.000000e+30 : f32
            %broadcast_in_dim3A_774 = vector.broadcast %jit3A_773 : f32 to vector<16xf32>
            %select_n3A_775 = arith.select %and3A_766, %div3A_758, %broadcast_in_dim3A_774 : vector<16xi1>, vector<16xf32>
            %max3A_776 = arith.maximumf %max3A_744, %select_n3A_775 : vector<16xf32>
            %mul3A_777 = arith.constant 8 : i32
            %mul3A_778 = arith.muli %mul3A_777, %scan3A_616 : i32
            %add3A_779 = arith.constant 5 : i32
            %add3A_780 = arith.addi %mul3A_778, %add3A_779 : i32
            %mul3A_781 = arith.constant 16 : i32
            %mul3A_782 = arith.muli %add3A_780, %mul3A_781 : i32
            %get3A_783 = arith.index_cast %mul3A_782 : i32 to index
            %get3A_784 = tpu.vector_load %arg13[%get3A_783] {strides = array<i32>} : memref<2048xf32, #tpu.memory_space<vmem>>, vector<16xf32>,
            %get3A_785 = arith.index_cast %mul3A_782 : i32 to index
            %get3A_786 = tpu.vector_load %arg14[%get3A_785] {strides = array<i32>} : memref<2048xf32, #tpu.memory_space<vmem>>, vector<16xf32>,
            %max3A_787 = arith.constant 9.99999971E-10 : f32
            %max3A_788 = vector.broadcast %max3A_787 : f32 to vector<16xf32>
            %max3A_789 = arith.maximumf %get3A_786, %max3A_788 : vector<16xf32>
            %div3A_790 = arith.divf %get3A_784, %max3A_789 : vector<16xf32>
            %add3A_791 = arith.addi %add3A_609, %mul3A_782 : i32
            %sub3A_792 = arith.subi %reduce_sum3A_223, %add3A_791 : i32
            %ge3A_793 = vector.broadcast %sub3A_792 : i32 to vector<16xi32>
            %ge3A_794 = arith.cmpi sge, %iota3A, %ge3A_793 : vector<16xi32>
            %sub3A_795 = arith.subi %add3A_232, %add3A_791 : i32
            %lt3A_796 = vector.broadcast %sub3A_795 : i32 to vector<16xi32>
            %lt3A_797 = arith.cmpi slt, %iota3A, %lt3A_796 : vector<16xi32>
            %and3A_798 = arith.andi %ge3A_794, %lt3A_797 : vector<16xi1>
            %jit3A_799 = arith.constant 1.000000e+30 : f32
            %broadcast_in_dim3A_800 = vector.broadcast %jit3A_799 : f32 to vector<16xf32>
            %select_n3A_801 = arith.select %and3A_798, %div3A_790, %broadcast_in_dim3A_800 : vector<16xi1>, vector<16xf32>
            %swap3A_802 = arith.index_cast %add3A_791 : i32 to index
            %swap3A_803 = tpu.vector_load %arg12[%swap3A_802] {strides = array<i32>} : memref<32768xf32, #tpu.memory_space<vmem>>, vector<16xf32>,
            tpu.vector_store %arg12[%swap3A_802], %select_n3A_801 {strides = array<i32>} : memref<32768xf32, #tpu.memory_space<vmem>>, vector<16xf32>,
            %min3A_804 = arith.minimumf %min3A_772, %select_n3A_801 : vector<16xf32>
            %jit3A_805 = arith.constant -1.000000e+30 : f32
            %broadcast_in_dim3A_806 = vector.broadcast %jit3A_805 : f32 to vector<16xf32>
            %select_n3A_807 = arith.select %and3A_798, %div3A_790, %broadcast_in_dim3A_806 : vector<16xi1>, vector<16xf32>
            %max3A_808 = arith.maximumf %max3A_776, %select_n3A_807 : vector<16xf32>
            %mul3A_809 = arith.constant 8 : i32
            %mul3A_810 = arith.muli %mul3A_809, %scan3A_616 : i32
            %add3A_811 = arith.constant 6 : i32
            %add3A_812 = arith.addi %mul3A_810, %add3A_811 : i32
            %mul3A_813 = arith.constant 16 : i32
            %mul3A_814 = arith.muli %add3A_812, %mul3A_813 : i32
            %get3A_815 = arith.index_cast %mul3A_814 : i32 to index
            %get3A_816 = tpu.vector_load %arg13[%get3A_815] {strides = array<i32>} : memref<2048xf32, #tpu.memory_space<vmem>>, vector<16xf32>,
            %get3A_817 = arith.index_cast %mul3A_814 : i32 to index
            %get3A_818 = tpu.vector_load %arg14[%get3A_817] {strides = array<i32>} : memref<2048xf32, #tpu.memory_space<vmem>>, vector<16xf32>,
            %max3A_819 = arith.constant 9.99999971E-10 : f32
            %max3A_820 = vector.broadcast %max3A_819 : f32 to vector<16xf32>
            %max3A_821 = arith.maximumf %get3A_818, %max3A_820 : vector<16xf32>
            %div3A_822 = arith.divf %get3A_816, %max3A_821 : vector<16xf32>
            %add3A_823 = arith.addi %add3A_609, %mul3A_814 : i32
            %sub3A_824 = arith.subi %reduce_sum3A_223, %add3A_823 : i32
            %ge3A_825 = vector.broadcast %sub3A_824 : i32 to vector<16xi32>
            %ge3A_826 = arith.cmpi sge, %iota3A, %ge3A_825 : vector<16xi32>
            %sub3A_827 = arith.subi %add3A_232, %add3A_823 : i32
            %lt3A_828 = vector.broadcast %sub3A_827 : i32 to vector<16xi32>
            %lt3A_829 = arith.cmpi slt, %iota3A, %lt3A_828 : vector<16xi32>
            %and3A_830 = arith.andi %ge3A_826, %lt3A_829 : vector<16xi1>
            %jit3A_831 = arith.constant 1.000000e+30 : f32
            %broadcast_in_dim3A_832 = vector.broadcast %jit3A_831 : f32 to vector<16xf32>
            %select_n3A_833 = arith.select %and3A_830, %div3A_822, %broadcast_in_dim3A_832 : vector<16xi1>, vector<16xf32>
            %swap3A_834 = arith.index_cast %add3A_823 : i32 to index
            %swap3A_835 = tpu.vector_load %arg12[%swap3A_834] {strides = array<i32>} : memref<32768xf32, #tpu.memory_space<vmem>>, vector<16xf32>,
            tpu.vector_store %arg12[%swap3A_834], %select_n3A_833 {strides = array<i32>} : memref<32768xf32, #tpu.memory_space<vmem>>, vector<16xf32>,
            %min3A_836 = arith.minimumf %min3A_804, %select_n3A_833 : vector<16xf32>
            %jit3A_837 = arith.constant -1.000000e+30 : f32
            %broadcast_in_dim3A_838 = vector.broadcast %jit3A_837 : f32 to vector<16xf32>
            %select_n3A_839 = arith.select %and3A_830, %div3A_822, %broadcast_in_dim3A_838 : vector<16xi1>, vector<16xf32>
            %max3A_840 = arith.maximumf %max3A_808, %select_n3A_839 : vector<16xf32>
            %mul3A_841 = arith.constant 8 : i32
            %mul3A_842 = arith.muli %mul3A_841, %scan3A_616 : i32
            %add3A_843 = arith.constant 7 : i32
            %add3A_844 = arith.addi %mul3A_842, %add3A_843 : i32
            %mul3A_845 = arith.constant 16 : i32
            %mul3A_846 = arith.muli %add3A_844, %mul3A_845 : i32
            %get3A_847 = arith.index_cast %mul3A_846 : i32 to index
            %get3A_848 = tpu.vector_load %arg13[%get3A_847] {strides = array<i32>} : memref<2048xf32, #tpu.memory_space<vmem>>, vector<16xf32>,
            %get3A_849 = arith.index_cast %mul3A_846 : i32 to index
            %get3A_850 = tpu.vector_load %arg14[%get3A_849] {strides = array<i32>} : memref<2048xf32, #tpu.memory_space<vmem>>, vector<16xf32>,
            %max3A_851 = arith.constant 9.99999971E-10 : f32
            %max3A_852 = vector.broadcast %max3A_851 : f32 to vector<16xf32>
            %max3A_853 = arith.maximumf %get3A_850, %max3A_852 : vector<16xf32>
            %div3A_854 = arith.divf %get3A_848, %max3A_853 : vector<16xf32>
            %add3A_855 = arith.addi %add3A_609, %mul3A_846 : i32
            %sub3A_856 = arith.subi %reduce_sum3A_223, %add3A_855 : i32
            %ge3A_857 = vector.broadcast %sub3A_856 : i32 to vector<16xi32>
            %ge3A_858 = arith.cmpi sge, %iota3A, %ge3A_857 : vector<16xi32>
            %sub3A_859 = arith.subi %add3A_232, %add3A_855 : i32
            %lt3A_860 = vector.broadcast %sub3A_859 : i32 to vector<16xi32>
            %lt3A_861 = arith.cmpi slt, %iota3A, %lt3A_860 : vector<16xi32>
            %and3A_862 = arith.andi %ge3A_858, %lt3A_861 : vector<16xi1>
            %jit3A_863 = arith.constant 1.000000e+30 : f32
            %broadcast_in_dim3A_864 = vector.broadcast %jit3A_863 : f32 to vector<16xf32>
            %select_n3A_865 = arith.select %and3A_862, %div3A_854, %broadcast_in_dim3A_864 : vector<16xi1>, vector<16xf32>
            %swap3A_866 = arith.index_cast %add3A_855 : i32 to index
            %swap3A_867 = tpu.vector_load %arg12[%swap3A_866] {strides = array<i32>} : memref<32768xf32, #tpu.memory_space<vmem>>, vector<16xf32>,
            tpu.vector_store %arg12[%swap3A_866], %select_n3A_865 {strides = array<i32>} : memref<32768xf32, #tpu.memory_space<vmem>>, vector<16xf32>,
            %min3A_868 = arith.minimumf %min3A_836, %select_n3A_865 : vector<16xf32>
            %jit3A_869 = arith.constant -1.000000e+30 : f32
            %broadcast_in_dim3A_870 = vector.broadcast %jit3A_869 : f32 to vector<16xf32>
            %select_n3A_871 = arith.select %and3A_862, %div3A_854, %broadcast_in_dim3A_870 : vector<16xi1>, vector<16xf32>
            %max3A_872 = arith.maximumf %max3A_840, %select_n3A_871 : vector<16xf32>
            scf.yield %min3A_868, %max3A_872 : vector<16xf32>, vector<16xf32>
          }
          %scan3A_615 = arith.constant 16 : i32
          scf.yield %scan3A_614#0, %scan3A_614#1 : vector<16xf32>, vector<16xf32>
        }
        %reduce_min3A = arith.constant true
        %reduce_min3A_494 = vector.broadcast %reduce_min3A : i1 to vector<16xi1>
        %reduce_min3A_495 = tpu.scan <min>, %while3A_493#0 masked %reduce_min3A_494 : vector<16xf32>, vector<16xi1> -> vector<16xf32>
        %reduce_min3A_496 = vector.extract %reduce_min3A_495[15] : f32 from vector<16xf32>
        %reduce_max3A = arith.constant true
        %reduce_max3A_497 = vector.broadcast %reduce_max3A : i1 to vector<16xi1>
        %reduce_max3A_498 = tpu.scan <max>, %while3A_493#1 masked %reduce_max3A_497 : vector<16xf32>, vector<16xi1> -> vector<16xf32>
        %reduce_max3A_499 = vector.extract %reduce_max3A_498[15] : f32 from vector<16xf32>
        %sub3A_500 = arith.constant 8.000000e-01 : f32
        %sub3A_501 = arith.subf %sub3A_500, %reduce_max3A_499 : f32
        %sub3A_502 = arith.constant 1.000000e+00 : f32
        %sub3A_503 = arith.subf %sub3A_501, %sub3A_502 : f32
        %sub3A_504 = arith.constant 1.200000e+00 : f32
        %sub3A_505 = arith.subf %sub3A_504, %reduce_min3A_496 : f32
        %add3A_506 = arith.constant 1.000000e+00 : f32
        %add3A_507 = arith.addf %sub3A_505, %add3A_506 : f32
        %jit3A_508 = arith.constant 128 : i32
        %div3A_509 = arith.divsi %reduce_sum3A_223, %jit3A_508 : i32
        %sign3A_510 = arith.constant 0 : i32
        %sign3A_511 = arith.cmpi sgt, %reduce_sum3A_223, %sign3A_510 : i32
        %sign3A_512 = arith.extui %sign3A_511 : i1 to i32
        %sign3A_513 = arith.constant 0 : i32
        %sign3A_514 = arith.cmpi slt, %reduce_sum3A_223, %sign3A_513 : i32
        %sign3A_515 = arith.extui %sign3A_514 : i1 to i32
        %sign3A_516 = arith.subi %sign3A_512, %sign3A_515 : i32
        %sign3A_517 = arith.constant 0 : i32
        %sign3A_518 = arith.cmpi sgt, %jit3A_508, %sign3A_517 : i32
        %sign3A_519 = arith.extui %sign3A_518 : i1 to i32
        %sign3A_520 = arith.constant 0 : i32
        %sign3A_521 = arith.cmpi slt, %jit3A_508, %sign3A_520 : i32
        %sign3A_522 = arith.extui %sign3A_521 : i1 to i32
        %sign3A_523 = arith.subi %sign3A_519, %sign3A_522 : i32
        %ne3A_524 = arith.cmpi ne, %sign3A_516, %sign3A_523 : i32
        %rem3A_525 = arith.remsi %reduce_sum3A_223, %jit3A_508 : i32
        %ne3A_526 = arith.constant 0 : i32
        %ne3A_527 = arith.cmpi ne, %rem3A_525, %ne3A_526 : i32
        %and3A_528 = arith.andi %ne3A_524, %ne3A_527 : i1
        %sub3A_529 = arith.constant 1 : i32
        %sub3A_530 = arith.subi %div3A_509, %sub3A_529 : i32
        %select_n3A_531 = arith.select %and3A_528, %sub3A_530, %div3A_509 : i32
        %mul3A_532 = arith.constant 128 : i32
        %mul3A_533 = arith.muli %select_n3A_531, %mul3A_532 : i32
        %add3A_534 = arith.constant 128 : i32
        %add3A_535 = arith.addi %add3A_232, %add3A_534 : i32
        %sub3A_536 = arith.constant 1 : i32
        %sub3A_537 = arith.subi %add3A_535, %sub3A_536 : i32
        %jit3A_538 = arith.constant 128 : i32
        %div3A_539 = arith.divsi %sub3A_537, %jit3A_538 : i32
        %sign3A_540 = arith.constant 0 : i32
        %sign3A_541 = arith.cmpi sgt, %sub3A_537, %sign3A_540 : i32
        %sign3A_542 = arith.extui %sign3A_541 : i1 to i32
        %sign3A_543 = arith.constant 0 : i32
        %sign3A_544 = arith.cmpi slt, %sub3A_537, %sign3A_543 : i32
        %sign3A_545 = arith.extui %sign3A_544 : i1 to i32
        %sign3A_546 = arith.subi %sign3A_542, %sign3A_545 : i32
        %sign3A_547 = arith.constant 0 : i32
        %sign3A_548 = arith.cmpi sgt, %jit3A_538, %sign3A_547 : i32
        %sign3A_549 = arith.extui %sign3A_548 : i1 to i32
        %sign3A_550 = arith.constant 0 : i32
        %sign3A_551 = arith.cmpi slt, %jit3A_538, %sign3A_550 : i32
        %sign3A_552 = arith.extui %sign3A_551 : i1 to i32
        %sign3A_553 = arith.subi %sign3A_549, %sign3A_552 : i32
        %ne3A_554 = arith.cmpi ne, %sign3A_546, %sign3A_553 : i32
        %rem3A_555 = arith.remsi %sub3A_537, %jit3A_538 : i32
        %ne3A_556 = arith.constant 0 : i32
        %ne3A_557 = arith.cmpi ne, %rem3A_555, %ne3A_556 : i32
        %and3A_558 = arith.andi %ne3A_554, %ne3A_557 : i1
        %sub3A_559 = arith.constant 1 : i32
        %sub3A_560 = arith.subi %div3A_539, %sub3A_559 : i32
        %select_n3A_561 = arith.select %and3A_558, %sub3A_560, %div3A_539 : i32
        %mul3A_562 = arith.constant 128 : i32
        %mul3A_563 = arith.muli %select_n3A_561, %mul3A_562 : i32
        %sub3A_564 = arith.subi %mul3A_563, %mul3A_533 : i32
        %sub3A_565 = arith.subi %sub3A_564, %reduce_sum3A_231 : i32
        %convert_element_type3A_566 = arith.sitofp %sub3A_565 : i32 to f32
        %mul3A_567 = arith.constant 1.200000e+00 : f32
        %mul3A_568 = arith.mulf %mul3A_567, %convert_element_type3A_566 : f32
        %sub3A_569 = arith.subi %mul3A_563, %mul3A_533 : i32
        %jit3A_570 = arith.constant 128 : i32
        %div3A_571 = arith.divsi %sub3A_569, %jit3A_570 : i32
        %sign3A_572 = arith.constant 0 : i32
        %sign3A_573 = arith.cmpi sgt, %sub3A_569, %sign3A_572 : i32
        %sign3A_574 = arith.extui %sign3A_573 : i1 to i32
        %sign3A_575 = arith.constant 0 : i32
        %sign3A_576 = arith.cmpi slt, %sub3A_569, %sign3A_575 : i32
        %sign3A_577 = arith.extui %sign3A_576 : i1 to i32
        %sign3A_578 = arith.subi %sign3A_574, %sign3A_577 : i32
        %sign3A_579 = arith.constant 0 : i32
        %sign3A_580 = arith.cmpi sgt, %jit3A_570, %sign3A_579 : i32
        %sign3A_581 = arith.extui %sign3A_580 : i1 to i32
        %sign3A_582 = arith.constant 0 : i32
        %sign3A_583 = arith.cmpi slt, %jit3A_570, %sign3A_582 : i32
        %sign3A_584 = arith.extui %sign3A_583 : i1 to i32
        %sign3A_585 = arith.subi %sign3A_581, %sign3A_584 : i32
        %ne3A_586 = arith.cmpi ne, %sign3A_578, %sign3A_585 : i32
        %rem3A_587 = arith.remsi %sub3A_569, %jit3A_570 : i32
        %ne3A_588 = arith.constant 0 : i32
        %ne3A_589 = arith.cmpi ne, %rem3A_587, %ne3A_588 : i32
        %and3A_590 = arith.andi %ne3A_586, %ne3A_589 : i1
        %sub3A_591 = arith.constant 1 : i32
        %sub3A_592 = arith.subi %div3A_571, %sub3A_591 : i32
        %select_n3A_593 = arith.select %and3A_590, %sub3A_592, %div3A_571 : i32
        %scan3A_594 = arith.constant 0.000000e+00 : f32
        %scan3A_595 = arith.constant 0 : i32
        %scan3A_596 = arith.constant 30 : i32
        %scan3A_597 = arith.addi %scan3A_595, %scan3A_596 : i32
        %scan3A_598 = arith.constant 1 : i32
        %scan3A_599:3 = scf.for %scan3A_604 = %scan3A_595 to %scan3A_597 step %scan3A_598 iter_args(%scan3A_605 = %sub3A_503, %scan3A_606 = %add3A_507, %scan3A_607 = %scan3A_594) -> (f32, f32, f32)  : i32 {
          %add3A_608 = arith.addf %scan3A_605, %scan3A_606 : f32
          %mul3A_609 = arith.constant 5.000000e-01 : f32
          %mul3A_610 = arith.mulf %mul3A_609, %add3A_608 : f32
          %while3A_611 = arith.constant 0 : i32
          %while3A_612 = arith.subi %select_n3A_593, %while3A_611 : i32
          %while3A_613 = arith.addi %while3A_611, %while3A_612 : i32
          %while3A_614 = arith.constant 1 : i32
          %while3A_615 = arith.divsi %while3A_612, %while3A_614 : i32
          %while3A_616 = arith.muli %while3A_615, %while3A_614 : i32
          %while3A_617 = arith.addi %while3A_611, %while3A_616 : i32
          %while3A_618 = arith.constant 1 : i32
          %while3A_619:4 = scf.for %while3A_633 = %while3A_611 to %while3A_617 step %while3A_618 iter_args(%while3A_634 = %broadcast_in_dim3A_0, %while3A_635 = %broadcast_in_dim3A_0, %while3A_636 = %broadcast_in_dim3A_0, %while3A_637 = %broadcast_in_dim3A_0) -> (vector<16xf32>, vector<16xf32>, vector<16xf32>, vector<16xf32>)  : i32 {
            %mul3A_638 = arith.constant 128 : i32
            %mul3A_639 = arith.muli %while3A_633, %mul3A_638 : i32
            %add3A_640 = arith.addi %mul3A_533, %mul3A_639 : i32
            %add3A_641 = arith.constant 0 : i32
            %add3A_642 = arith.addi %add3A_640, %add3A_641 : i32
            %get3A_643 = arith.index_cast %add3A_642 : i32 to index
            %get3A_644 = tpu.vector_load %arg12[%get3A_643] {strides = array<i32>} : memref<32768xf32, #tpu.memory_space<vmem>>, vector<16xf32>,
            %add3A_645 = vector.broadcast %mul3A_610 : f32 to vector<16xf32>
            %add3A_646 = arith.addf %get3A_644, %add3A_645 : vector<16xf32>
            %max3A = arith.constant 8.000000e-01 : f32
            %max3A_647 = vector.broadcast %max3A : f32 to vector<16xf32>
            %max3A_648 = arith.maximumf %add3A_646, %max3A_647 : vector<16xf32>
            %min3A = arith.constant 1.200000e+00 : f32
            %min3A_649 = vector.broadcast %min3A : f32 to vector<16xf32>
            %min3A_650 = arith.minimumf %max3A_648, %min3A_649 : vector<16xf32>
            %add3A_651 = arith.addf %while3A_634, %min3A_650 : vector<16xf32>
            %add3A_652 = arith.constant 16 : i32
            %add3A_653 = arith.addi %add3A_640, %add3A_652 : i32
            %get3A_654 = arith.index_cast %add3A_653 : i32 to index
            %get3A_655 = tpu.vector_load %arg12[%get3A_654] {strides = array<i32>} : memref<32768xf32, #tpu.memory_space<vmem>>, vector<16xf32>,
            %add3A_656 = vector.broadcast %mul3A_610 : f32 to vector<16xf32>
            %add3A_657 = arith.addf %get3A_655, %add3A_656 : vector<16xf32>
            %max3A_658 = arith.constant 8.000000e-01 : f32
            %max3A_659 = vector.broadcast %max3A_658 : f32 to vector<16xf32>
            %max3A_660 = arith.maximumf %add3A_657, %max3A_659 : vector<16xf32>
            %min3A_661 = arith.constant 1.200000e+00 : f32
            %min3A_662 = vector.broadcast %min3A_661 : f32 to vector<16xf32>
            %min3A_663 = arith.minimumf %max3A_660, %min3A_662 : vector<16xf32>
            %add3A_664 = arith.addf %while3A_635, %min3A_663 : vector<16xf32>
            %add3A_665 = arith.constant 32 : i32
            %add3A_666 = arith.addi %add3A_640, %add3A_665 : i32
            %get3A_667 = arith.index_cast %add3A_666 : i32 to index
            %get3A_668 = tpu.vector_load %arg12[%get3A_667] {strides = array<i32>} : memref<32768xf32, #tpu.memory_space<vmem>>, vector<16xf32>,
            %add3A_669 = vector.broadcast %mul3A_610 : f32 to vector<16xf32>
            %add3A_670 = arith.addf %get3A_668, %add3A_669 : vector<16xf32>
            %max3A_671 = arith.constant 8.000000e-01 : f32
            %max3A_672 = vector.broadcast %max3A_671 : f32 to vector<16xf32>
            %max3A_673 = arith.maximumf %add3A_670, %max3A_672 : vector<16xf32>
            %min3A_674 = arith.constant 1.200000e+00 : f32
            %min3A_675 = vector.broadcast %min3A_674 : f32 to vector<16xf32>
            %min3A_676 = arith.minimumf %max3A_673, %min3A_675 : vector<16xf32>
            %add3A_677 = arith.addf %while3A_636, %min3A_676 : vector<16xf32>
            %add3A_678 = arith.constant 48 : i32
            %add3A_679 = arith.addi %add3A_640, %add3A_678 : i32
            %get3A_680 = arith.index_cast %add3A_679 : i32 to index
            %get3A_681 = tpu.vector_load %arg12[%get3A_680] {strides = array<i32>} : memref<32768xf32, #tpu.memory_space<vmem>>, vector<16xf32>,
            %add3A_682 = vector.broadcast %mul3A_610 : f32 to vector<16xf32>
            %add3A_683 = arith.addf %get3A_681, %add3A_682 : vector<16xf32>
            %max3A_684 = arith.constant 8.000000e-01 : f32
            %max3A_685 = vector.broadcast %max3A_684 : f32 to vector<16xf32>
            %max3A_686 = arith.maximumf %add3A_683, %max3A_685 : vector<16xf32>
            %min3A_687 = arith.constant 1.200000e+00 : f32
            %min3A_688 = vector.broadcast %min3A_687 : f32 to vector<16xf32>
            %min3A_689 = arith.minimumf %max3A_686, %min3A_688 : vector<16xf32>
            %add3A_690 = arith.addf %while3A_637, %min3A_689 : vector<16xf32>
            %add3A_691 = arith.constant 64 : i32
            %add3A_692 = arith.addi %add3A_640, %add3A_691 : i32
            %get3A_693 = arith.index_cast %add3A_692 : i32 to index
            %get3A_694 = tpu.vector_load %arg12[%get3A_693] {strides = array<i32>} : memref<32768xf32, #tpu.memory_space<vmem>>, vector<16xf32>,
            %add3A_695 = vector.broadcast %mul3A_610 : f32 to vector<16xf32>
            %add3A_696 = arith.addf %get3A_694, %add3A_695 : vector<16xf32>
            %max3A_697 = arith.constant 8.000000e-01 : f32
            %max3A_698 = vector.broadcast %max3A_697 : f32 to vector<16xf32>
            %max3A_699 = arith.maximumf %add3A_696, %max3A_698 : vector<16xf32>
            %min3A_700 = arith.constant 1.200000e+00 : f32
            %min3A_701 = vector.broadcast %min3A_700 : f32 to vector<16xf32>
            %min3A_702 = arith.minimumf %max3A_699, %min3A_701 : vector<16xf32>
            %add3A_703 = arith.addf %add3A_651, %min3A_702 : vector<16xf32>
            %add3A_704 = arith.constant 80 : i32
            %add3A_705 = arith.addi %add3A_640, %add3A_704 : i32
            %get3A_706 = arith.index_cast %add3A_705 : i32 to index
            %get3A_707 = tpu.vector_load %arg12[%get3A_706] {strides = array<i32>} : memref<32768xf32, #tpu.memory_space<vmem>>, vector<16xf32>,
            %add3A_708 = vector.broadcast %mul3A_610 : f32 to vector<16xf32>
            %add3A_709 = arith.addf %get3A_707, %add3A_708 : vector<16xf32>
            %max3A_710 = arith.constant 8.000000e-01 : f32
            %max3A_711 = vector.broadcast %max3A_710 : f32 to vector<16xf32>
            %max3A_712 = arith.maximumf %add3A_709, %max3A_711 : vector<16xf32>
            %min3A_713 = arith.constant 1.200000e+00 : f32
            %min3A_714 = vector.broadcast %min3A_713 : f32 to vector<16xf32>
            %min3A_715 = arith.minimumf %max3A_712, %min3A_714 : vector<16xf32>
            %add3A_716 = arith.addf %add3A_664, %min3A_715 : vector<16xf32>
            %add3A_717 = arith.constant 96 : i32
            %add3A_718 = arith.addi %add3A_640, %add3A_717 : i32
            %get3A_719 = arith.index_cast %add3A_718 : i32 to index
            %get3A_720 = tpu.vector_load %arg12[%get3A_719] {strides = array<i32>} : memref<32768xf32, #tpu.memory_space<vmem>>, vector<16xf32>,
            %add3A_721 = vector.broadcast %mul3A_610 : f32 to vector<16xf32>
            %add3A_722 = arith.addf %get3A_720, %add3A_721 : vector<16xf32>
            %max3A_723 = arith.constant 8.000000e-01 : f32
            %max3A_724 = vector.broadcast %max3A_723 : f32 to vector<16xf32>
            %max3A_725 = arith.maximumf %add3A_722, %max3A_724 : vector<16xf32>
            %min3A_726 = arith.constant 1.200000e+00 : f32
            %min3A_727 = vector.broadcast %min3A_726 : f32 to vector<16xf32>
            %min3A_728 = arith.minimumf %max3A_725, %min3A_727 : vector<16xf32>
            %add3A_729 = arith.addf %add3A_677, %min3A_728 : vector<16xf32>
            %add3A_730 = arith.constant 112 : i32
            %add3A_731 = arith.addi %add3A_640, %add3A_730 : i32
            %get3A_732 = arith.index_cast %add3A_731 : i32 to index
            %get3A_733 = tpu.vector_load %arg12[%get3A_732] {strides = array<i32>} : memref<32768xf32, #tpu.memory_space<vmem>>, vector<16xf32>,
            %add3A_734 = vector.broadcast %mul3A_610 : f32 to vector<16xf32>
            %add3A_735 = arith.addf %get3A_733, %add3A_734 : vector<16xf32>
            %max3A_736 = arith.constant 8.000000e-01 : f32
            %max3A_737 = vector.broadcast %max3A_736 : f32 to vector<16xf32>
            %max3A_738 = arith.maximumf %add3A_735, %max3A_737 : vector<16xf32>
            %min3A_739 = arith.constant 1.200000e+00 : f32
            %min3A_740 = vector.broadcast %min3A_739 : f32 to vector<16xf32>
            %min3A_741 = arith.minimumf %max3A_738, %min3A_740 : vector<16xf32>
            %add3A_742 = arith.addf %add3A_690, %min3A_741 : vector<16xf32>
            scf.yield %add3A_703, %add3A_716, %add3A_729, %add3A_742 : vector<16xf32>, vector<16xf32>, vector<16xf32>, vector<16xf32>
          }
          %while3A_620 = arith.constant 1 : i32
          %while3A_621:4 = scf.for %while3A_633 = %while3A_617 to %while3A_613 step %while3A_620 iter_args(%while3A_634 = %while3A_619#0, %while3A_635 = %while3A_619#1, %while3A_636 = %while3A_619#2, %while3A_637 = %while3A_619#3) -> (vector<16xf32>, vector<16xf32>, vector<16xf32>, vector<16xf32>)  : i32 {
            %mul3A_638 = arith.constant 128 : i32
            %mul3A_639 = arith.muli %while3A_633, %mul3A_638 : i32
            %add3A_640 = arith.addi %mul3A_533, %mul3A_639 : i32
            %add3A_641 = arith.constant 0 : i32
            %add3A_642 = arith.addi %add3A_640, %add3A_641 : i32
            %get3A_643 = arith.index_cast %add3A_642 : i32 to index
            %get3A_644 = tpu.vector_load %arg12[%get3A_643] {strides = array<i32>} : memref<32768xf32, #tpu.memory_space<vmem>>, vector<16xf32>,
            %add3A_645 = vector.broadcast %mul3A_610 : f32 to vector<16xf32>
            %add3A_646 = arith.addf %get3A_644, %add3A_645 : vector<16xf32>
            %max3A = arith.constant 8.000000e-01 : f32
            %max3A_647 = vector.broadcast %max3A : f32 to vector<16xf32>
            %max3A_648 = arith.maximumf %add3A_646, %max3A_647 : vector<16xf32>
            %min3A = arith.constant 1.200000e+00 : f32
            %min3A_649 = vector.broadcast %min3A : f32 to vector<16xf32>
            %min3A_650 = arith.minimumf %max3A_648, %min3A_649 : vector<16xf32>
            %add3A_651 = arith.addf %while3A_634, %min3A_650 : vector<16xf32>
            %add3A_652 = arith.constant 16 : i32
            %add3A_653 = arith.addi %add3A_640, %add3A_652 : i32
            %get3A_654 = arith.index_cast %add3A_653 : i32 to index
            %get3A_655 = tpu.vector_load %arg12[%get3A_654] {strides = array<i32>} : memref<32768xf32, #tpu.memory_space<vmem>>, vector<16xf32>,
            %add3A_656 = vector.broadcast %mul3A_610 : f32 to vector<16xf32>
            %add3A_657 = arith.addf %get3A_655, %add3A_656 : vector<16xf32>
            %max3A_658 = arith.constant 8.000000e-01 : f32
            %max3A_659 = vector.broadcast %max3A_658 : f32 to vector<16xf32>
            %max3A_660 = arith.maximumf %add3A_657, %max3A_659 : vector<16xf32>
            %min3A_661 = arith.constant 1.200000e+00 : f32
            %min3A_662 = vector.broadcast %min3A_661 : f32 to vector<16xf32>
            %min3A_663 = arith.minimumf %max3A_660, %min3A_662 : vector<16xf32>
            %add3A_664 = arith.addf %while3A_635, %min3A_663 : vector<16xf32>
            %add3A_665 = arith.constant 32 : i32
            %add3A_666 = arith.addi %add3A_640, %add3A_665 : i32
            %get3A_667 = arith.index_cast %add3A_666 : i32 to index
            %get3A_668 = tpu.vector_load %arg12[%get3A_667] {strides = array<i32>} : memref<32768xf32, #tpu.memory_space<vmem>>, vector<16xf32>,
            %add3A_669 = vector.broadcast %mul3A_610 : f32 to vector<16xf32>
            %add3A_670 = arith.addf %get3A_668, %add3A_669 : vector<16xf32>
            %max3A_671 = arith.constant 8.000000e-01 : f32
            %max3A_672 = vector.broadcast %max3A_671 : f32 to vector<16xf32>
            %max3A_673 = arith.maximumf %add3A_670, %max3A_672 : vector<16xf32>
            %min3A_674 = arith.constant 1.200000e+00 : f32
            %min3A_675 = vector.broadcast %min3A_674 : f32 to vector<16xf32>
            %min3A_676 = arith.minimumf %max3A_673, %min3A_675 : vector<16xf32>
            %add3A_677 = arith.addf %while3A_636, %min3A_676 : vector<16xf32>
            %add3A_678 = arith.constant 48 : i32
            %add3A_679 = arith.addi %add3A_640, %add3A_678 : i32
            %get3A_680 = arith.index_cast %add3A_679 : i32 to index
            %get3A_681 = tpu.vector_load %arg12[%get3A_680] {strides = array<i32>} : memref<32768xf32, #tpu.memory_space<vmem>>, vector<16xf32>,
            %add3A_682 = vector.broadcast %mul3A_610 : f32 to vector<16xf32>
            %add3A_683 = arith.addf %get3A_681, %add3A_682 : vector<16xf32>
            %max3A_684 = arith.constant 8.000000e-01 : f32
            %max3A_685 = vector.broadcast %max3A_684 : f32 to vector<16xf32>
            %max3A_686 = arith.maximumf %add3A_683, %max3A_685 : vector<16xf32>
            %min3A_687 = arith.constant 1.200000e+00 : f32
            %min3A_688 = vector.broadcast %min3A_687 : f32 to vector<16xf32>
            %min3A_689 = arith.minimumf %max3A_686, %min3A_688 : vector<16xf32>
            %add3A_690 = arith.addf %while3A_637, %min3A_689 : vector<16xf32>
            %add3A_691 = arith.constant 64 : i32
            %add3A_692 = arith.addi %add3A_640, %add3A_691 : i32
            %get3A_693 = arith.index_cast %add3A_692 : i32 to index
            %get3A_694 = tpu.vector_load %arg12[%get3A_693] {strides = array<i32>} : memref<32768xf32, #tpu.memory_space<vmem>>, vector<16xf32>,
            %add3A_695 = vector.broadcast %mul3A_610 : f32 to vector<16xf32>
            %add3A_696 = arith.addf %get3A_694, %add3A_695 : vector<16xf32>
            %max3A_697 = arith.constant 8.000000e-01 : f32
            %max3A_698 = vector.broadcast %max3A_697 : f32 to vector<16xf32>
            %max3A_699 = arith.maximumf %add3A_696, %max3A_698 : vector<16xf32>
            %min3A_700 = arith.constant 1.200000e+00 : f32
            %min3A_701 = vector.broadcast %min3A_700 : f32 to vector<16xf32>
            %min3A_702 = arith.minimumf %max3A_699, %min3A_701 : vector<16xf32>
            %add3A_703 = arith.addf %add3A_651, %min3A_702 : vector<16xf32>
            %add3A_704 = arith.constant 80 : i32
            %add3A_705 = arith.addi %add3A_640, %add3A_704 : i32
            %get3A_706 = arith.index_cast %add3A_705 : i32 to index
            %get3A_707 = tpu.vector_load %arg12[%get3A_706] {strides = array<i32>} : memref<32768xf32, #tpu.memory_space<vmem>>, vector<16xf32>,
            %add3A_708 = vector.broadcast %mul3A_610 : f32 to vector<16xf32>
            %add3A_709 = arith.addf %get3A_707, %add3A_708 : vector<16xf32>
            %max3A_710 = arith.constant 8.000000e-01 : f32
            %max3A_711 = vector.broadcast %max3A_710 : f32 to vector<16xf32>
            %max3A_712 = arith.maximumf %add3A_709, %max3A_711 : vector<16xf32>
            %min3A_713 = arith.constant 1.200000e+00 : f32
            %min3A_714 = vector.broadcast %min3A_713 : f32 to vector<16xf32>
            %min3A_715 = arith.minimumf %max3A_712, %min3A_714 : vector<16xf32>
            %add3A_716 = arith.addf %add3A_664, %min3A_715 : vector<16xf32>
            %add3A_717 = arith.constant 96 : i32
            %add3A_718 = arith.addi %add3A_640, %add3A_717 : i32
            %get3A_719 = arith.index_cast %add3A_718 : i32 to index
            %get3A_720 = tpu.vector_load %arg12[%get3A_719] {strides = array<i32>} : memref<32768xf32, #tpu.memory_space<vmem>>, vector<16xf32>,
            %add3A_721 = vector.broadcast %mul3A_610 : f32 to vector<16xf32>
            %add3A_722 = arith.addf %get3A_720, %add3A_721 : vector<16xf32>
            %max3A_723 = arith.constant 8.000000e-01 : f32
            %max3A_724 = vector.broadcast %max3A_723 : f32 to vector<16xf32>
            %max3A_725 = arith.maximumf %add3A_722, %max3A_724 : vector<16xf32>
            %min3A_726 = arith.constant 1.200000e+00 : f32
            %min3A_727 = vector.broadcast %min3A_726 : f32 to vector<16xf32>
            %min3A_728 = arith.minimumf %max3A_725, %min3A_727 : vector<16xf32>
            %add3A_729 = arith.addf %add3A_677, %min3A_728 : vector<16xf32>
            %add3A_730 = arith.constant 112 : i32
            %add3A_731 = arith.addi %add3A_640, %add3A_730 : i32
            %get3A_732 = arith.index_cast %add3A_731 : i32 to index
            %get3A_733 = tpu.vector_load %arg12[%get3A_732] {strides = array<i32>} : memref<32768xf32, #tpu.memory_space<vmem>>, vector<16xf32>,
            %add3A_734 = vector.broadcast %mul3A_610 : f32 to vector<16xf32>
            %add3A_735 = arith.addf %get3A_733, %add3A_734 : vector<16xf32>
            %max3A_736 = arith.constant 8.000000e-01 : f32
            %max3A_737 = vector.broadcast %max3A_736 : f32 to vector<16xf32>
            %max3A_738 = arith.maximumf %add3A_735, %max3A_737 : vector<16xf32>
            %min3A_739 = arith.constant 1.200000e+00 : f32
            %min3A_740 = vector.broadcast %min3A_739 : f32 to vector<16xf32>
            %min3A_741 = arith.minimumf %max3A_738, %min3A_740 : vector<16xf32>
            %add3A_742 = arith.addf %add3A_690, %min3A_741 : vector<16xf32>
            scf.yield %add3A_703, %add3A_716, %add3A_729, %add3A_742 : vector<16xf32>, vector<16xf32>, vector<16xf32>, vector<16xf32>
          }
          %add3A_622 = arith.addf %while3A_621#0, %while3A_621#1 : vector<16xf32>
          %add3A_623 = arith.addf %while3A_621#2, %while3A_621#3 : vector<16xf32>
          %add3A_624 = arith.addf %add3A_622, %add3A_623 : vector<16xf32>
          %reduce_sum3A_625 = arith.constant true
          %reduce_sum3A_626 = vector.broadcast %reduce_sum3A_625 : i1 to vector<16xi1>
          %reduce_sum3A_627 = tpu.scan <sum>, %add3A_624 masked %reduce_sum3A_626 : vector<16xf32>, vector<16xi1> -> vector<16xf32>
          %reduce_sum3A_628 = vector.extract %reduce_sum3A_627[15] : f32 from vector<16xf32>
          %sub3A_629 = arith.subf %reduce_sum3A_628, %mul3A_568 : f32
          %lt3A_630 = arith.cmpf olt, %sub3A_629, %select_n3A_248 : f32
          %select_n3A_631 = arith.select %lt3A_630, %mul3A_610, %scan3A_605 : f32
          %select_n3A_632 = arith.select %lt3A_630, %scan3A_606, %mul3A_610 : f32
          scf.yield %select_n3A_631, %select_n3A_632, %mul3A_610 : f32, f32, f32
        }
        %scan3A_600 = arith.constant 30 : i32
        %broadcast_in_dim3A_601 = vector.broadcast %scan3A_599#2 : f32 to vector<16xf32>
        %swap3A_602 = arith.constant 0 : index
        %swap3A_603 = tpu.vector_load %arg19[%swap3A_602] {strides = array<i32>} : memref<16xf32, #tpu.memory_space<vmem>>, vector<16xf32>,
        tpu.vector_store %arg19[%swap3A_602], %broadcast_in_dim3A_601 {strides = array<i32>} : memref<16xf32, #tpu.memory_space<vmem>>, vector<16xf32>,
      } else {
      }
      "tpu.region"() ({
        %run_scoped3A = tpu.sem_alloc : memref<!tpu.dma_semaphore, #tpu.memory_space<semaphore_mem>>
        %dma_start3A_404 = arith.constant 0 : i32
        %dma_start3A_405 = tpu.memref_slice %arg7[%arg1, %dma_start3A_404] : memref<16x16xf32, #tpu.memory_space<hbm>> -> memref<1x16xf32, #tpu.memory_space<hbm>>
        %dma_start3A_406 = tpu.memref_squeeze %dma_start3A_405 : memref<1x16xf32, #tpu.memory_space<hbm>> -> memref<16xf32, #tpu.memory_space<hbm>>
        %dma_start3A_407 = arith.constant 0 : i32
        %dma_start3A_408 = tpu.memref_slice %arg7[%arg1, %dma_start3A_407] : memref<16x16xf32, #tpu.memory_space<hbm>> -> memref<1x16xf32, #tpu.memory_space<hbm>>
        %dma_start3A_409 = tpu.memref_squeeze %dma_start3A_408 : memref<1x16xf32, #tpu.memory_space<hbm>> -> memref<16xf32, #tpu.memory_space<hbm>>
        tpu.enqueue_dma source(%arg19 : memref<16xf32, #tpu.memory_space<vmem>>) target(%dma_start3A_409 : memref<16xf32, #tpu.memory_space<hbm>>) target_semaphore(%run_scoped3A : memref<!tpu.dma_semaphore, #tpu.memory_space<semaphore_mem>>)
        %dma_wait3A_410 = arith.constant 0 : i32
        %dma_wait3A_411 = tpu.memref_slice %arg7[%arg1, %dma_wait3A_410] : memref<16x16xf32, #tpu.memory_space<hbm>> -> memref<1x16xf32, #tpu.memory_space<hbm>>
        %dma_wait3A_412 = tpu.memref_squeeze %dma_wait3A_411 : memref<1x16xf32, #tpu.memory_space<hbm>> -> memref<16xf32, #tpu.memory_space<hbm>>
        %dma_wait3A_413 = arith.constant 0 : i32
        %dma_wait3A_414 = tpu.memref_slice %arg7[%arg1, %dma_wait3A_413] : memref<16x16xf32, #tpu.memory_space<hbm>> -> memref<1x16xf32, #tpu.memory_space<hbm>>
        %dma_wait3A_415 = tpu.memref_squeeze %dma_wait3A_414 : memref<1x16xf32, #tpu.memory_space<hbm>> -> memref<16xf32, #tpu.memory_space<hbm>>
        tpu.wait_dma2 semaphore(%run_scoped3A : memref<!tpu.dma_semaphore, #tpu.memory_space<semaphore_mem>>) src(%arg19 : memref<16xf32, #tpu.memory_space<vmem>>) dst(%dma_wait3A_415 : memref<16xf32, #tpu.memory_space<hbm>>)
        tpu.yield
      }) : () -> ()
      %barrier3A_267 = arith.constant 0 : index
      tpu.barrier barrier_id(%barrier3A_267)
      "tpu.region"() ({
        %run_scoped3A = tpu.sem_alloc : memref<!tpu.dma_semaphore, #tpu.memory_space<semaphore_mem>>
        tpu.enqueue_dma source(%arg7 : memref<16x16xf32, #tpu.memory_space<hbm>>) target(%arg20 : memref<16x16xf32, #tpu.memory_space<vmem>>) target_semaphore(%run_scoped3A : memref<!tpu.dma_semaphore, #tpu.memory_space<semaphore_mem>>)
        tpu.wait_dma2 semaphore(%run_scoped3A : memref<!tpu.dma_semaphore, #tpu.memory_space<semaphore_mem>>) src(%arg7 : memref<16x16xf32, #tpu.memory_space<hbm>>) dst(%arg20 : memref<16x16xf32, #tpu.memory_space<vmem>>)
        tpu.yield
      }) : () -> ()
      %eq3A_268 = arith.constant 0 : i32
      %eq3A_269 = vector.broadcast %eq3A_268 : i32 to vector<16xi32>
      %eq3A_270 = arith.cmpi eq, %iota3A, %eq3A_269 : vector<16xi32>
      %get3A_271 = arith.constant 0 : i32
      %get3A_272 = arith.index_cast %get3A_271 : i32 to index
      %get3A_273 = arith.constant 0 : index
      %get3A_274 = tpu.vector_load %arg20[%get3A_272, %get3A_273] {strides = array<i32>} : memref<16x16xf32, #tpu.memory_space<vmem>>, vector<16xf32>,
      %select_n3A_275 = arith.select %eq3A_270, %get3A_274, %broadcast_in_dim3A_0 : vector<16xi1>, vector<16xf32>
      %eq3A_276 = arith.constant 1 : i32
      %eq3A_277 = vector.broadcast %eq3A_276 : i32 to vector<16xi32>
      %eq3A_278 = arith.cmpi eq, %iota3A, %eq3A_277 : vector<16xi32>
      %get3A_279 = arith.constant 1 : i32
      %get3A_280 = arith.index_cast %get3A_279 : i32 to index
      %get3A_281 = arith.constant 0 : index
      %get3A_282 = tpu.vector_load %arg20[%get3A_280, %get3A_281] {strides = array<i32>} : memref<16x16xf32, #tpu.memory_space<vmem>>, vector<16xf32>,
      %select_n3A_283 = arith.select %eq3A_278, %get3A_282, %select_n3A_275 : vector<16xi1>, vector<16xf32>
      %eq3A_284 = arith.constant 2 : i32
      %eq3A_285 = vector.broadcast %eq3A_284 : i32 to vector<16xi32>
      %eq3A_286 = arith.cmpi eq, %iota3A, %eq3A_285 : vector<16xi32>
      %get3A_287 = arith.constant 2 : i32
      %get3A_288 = arith.index_cast %get3A_287 : i32 to index
      %get3A_289 = arith.constant 0 : index
      %get3A_290 = tpu.vector_load %arg20[%get3A_288, %get3A_289] {strides = array<i32>} : memref<16x16xf32, #tpu.memory_space<vmem>>, vector<16xf32>,
      %select_n3A_291 = arith.select %eq3A_286, %get3A_290, %select_n3A_283 : vector<16xi1>, vector<16xf32>
      %eq3A_292 = arith.constant 3 : i32
      %eq3A_293 = vector.broadcast %eq3A_292 : i32 to vector<16xi32>
      %eq3A_294 = arith.cmpi eq, %iota3A, %eq3A_293 : vector<16xi32>
      %get3A_295 = arith.constant 3 : i32
      %get3A_296 = arith.index_cast %get3A_295 : i32 to index
      %get3A_297 = arith.constant 0 : index
      %get3A_298 = tpu.vector_load %arg20[%get3A_296, %get3A_297] {strides = array<i32>} : memref<16x16xf32, #tpu.memory_space<vmem>>, vector<16xf32>,
      %select_n3A_299 = arith.select %eq3A_294, %get3A_298, %select_n3A_291 : vector<16xi1>, vector<16xf32>
      %eq3A_300 = arith.constant 4 : i32
      %eq3A_301 = vector.broadcast %eq3A_300 : i32 to vector<16xi32>
      %eq3A_302 = arith.cmpi eq, %iota3A, %eq3A_301 : vector<16xi32>
      %get3A_303 = arith.constant 4 : i32
      %get3A_304 = arith.index_cast %get3A_303 : i32 to index
      %get3A_305 = arith.constant 0 : index
      %get3A_306 = tpu.vector_load %arg20[%get3A_304, %get3A_305] {strides = array<i32>} : memref<16x16xf32, #tpu.memory_space<vmem>>, vector<16xf32>,
      %select_n3A_307 = arith.select %eq3A_302, %get3A_306, %select_n3A_299 : vector<16xi1>, vector<16xf32>
      %eq3A_308 = arith.constant 5 : i32
      %eq3A_309 = vector.broadcast %eq3A_308 : i32 to vector<16xi32>
      %eq3A_310 = arith.cmpi eq, %iota3A, %eq3A_309 : vector<16xi32>
      %get3A_311 = arith.constant 5 : i32
      %get3A_312 = arith.index_cast %get3A_311 : i32 to index
      %get3A_313 = arith.constant 0 : index
      %get3A_314 = tpu.vector_load %arg20[%get3A_312, %get3A_313] {strides = array<i32>} : memref<16x16xf32, #tpu.memory_space<vmem>>, vector<16xf32>,
      %select_n3A_315 = arith.select %eq3A_310, %get3A_314, %select_n3A_307 : vector<16xi1>, vector<16xf32>
      %eq3A_316 = arith.constant 6 : i32
      %eq3A_317 = vector.broadcast %eq3A_316 : i32 to vector<16xi32>
      %eq3A_318 = arith.cmpi eq, %iota3A, %eq3A_317 : vector<16xi32>
      %get3A_319 = arith.constant 6 : i32
      %get3A_320 = arith.index_cast %get3A_319 : i32 to index
      %get3A_321 = arith.constant 0 : index
      %get3A_322 = tpu.vector_load %arg20[%get3A_320, %get3A_321] {strides = array<i32>} : memref<16x16xf32, #tpu.memory_space<vmem>>, vector<16xf32>,
      %select_n3A_323 = arith.select %eq3A_318, %get3A_322, %select_n3A_315 : vector<16xi1>, vector<16xf32>
      %eq3A_324 = arith.constant 7 : i32
      %eq3A_325 = vector.broadcast %eq3A_324 : i32 to vector<16xi32>
      %eq3A_326 = arith.cmpi eq, %iota3A, %eq3A_325 : vector<16xi32>
      %get3A_327 = arith.constant 7 : i32
      %get3A_328 = arith.index_cast %get3A_327 : i32 to index
      %get3A_329 = arith.constant 0 : index
      %get3A_330 = tpu.vector_load %arg20[%get3A_328, %get3A_329] {strides = array<i32>} : memref<16x16xf32, #tpu.memory_space<vmem>>, vector<16xf32>,
      %select_n3A_331 = arith.select %eq3A_326, %get3A_330, %select_n3A_323 : vector<16xi1>, vector<16xf32>
      %eq3A_332 = arith.constant 8 : i32
      %eq3A_333 = vector.broadcast %eq3A_332 : i32 to vector<16xi32>
      %eq3A_334 = arith.cmpi eq, %iota3A, %eq3A_333 : vector<16xi32>
      %get3A_335 = arith.constant 8 : i32
      %get3A_336 = arith.index_cast %get3A_335 : i32 to index
      %get3A_337 = arith.constant 0 : index
      %get3A_338 = tpu.vector_load %arg20[%get3A_336, %get3A_337] {strides = array<i32>} : memref<16x16xf32, #tpu.memory_space<vmem>>, vector<16xf32>,
      %select_n3A_339 = arith.select %eq3A_334, %get3A_338, %select_n3A_331 : vector<16xi1>, vector<16xf32>
      %eq3A_340 = arith.constant 9 : i32
      %eq3A_341 = vector.broadcast %eq3A_340 : i32 to vector<16xi32>
      %eq3A_342 = arith.cmpi eq, %iota3A, %eq3A_341 : vector<16xi32>
      %get3A_343 = arith.constant 9 : i32
      %get3A_344 = arith.index_cast %get3A_343 : i32 to index
      %get3A_345 = arith.constant 0 : index
      %get3A_346 = tpu.vector_load %arg20[%get3A_344, %get3A_345] {strides = array<i32>} : memref<16x16xf32, #tpu.memory_space<vmem>>, vector<16xf32>,
      %select_n3A_347 = arith.select %eq3A_342, %get3A_346, %select_n3A_339 : vector<16xi1>, vector<16xf32>
      %eq3A_348 = arith.constant 10 : i32
      %eq3A_349 = vector.broadcast %eq3A_348 : i32 to vector<16xi32>
      %eq3A_350 = arith.cmpi eq, %iota3A, %eq3A_349 : vector<16xi32>
      %get3A_351 = arith.constant 10 : i32
      %get3A_352 = arith.index_cast %get3A_351 : i32 to index
      %get3A_353 = arith.constant 0 : index
      %get3A_354 = tpu.vector_load %arg20[%get3A_352, %get3A_353] {strides = array<i32>} : memref<16x16xf32, #tpu.memory_space<vmem>>, vector<16xf32>,
      %select_n3A_355 = arith.select %eq3A_350, %get3A_354, %select_n3A_347 : vector<16xi1>, vector<16xf32>
      %eq3A_356 = arith.constant 11 : i32
      %eq3A_357 = vector.broadcast %eq3A_356 : i32 to vector<16xi32>
      %eq3A_358 = arith.cmpi eq, %iota3A, %eq3A_357 : vector<16xi32>
      %get3A_359 = arith.constant 11 : i32
      %get3A_360 = arith.index_cast %get3A_359 : i32 to index
      %get3A_361 = arith.constant 0 : index
      %get3A_362 = tpu.vector_load %arg20[%get3A_360, %get3A_361] {strides = array<i32>} : memref<16x16xf32, #tpu.memory_space<vmem>>, vector<16xf32>,
      %select_n3A_363 = arith.select %eq3A_358, %get3A_362, %select_n3A_355 : vector<16xi1>, vector<16xf32>
      %eq3A_364 = arith.constant 12 : i32
      %eq3A_365 = vector.broadcast %eq3A_364 : i32 to vector<16xi32>
      %eq3A_366 = arith.cmpi eq, %iota3A, %eq3A_365 : vector<16xi32>
      %get3A_367 = arith.constant 12 : i32
      %get3A_368 = arith.index_cast %get3A_367 : i32 to index
      %get3A_369 = arith.constant 0 : index
      %get3A_370 = tpu.vector_load %arg20[%get3A_368, %get3A_369] {strides = array<i32>} : memref<16x16xf32, #tpu.memory_space<vmem>>, vector<16xf32>,
      %select_n3A_371 = arith.select %eq3A_366, %get3A_370, %select_n3A_363 : vector<16xi1>, vector<16xf32>
      %eq3A_372 = arith.constant 13 : i32
      %eq3A_373 = vector.broadcast %eq3A_372 : i32 to vector<16xi32>
      %eq3A_374 = arith.cmpi eq, %iota3A, %eq3A_373 : vector<16xi32>
      %get3A_375 = arith.constant 13 : i32
      %get3A_376 = arith.index_cast %get3A_375 : i32 to index
      %get3A_377 = arith.constant 0 : index
      %get3A_378 = tpu.vector_load %arg20[%get3A_376, %get3A_377] {strides = array<i32>} : memref<16x16xf32, #tpu.memory_space<vmem>>, vector<16xf32>,
      %select_n3A_379 = arith.select %eq3A_374, %get3A_378, %select_n3A_371 : vector<16xi1>, vector<16xf32>
      %eq3A_380 = arith.constant 14 : i32
      %eq3A_381 = vector.broadcast %eq3A_380 : i32 to vector<16xi32>
      %eq3A_382 = arith.cmpi eq, %iota3A, %eq3A_381 : vector<16xi32>
      %get3A_383 = arith.constant 14 : i32
      %get3A_384 = arith.index_cast %get3A_383 : i32 to index
      %get3A_385 = arith.constant 0 : index
      %get3A_386 = tpu.vector_load %arg20[%get3A_384, %get3A_385] {strides = array<i32>} : memref<16x16xf32, #tpu.memory_space<vmem>>, vector<16xf32>,
      %select_n3A_387 = arith.select %eq3A_382, %get3A_386, %select_n3A_379 : vector<16xi1>, vector<16xf32>
      %eq3A_388 = arith.constant 15 : i32
      %eq3A_389 = vector.broadcast %eq3A_388 : i32 to vector<16xi32>
      %eq3A_390 = arith.cmpi eq, %iota3A, %eq3A_389 : vector<16xi32>
      %get3A_391 = arith.constant 15 : i32
      %get3A_392 = arith.index_cast %get3A_391 : i32 to index
      %get3A_393 = arith.constant 0 : index
      %get3A_394 = tpu.vector_load %arg20[%get3A_392, %get3A_393] {strides = array<i32>} : memref<16x16xf32, #tpu.memory_space<vmem>>, vector<16xf32>,
      %select_n3A_395 = arith.select %eq3A_390, %get3A_394, %select_n3A_387 : vector<16xi1>, vector<16xf32>
      %swap3A_396 = arith.constant 0 : index
      %swap3A_397 = tpu.vector_load %arg21[%swap3A_396] {strides = array<i32>} : memref<16xf32, #tpu.memory_space<vmem>>, vector<16xf32>,
      tpu.vector_store %arg21[%swap3A_396], %select_n3A_395 {strides = array<i32>} : memref<16xf32, #tpu.memory_space<vmem>>, vector<16xf32>,
      %scan3A_398 = arith.constant 0 : i32
      %scan3A_399 = arith.constant 0 : i32
      %scan3A_400 = arith.constant 32 : i32
      %scan3A_401 = arith.addi %scan3A_399, %scan3A_400 : i32
      %scan3A_402 = arith.constant 1 : i32
      scf.for %scan3A_404 = %scan3A_399 to %scan3A_401 step %scan3A_402  : i32 {
        %mul3A_405 = arith.constant 4 : i32
        %mul3A_406 = arith.muli %mul3A_405, %scan3A_404 : i32
        %add3A_407 = arith.constant 0 : i32
        %add3A_408 = arith.addi %mul3A_406, %add3A_407 : i32
        %mul3A_409 = arith.constant 16 : i32
        %mul3A_410 = arith.muli %add3A_408, %mul3A_409 : i32
        %get3A_411 = arith.index_cast %mul3A_410 : i32 to index
        %get3A_412 = tpu.vector_load %arg9[%get3A_411] {strides = array<i32>} : memref<2048xf32, #tpu.memory_space<vmem>>, vector<16xf32>,
        %get3A_413 = arith.index_cast %mul3A_410 : i32 to index
        %get3A_414 = tpu.vector_load %arg10[%get3A_413] {strides = array<i32>} : memref<2048xf32, #tpu.memory_space<vmem>>, vector<16xf32>,
        %get3A_415 = arith.index_cast %mul3A_410 : i32 to index
        %get3A_416 = tpu.vector_load %arg8[%get3A_415] {strides = array<i32>} : memref<2048xi32, #tpu.memory_space<vmem>>, vector<16xi32>,
        %max3A = arith.constant 9.99999971E-10 : f32
        %max3A_417 = vector.broadcast %max3A : f32 to vector<16xf32>
        %max3A_418 = arith.maximumf %get3A_414, %max3A_417 : vector<16xf32>
        %div3A = arith.divf %get3A_412, %max3A_418 : vector<16xf32>
        %gather3A = tpu.vector_load_idx %arg21[%get3A_416] : memref<16xf32, #tpu.memory_space<vmem>>[vector<16xi32>], vector<16xf32>,
        %add3A_419 = arith.addf %div3A, %gather3A : vector<16xf32>
        %max3A_420 = arith.constant 8.000000e-01 : f32
        %max3A_421 = vector.broadcast %max3A_420 : f32 to vector<16xf32>
        %max3A_422 = arith.maximumf %add3A_419, %max3A_421 : vector<16xf32>
        %min3A = arith.constant 1.200000e+00 : f32
        %min3A_423 = vector.broadcast %min3A : f32 to vector<16xf32>
        %min3A_424 = arith.minimumf %max3A_422, %min3A_423 : vector<16xf32>
        %mul3A_425 = arith.mulf %max3A_418, %min3A_424 : vector<16xf32>
        %swap3A_426 = arith.index_cast %mul3A_410 : i32 to index
        %swap3A_427 = tpu.vector_load %arg11[%swap3A_426] {strides = array<i32>} : memref<2048xf32, #tpu.memory_space<vmem>>, vector<16xf32>,
        tpu.vector_store %arg11[%swap3A_426], %mul3A_425 {strides = array<i32>} : memref<2048xf32, #tpu.memory_space<vmem>>, vector<16xf32>,
        %mul3A_428 = arith.constant 4 : i32
        %mul3A_429 = arith.muli %mul3A_428, %scan3A_404 : i32
        %add3A_430 = arith.constant 1 : i32
        %add3A_431 = arith.addi %mul3A_429, %add3A_430 : i32
        %mul3A_432 = arith.constant 16 : i32
        %mul3A_433 = arith.muli %add3A_431, %mul3A_432 : i32
        %get3A_434 = arith.index_cast %mul3A_433 : i32 to index
        %get3A_435 = tpu.vector_load %arg9[%get3A_434] {strides = array<i32>} : memref<2048xf32, #tpu.memory_space<vmem>>, vector<16xf32>,
        %get3A_436 = arith.index_cast %mul3A_433 : i32 to index
        %get3A_437 = tpu.vector_load %arg10[%get3A_436] {strides = array<i32>} : memref<2048xf32, #tpu.memory_space<vmem>>, vector<16xf32>,
        %get3A_438 = arith.index_cast %mul3A_433 : i32 to index
        %get3A_439 = tpu.vector_load %arg8[%get3A_438] {strides = array<i32>} : memref<2048xi32, #tpu.memory_space<vmem>>, vector<16xi32>,
        %max3A_440 = arith.constant 9.99999971E-10 : f32
        %max3A_441 = vector.broadcast %max3A_440 : f32 to vector<16xf32>
        %max3A_442 = arith.maximumf %get3A_437, %max3A_441 : vector<16xf32>
        %div3A_443 = arith.divf %get3A_435, %max3A_442 : vector<16xf32>
        %gather3A_444 = tpu.vector_load_idx %arg21[%get3A_439] : memref<16xf32, #tpu.memory_space<vmem>>[vector<16xi32>], vector<16xf32>,
        %add3A_445 = arith.addf %div3A_443, %gather3A_444 : vector<16xf32>
        %max3A_446 = arith.constant 8.000000e-01 : f32
        %max3A_447 = vector.broadcast %max3A_446 : f32 to vector<16xf32>
        %max3A_448 = arith.maximumf %add3A_445, %max3A_447 : vector<16xf32>
        %min3A_449 = arith.constant 1.200000e+00 : f32
        %min3A_450 = vector.broadcast %min3A_449 : f32 to vector<16xf32>
        %min3A_451 = arith.minimumf %max3A_448, %min3A_450 : vector<16xf32>
        %mul3A_452 = arith.mulf %max3A_442, %min3A_451 : vector<16xf32>
        %swap3A_453 = arith.index_cast %mul3A_433 : i32 to index
        %swap3A_454 = tpu.vector_load %arg11[%swap3A_453] {strides = array<i32>} : memref<2048xf32, #tpu.memory_space<vmem>>, vector<16xf32>,
        tpu.vector_store %arg11[%swap3A_453], %mul3A_452 {strides = array<i32>} : memref<2048xf32, #tpu.memory_space<vmem>>, vector<16xf32>,
        %mul3A_455 = arith.constant 4 : i32
        %mul3A_456 = arith.muli %mul3A_455, %scan3A_404 : i32
        %add3A_457 = arith.constant 2 : i32
        %add3A_458 = arith.addi %mul3A_456, %add3A_457 : i32
        %mul3A_459 = arith.constant 16 : i32
        %mul3A_460 = arith.muli %add3A_458, %mul3A_459 : i32
        %get3A_461 = arith.index_cast %mul3A_460 : i32 to index
        %get3A_462 = tpu.vector_load %arg9[%get3A_461] {strides = array<i32>} : memref<2048xf32, #tpu.memory_space<vmem>>, vector<16xf32>,
        %get3A_463 = arith.index_cast %mul3A_460 : i32 to index
        %get3A_464 = tpu.vector_load %arg10[%get3A_463] {strides = array<i32>} : memref<2048xf32, #tpu.memory_space<vmem>>, vector<16xf32>,
        %get3A_465 = arith.index_cast %mul3A_460 : i32 to index
        %get3A_466 = tpu.vector_load %arg8[%get3A_465] {strides = array<i32>} : memref<2048xi32, #tpu.memory_space<vmem>>, vector<16xi32>,
        %max3A_467 = arith.constant 9.99999971E-10 : f32
        %max3A_468 = vector.broadcast %max3A_467 : f32 to vector<16xf32>
        %max3A_469 = arith.maximumf %get3A_464, %max3A_468 : vector<16xf32>
        %div3A_470 = arith.divf %get3A_462, %max3A_469 : vector<16xf32>
        %gather3A_471 = tpu.vector_load_idx %arg21[%get3A_466] : memref<16xf32, #tpu.memory_space<vmem>>[vector<16xi32>], vector<16xf32>,
        %add3A_472 = arith.addf %div3A_470, %gather3A_471 : vector<16xf32>
        %max3A_473 = arith.constant 8.000000e-01 : f32
        %max3A_474 = vector.broadcast %max3A_473 : f32 to vector<16xf32>
        %max3A_475 = arith.maximumf %add3A_472, %max3A_474 : vector<16xf32>
        %min3A_476 = arith.constant 1.200000e+00 : f32
        %min3A_477 = vector.broadcast %min3A_476 : f32 to vector<16xf32>
        %min3A_478 = arith.minimumf %max3A_475, %min3A_477 : vector<16xf32>
        %mul3A_479 = arith.mulf %max3A_469, %min3A_478 : vector<16xf32>
        %swap3A_480 = arith.index_cast %mul3A_460 : i32 to index
        %swap3A_481 = tpu.vector_load %arg11[%swap3A_480] {strides = array<i32>} : memref<2048xf32, #tpu.memory_space<vmem>>, vector<16xf32>,
        tpu.vector_store %arg11[%swap3A_480], %mul3A_479 {strides = array<i32>} : memref<2048xf32, #tpu.memory_space<vmem>>, vector<16xf32>,
        %mul3A_482 = arith.constant 4 : i32
        %mul3A_483 = arith.muli %mul3A_482, %scan3A_404 : i32
        %add3A_484 = arith.constant 3 : i32
        %add3A_485 = arith.addi %mul3A_483, %add3A_484 : i32
        %mul3A_486 = arith.constant 16 : i32
        %mul3A_487 = arith.muli %add3A_485, %mul3A_486 : i32
        %get3A_488 = arith.index_cast %mul3A_487 : i32 to index
        %get3A_489 = tpu.vector_load %arg9[%get3A_488] {strides = array<i32>} : memref<2048xf32, #tpu.memory_space<vmem>>, vector<16xf32>,
        %get3A_490 = arith.index_cast %mul3A_487 : i32 to index
        %get3A_491 = tpu.vector_load %arg10[%get3A_490] {strides = array<i32>} : memref<2048xf32, #tpu.memory_space<vmem>>, vector<16xf32>,
        %get3A_492 = arith.index_cast %mul3A_487 : i32 to index
        %get3A_493 = tpu.vector_load %arg8[%get3A_492] {strides = array<i32>} : memref<2048xi32, #tpu.memory_space<vmem>>, vector<16xi32>,
        %max3A_494 = arith.constant 9.99999971E-10 : f32
        %max3A_495 = vector.broadcast %max3A_494 : f32 to vector<16xf32>
        %max3A_496 = arith.maximumf %get3A_491, %max3A_495 : vector<16xf32>
        %div3A_497 = arith.divf %get3A_489, %max3A_496 : vector<16xf32>
        %gather3A_498 = tpu.vector_load_idx %arg21[%get3A_493] : memref<16xf32, #tpu.memory_space<vmem>>[vector<16xi32>], vector<16xf32>,
        %add3A_499 = arith.addf %div3A_497, %gather3A_498 : vector<16xf32>
        %max3A_500 = arith.constant 8.000000e-01 : f32
        %max3A_501 = vector.broadcast %max3A_500 : f32 to vector<16xf32>
        %max3A_502 = arith.maximumf %add3A_499, %max3A_501 : vector<16xf32>
        %min3A_503 = arith.constant 1.200000e+00 : f32
        %min3A_504 = vector.broadcast %min3A_503 : f32 to vector<16xf32>
        %min3A_505 = arith.minimumf %max3A_502, %min3A_504 : vector<16xf32>
        %mul3A_506 = arith.mulf %max3A_496, %min3A_505 : vector<16xf32>
        %swap3A_507 = arith.index_cast %mul3A_487 : i32 to index
        %swap3A_508 = tpu.vector_load %arg11[%swap3A_507] {strides = array<i32>} : memref<2048xf32, #tpu.memory_space<vmem>>, vector<16xf32>,
        tpu.vector_store %arg11[%swap3A_507], %mul3A_506 {strides = array<i32>} : memref<2048xf32, #tpu.memory_space<vmem>>, vector<16xf32>,
      }
      %scan3A_403 = arith.constant 32 : i32
      "tpu.region"() ({
        %run_scoped3A = tpu.sem_alloc : memref<!tpu.dma_semaphore, #tpu.memory_space<semaphore_mem>>
        %dma_start3A_404 = tpu.memref_slice %arg5[%mul3A_7] : memref<32768xf32, #tpu.memory_space<hbm>> -> memref<2048xf32, #tpu.memory_space<hbm>>
        %dma_start3A_405 = tpu.memref_slice %arg5[%mul3A_7] : memref<32768xf32, #tpu.memory_space<hbm>> -> memref<2048xf32, #tpu.memory_space<hbm>>
        tpu.enqueue_dma source(%arg11 : memref<2048xf32, #tpu.memory_space<vmem>>) target(%dma_start3A_405 : memref<2048xf32, #tpu.memory_space<hbm>>) target_semaphore(%run_scoped3A : memref<!tpu.dma_semaphore, #tpu.memory_space<semaphore_mem>>)
        %dma_wait3A_406 = tpu.memref_slice %arg5[%mul3A_7] : memref<32768xf32, #tpu.memory_space<hbm>> -> memref<2048xf32, #tpu.memory_space<hbm>>
        %dma_wait3A_407 = tpu.memref_slice %arg5[%mul3A_7] : memref<32768xf32, #tpu.memory_space<hbm>> -> memref<2048xf32, #tpu.memory_space<hbm>>
        tpu.wait_dma2 semaphore(%run_scoped3A : memref<!tpu.dma_semaphore, #tpu.memory_space<semaphore_mem>>) src(%arg11 : memref<2048xf32, #tpu.memory_space<vmem>>) dst(%dma_wait3A_407 : memref<2048xf32, #tpu.memory_space<hbm>>)
        tpu.yield
      }) : () -> ()
    } else {
    }
    return
  }
}

</mosaic_0001>

<sc_bundles>
// kernel: kernel.3.cloned.1.call-start
scs
__scs_entry_jumppad:
0x0: {  	(pc) =	sbr.rel $0x88, $3  }
0x1: {  	(tag) =	ssettag $0x0;
	lr =	simm.s32 $0x1  }
0x2: {  	[smem:$0x3F9E] =	sst lr;
	_ =	strace $0xD0000000  }
0x3: {  	_ = 	snop  }
0x4: {  	_ = 	snop  }
0x5: {  	_ = 	snop  }
0x6: {  	_ = 	snop  }
0x7: {  	_ = 	snop  }
__scs_overlays_trampoline_lowered:
0x8: {  	[smem:$0x3FAD] =	sst s0  }
0x9: {  	[smem:$0x3FAE] =	sst s1  }
0xa: {  	[smem:$0x3FAF] =	sst s2  }
0xb: {  	[smem:$0x3FB0] =	sst s3  }
0xc: {  	[smem:$0x3FB1] =	sst s4  }
0xd: {  	[smem:$0x3FB2] =	sst s5  }
0xe: {  	[smem:$0x3FB3] =	sst s6  }
0xf: {  	[smem:$0x3FB4] =	sst s7  }
0x10: {  	[smem:$0x3FB5] =	sst s8  }
0x11: {  	[smem:$0x3FB6] =	sst s9;
	s0 =	simm.s32 @!p0 $0x0  }
0x12: {  	s1 =	sld [smem:$0x3F9C];
	s0 =	simm.s32 @p0 $0x1  }
0x13: {  	[smem:$0x3FB7] =	sst s0;
	s0 =	simm.s32 @!p1 $0x0  }
0x14: {  	s2 =	sld [smem:$0x3F9B];
	s0 =	simm.s32 @p1 $0x1  }
0x15: {  	[smem:$0x3FB8] =	sst s0;
	s0 =	simm.s32 @!p2 $0x0  }
0x16: {  	s3 =	sld [smem:$0x3FDB];
	s0 =	simm.s32 @p2 $0x1  }
0x17: {  	s4 =	simm.s32 $0x1BF5;
	[smem:$0x3FBA] =	sst s0  }
0x18: {  	s0 =	sld [smem:$0x3F9D];
	_ =	swait.ge [sflag:s4], $0x0  }
0x19: {  	s7 =	sld [smem:$0x3F9E]  }
0x1a: {  	s8 =	sadd.s32 $0xFFFFE003, lr  }
0x1b: {  	s9 =	sadd.s32 $0xFFFFFEF7, lr;
	s5 =	simm.s32 $0xFFFFFFFF;
	p2 =	slt.u32 s8, $0xFFFFF086  }
0x1c: {  	p1 =	slt.u32 s9, $0xF7A;
	s5 =	simm.s32 @!p2 $0x0  }
0x1d: {  	s5 =	simm.s32 @p1 $0x1;
	p0 =	seq.s32 s7, s2  }
0x1e: {  	s7 =	smul.u32 @!p0 $0xF7A, s2;
	p2 =	seq.s32 @!p0 s5, $0x0  }
0x1f: {  	s9 =	smul.u32 $0xF7A, s1;
	s8 =	simm.s32 @!p0 $0x1BF5;
	p2 =	por !p2, p0  }
0x20: {  	[sflag:s8] =	ssyncset.s32 @!p0 $0xFFFFF086;
	s6 =	sadd.s32 @!p0 s3, s7;
	s7 =	simm.s32 @!p0 $0x108  }
0x21: {  	s3 =	sadd.s32 s3, s9;
	s6 =	sadd.s32 @!p0 $0x88, s6;
	s7 =	simm.s32 @p2 $0x1082  }
0x22: {  	[simem:s7], [sflag:s8] =	dma.local @!p0 [hbm:s6], $0xF7A  }
0x23: {  	s9 =	sor.u32 $0xD0000000, s2;
	s6 =	simm.s32 $0x108;
	_ =	swait.ge @!p0 [sflag:s8], $0x0  }
0x24: {  	s3 =	sadd.s32 $0x88, s3;
	s6 =	simm.s32 @!p1 $0x1082;
	[sflag:s4] =	ssyncset.s32 $0xFFFFF086  }
0x25: {  	[simem:s6], [sflag:s4] =	dma.local [hbm:s3], $0xF7A  }
0x26: {  	[smem:$0x3F9E] =	sst s1;
	(tag) =	ssettag s2;
	_ =	strace s9  }
0x27: {  	s1 =	sld [smem:$0x3FAE]  }
0x28: {  	s2 =	sld [smem:$0x3FAF]  }
0x29: {  	s4 =	sld [smem:$0x3FB1]  }
0x2a: {  	p0 =	seq.s32 s5, $0x0;
	s5 =	sld [smem:$0x3FB2]  }
0x2b: {  	s6 =	sld [smem:$0x3FB3]  }
0x2c: {  	s7 =	sld [smem:$0x3FB4]  }
0x2d: {  	s3 =	simm.s32 $0x108;
	s8 =	sld [smem:$0x3FB5]  }
0x2e: {  	s3 =	simm.s32 @!p0 $0x1082;
	s9 =	sld [smem:$0x3FB6]  }
0x2f: {  	lr =	sadd.s32 s0, s3;
	s0 =	sld [smem:$0x3FAD]  }
0x30: {  	s3 =	sld [smem:$0x3FB0]  }
0x31: {  	[smem:$0x3FB9] =	sst s10  }
0x32: {  	s10 =	sld [smem:$0x3FB7];
	_ =	sdelay $0x3  }
0x33: {  	p0 =	seq.s32 s10, $0x1;
	s10 =	sld [smem:$0x3FB9];
	_ =	sdelay $0x3  }
0x34: {  	[smem:$0x3FB9] =	sst s10  }
0x35: {  	s10 =	sld [smem:$0x3FB8];
	_ =	sdelay $0x3  }
0x36: {  	p1 =	seq.s32 s10, $0x1;
	s10 =	sld [smem:$0x3FB9];
	_ =	sdelay $0x3  }
0x37: {  	[smem:$0x3FB9] =	sst s10  }
0x38: {  	s10 =	sld [smem:$0x3FBA]  }
0x39: {  	_ = 	snop;
	(pc) =	sbr.ind lr, $3  }
0x3a: {  	_ = 	snop  }
0x3b: {  	_ = 	snop  }
0x3c: {  	p2 =	seq.s32 s10, $0x1;
	s10 =	sld [smem:$0x3FB9]  }
0x3d: {  	_ =	shalt  }
0x3e: {  	_ =	shalt  }
0x3f: {  	_ =	shalt  }
0x40: {  	_ =	shalt  }
0x41: {  	_ =	shalt  }
0x42: {  	_ =	shalt  }
0x43: {  	_ =	shalt  }
0x44: {  	_ =	shalt  }
0x45: {  	_ =	shalt  }
0x46: {  	_ =	shalt  }
0x47: {  	_ =	shalt  }
0x48: {  	_ =	shalt  }
0x49: {  	_ =	shalt  }
0x4a: {  	_ =	shalt  }
0x4b: {  	_ =	shalt  }
0x4c: {  	_ =	shalt  }
0x4d: {  	_ =	shalt  }
0x4e: {  	_ =	shalt  }
0x4f: {  	_ =	shalt  }
0x50: {  	_ =	shalt  }
0x51: {  	_ =	shalt  }
0x52: {  	_ =	shalt  }
0x53: {  	_ =	shalt  }
0x54: {  	_ =	shalt  }
0x55: {  	_ =	shalt  }
0x56: {  	_ =	shalt  }
0x57: {  	_ =	shalt  }
0x58: {  	_ =	shalt  }
0x59: {  	_ =	shalt  }
0x5a: {  	_ =	shalt  }
0x5b: {  	_ =	shalt  }
0x5c: {  	_ =	shalt  }
0x5d: {  	_ =	shalt  }
0x5e: {  	_ =	shalt  }
0x5f: {  	_ =	shalt  }
0x60: {  	_ =	shalt  }
0x61: {  	_ =	shalt  }
0x62: {  	_ =	shalt  }
0x63: {  	_ =	shalt  }
0x64: {  	_ =	shalt  }
0x65: {  	_ =	shalt  }
0x66: {  	_ =	shalt  }
0x67: {  	_ =	shalt  }
0x68: {  	_ =	shalt  }
0x69: {  	_ =	shalt  }
0x6a: {  	_ =	shalt  }
0x6b: {  	_ =	shalt  }
0x6c: {  	_ =	shalt  }
0x6d: {  	_ =	shalt  }
0x6e: {  	_ =	shalt  }
0x6f: {  	_ =	shalt  }
0x70: {  	_ =	shalt  }
0x71: {  	_ =	shalt  }
0x72: {  	_ =	shalt  }
0x73: {  	_ =	shalt  }
0x74: {  	_ =	shalt  }
0x75: {  	_ =	shalt  }
0x76: {  	_ =	shalt  }
0x77: {  	_ =	shalt  }
0x78: {  	_ =	shalt  }
0x79: {  	_ =	shalt  }
0x7a: {  	_ =	shalt  }
0x7b: {  	_ =	shalt  }
0x7c: {  	_ =	shalt  }
0x7d: {  	_ =	shalt  }
0x7e: {  	_ =	shalt  }
0x7f: {  	_ =	shalt  }
0x80: {  	_ =	shalt  }
0x81: {  	_ =	shalt  }
0x82: {  	_ =	shalt  }
0x83: {  	_ =	shalt  }
0x84: {  	_ =	shalt  }
0x85: {  	_ =	shalt  }
0x86: {  	_ =	shalt  }
0x87: {  	_ =	shalt  }
.Lfunc_end0:
.L_simem_size_0:
called_computation_lowered:
.L_overlay_start_0:
0x88: {  	s0 =	sld [smem:$0x3FD9]  }
0x89: {  	s1 =	sld [smem:$0x3FFE];
	_ =	sdelay $0x3  }
0x8a: {  	s0 =	sadd.s32 s1, s0  }
0x8b: {  	[smem:$0x3FC5] =	sst s0  }
0x8c: {  	_ = 	snop  }
0x8d: {  	s0 =	sld [smem:$0x3FC9]  }
0x8e: {  	s16 =	sld [smem:$0x3FC8]  }
0x8f: {  	s2 =	sld [smem:$0x3FC7]  }
0x90: {  	s3 =	sld [smem:$0x3FD0];
	(tm) =	ssettm $0x1  }
0x91: {  	s4 =	sld [smem:$0x3FFB];
	_ =	sdelay $0x3  }
0x92: {  	_ =	strace s4  }
0x93: {  	s4 =	sld [smem:$0x3FFC];
	_ =	sdelay $0x3  }
0x94: {  	_ =	strace s4  }
0x95: {  	s4 =	sld [smem:$0x3FFD];
	_ =	sdelay $0x3  }
0x96: {  	_ =	strace s4  }
0x97: {  	_ =	strace $0x8FFFFFFF  }
0x98: {  	s17 =	sld [smem:$0x3FDB];
	_ =	sdelay $0x1  }
0x99: {  	s5 =	simm.s32 $_scs_section_size  }
0x9a: {  	s6 =	simm.s32 $_size__tile_overlayer_lowered;
	s7 =	simm.s32 $_tile_overlayer_lowered  }
0x9b: {  	s20 =	simm.s32 $0x1BFF;
	s19 =	sshll.u32 s7, $0x1;
	s4 =	sadd.s32 s5, s17  }
0x9c: {  	s8 =	simm.s32 $0x0;
	s18 =	sshll.u32 s6, $0x1;
	s6 =	sadd.s32 s19, s4  }
0x9d: {  	[timem:s8], [sflag:s20] =	dma.local [hbm:s6], s18  }
0x9e: {  	_ =	swait.ge [sflag:s20], s18  }
0x9f: {  	s5 =	ssub.s32 $0x0, s18;
	[sflag:s20] =	ssyncset.done $0x0  }
0xa0: {  	[sflag:s20] =	ssyncadd.s32 s5;
	_ =	sdelay $0x1  }
0xa1: {  	s21 =	simm.s32 $0x1B8B  }
0xa2: {  	_ =	swait.ge [sflag:s21], $0x1  }
0xa3: {  	[sflag:s21] =	ssyncset.done $0x0  }
0xa4: {  	s23 =	simm.s32 $0x1B8E;
	s22 =	sld [smem:$0x3FFE];
	[sflag:s21] =	ssyncadd.s32 $0xFFFFFFFF  }
0xa5: {  	s24 =	simm.s32 $execute0_lowered;
	[smem:$0x3FD2] =	sst s23  }
0xa6: {  	s6 =	sshll.u32 s24, $0x1;
	_ =	strace $0x80000046;
	[dreg:$0x1] =	wrdreg $0xFFFFFFFF  }
0xa7: {  	s25 =	simm.s32 $_size_execute0_lowered;
	s4 =	sadd.s32 s4, s6;
	[dreg:$0x0] =	wrdreg $0x0  }
0xa8: {  	s6 =	sshll.u32 s25, $0x1;
	[dreg:$0x2] =	wrdreg s4  }
0xa9: {  	[dreg:$0x3] =	wrdreg s6  }
0xaa: {  	[dreg:$0x4] =	wrdreg $0xC0  }
0xab: {  	_ =	task [dreg:s8], $0x5FFFF  }
0xac: {  	[dreg:$0x1] =	wrdreg $0xFFFFFFFF  }
0xad: {  	[dreg:$0x0] =	wrdreg $0x60  }
0xae: {  	[dreg:$0x2] =	wrdreg s0  }
0xaf: {  	[dreg:$0x3] =	wrdreg s16  }
0xb0: {  	[dreg:$0x4] =	wrdreg s2  }
0xb1: {  	[dreg:$0x5] =	wrdreg s3  }
0xb2: {  	[dreg:$0x6] =	wrdreg s22  }
0xb3: {  	[dreg:$0x7] =	wrdreg $0x9  }
0xb4: {  	_ =	task.clear_ibuf [dreg:s8], $0x8FFFF;
	_ =	strace $0x90000046  }
0xb5: {  	s26 =	simm.s32 $0x9;
	_ =	strace $0x80000048  }
0xb6: {  	_ =	swait.ge [sflag:s26], $0x1  }
0xb7: {  	[sflag:s26] =	ssyncadd.s32 $0xFFFFFFFF  }
0xb8: {  	_ =	strace $0x90000048  }
0xb9: {  	_ =	sfence  }
0xba: {  	s28 =	sld [smem:$0x0];
	_ =	sdelay $0x1  }
0xbb: {  	s29 =	srdreg.scid  }
0xbc: {  	s30 =	sshll.u32 s29, $0xD;
	s31 =	sshrl.u32 s29, $0x2  }
0xbd: {  	s1 =	sand.u32 $0x1, s29;
	s2 =	sand.u32 $0x4000, s30;
	s0 =	sadd.s32 s31, s28  }
0xbe: {  	s1 =	sor.u32 s2, s1;
	s0 =	sshll.u32 s0, $0x11  }
0xbf: {  	s0 =	sor.u32 s0, s1  }
0xc0: {  	s0 =	sadd.s32 $0x8F2B, s0  }
0xc1: {  	[sflag:s0] =	ssyncadd.remote.s32 $0x1  }
0xc2: {  	_ =	sfence.sel $0xFFFF  }
0xc3: {  	[dreg:$0x0] =	wrdreg $0xFFFFFFFF;
	(pc) =	sbr.abs _section_cstart, $3  }
0xc4: {  	[dreg:$0x1] =	wrdreg $0xFFFFFFFF  }
0xc5: {  	_ =	task.clear_ibuf [dreg:s8], $0x2FFFF;
	_ =	strace $0x9FFFFFFF  }
0xc6: {  	(tm) =	ssettm $0x7FFFFFFF  }
0xc7: {  	_ =	shalt  }
tec
execute0_lowered:
.L_overlay_start_1:
0x0: {  	(tag) =	ssettag $0x1  }
0x1: {  	s4 =	rddreg [dreg:$0x0]  }
0x2: {  	s5 =	rddreg [dreg:$0x1]  }
0x3: {  	s7 =	rddreg [dreg:$0x2]  }
0x4: {  	s2 =	rddreg [dreg:$0x3]  }
0x5: {  	s3 =	rddreg [dreg:$0x4];
	s8 =	simm.s32 $0x0;
	s16 =	stileid.u32  }
0x6: {  	[smem:$0x7FF] =	sst s8;
	s6 =	sshll.u32 s16, $0x8  }
0x7: {  	s15 =	rddreg [dreg:$0x5];
	_ =	strace $0x80000047;
	s7 =	sadd.s32 s7, s6  }
0x8: {  	[tilespmem:s8], [sflag:$0x1] =	stream.linear.gather [hbm4b:s7+s8], $0x800, $0x38;
	[tilespmem:$0xCB00] =	vst v63  }
0x9: {  	s9 =	simm.s32 $0x800;
	s25 =	sadd.s32 s4, s6  }
0xa: {  	[tilespmem:s9], [sflag:$0x2] =	stream.linear.gather [hbm4b:s25+s8], $0x800, $0x38;
	[tilespmem:$0xCB00] =	vst v63  }
0xb: {  	s28 =	simm.s32 $0x1000;
	s29 =	simm.s32 $0x1;
	s26 =	sadd.s32 s5, s6  }
0xc: {  	[tilespmem:s28], [sflag:$0x3] =	stream.linear.gather [hbm4b:s26+s8], $0x800, $0x38;
	[tilespmem:$0xCB00] =	vst v63  }
0xd: {  	_ =	swait.ge [sflag:s29], $0x800  }
0xe: {  	[sflag:s29] =	ssyncset.done $0x0  }
0xf: {  	s30 =	simm.s32 $0x2;
	[sflag:s29] =	ssyncadd.s32 $0xFFFFF800  }
0x10: {  	_ =	swait.ge [sflag:s30], $0x800  }
0x11: {  	[sflag:s30] =	ssyncset.done $0x0  }
0x12: {  	s31 =	simm.s32 $0x3;
	[sflag:s30] =	ssyncadd.s32 $0xFFFFF800  }
0x13: {  	_ =	swait.ge [sflag:s31], $0x800  }
0x14: {  	[sflag:s31] =	ssyncset.done $0x0  }
0x15: {  	v0 =	vimm.f32 $0.0e+00;
	[sflag:s31] =	ssyncadd.s32 $0xFFFFF800  }
0x16: {  	[tilespmem:$0xB000] =	vst v0  }
0x17: {  	s10 =	simm.s32 $0x0;
	[tilespmem:$0xB080] =	vst v0  }
0x18: {  	v0 =	vld [tilespmem:s10+$0x1000];
	_ =	sdelay $0x4  }
0x19: {  	v1 =	vmax.f32 v0, $9.999999710e-10  }
0x1a: {  	(erf) = vrcp.f32 v1;
	_ =	sdelay $0x3  }
0x1b: {  	v2 =	vld [tilespmem:s10+$0x0]  }
0x1c: {  	v0 =	vld [tilespmem:s10+$0x800];
	_ =	sdelay $0x3  }
0x1d: {  	v3 =	vpop (erf)  }
0x1e: {  	v3 =	vmul.f32 v3, v0;
	_ =	sdelay $0x1  }
0x1f: {  	s7 =	simm.s32 $0xB000;
	v0 =	vimm.f32 $1.000000000e+00;
	v3 =	vmax.f32 v3, $8.000000110e-01  }
0x20: {  	s8 =	simm.s32 $0xB080;
	[tilespmem:v2+s7+$0x0] =	vst.idx.add.f32.msk $0xffff, v0;
	v3 =	vmin.f32 v3, $1.200000050e+00  }
0x21: {  	[tilespmem:v2+s8+$0x0] =	vst.idx.add.f32.msk $0xffff, v3  }
0x22: {  	v2 =	vld [tilespmem:s10+$0x1010];
	_ =	sdelay $0x4  }
0x23: {  	v2 =	vmax.f32 v2, $9.999999710e-10  }
0x24: {  	(erf) = vrcp.f32 v2;
	_ =	sdelay $0x3  }
0x25: {  	v4 =	vld [tilespmem:s10+$0x810]  }
0x26: {  	v5 =	vld [tilespmem:s10+$0x10];
	_ =	sdelay $0x3  }
0x27: {  	v6 =	vpop (erf)  }
0x28: {  	v1 =	vmul.f32 v3, v1;
	v3 =	vmul.f32 v6, v4;
	_ =	sdelay $0x1  }
0x29: {  	[tilespmem:s10+$0x1800] =	vst v1;
	v1 =	vmax.f32 v3, $8.000000110e-01  }
0x2a: {  	[tilespmem:v5+s7+$0x0] =	vst.idx.add.f32.msk $0xffff, v0;
	v1 =	vmin.f32 v1, $1.200000050e+00  }
0x2b: {  	[tilespmem:v5+s8+$0x0] =	vst.idx.add.f32.msk $0xffff, v1  }
0x2c: {  	v3 =	vld [tilespmem:s10+$0x1020];
	_ =	sdelay $0x4  }
0x2d: {  	v3 =	vmax.f32 v3, $9.999999710e-10  }
0x2e: {  	(erf) = vrcp.f32 v3;
	_ =	sdelay $0x2  }
0x2f: {  	v1 =	vmul.f32 v1, v2  }
0x30: {  	v2 =	vld [tilespmem:s10+$0x820]  }
0x31: {  	[tilespmem:s10+$0x1810] =	vst v1;
	v1 =	vld [tilespmem:s10+$0x20];
	_ =	sdelay $0x3  }
0x32: {  	v62 =	vpop (erf)  }
0x33: {  	v2 =	vmul.f32 v62, v2;
	_ =	sdelay $0x1  }
0x34: {  	v2 =	vmax.f32 v2, $8.000000110e-01  }
0x35: {  	[tilespmem:v1+s7+$0x0] =	vst.idx.add.f32.msk $0xffff, v0;
	v2 =	vmin.f32 v2, $1.200000050e+00  }
0x36: {  	[tilespmem:v1+s8+$0x0] =	vst.idx.add.f32.msk $0xffff, v2  }
0x37: {  	v1 =	vld [tilespmem:s10+$0x1030];
	_ =	sdelay $0x4  }
0x38: {  	v1 =	vmax.f32 v1, $9.999999710e-10  }
0x39: {  	(erf) = vrcp.f32 v1;
	_ =	sdelay $0x2  }
0x3a: {  	v2 =	vmul.f32 v2, v3  }
0x3b: {  	v3 =	vld [tilespmem:s10+$0x830]  }
0x3c: {  	[tilespmem:s10+$0x1820] =	vst v2;
	v2 =	vld [tilespmem:s10+$0x30];
	_ =	sdelay $0x3  }
0x3d: {  	v63 =	vpop (erf)  }
0x3e: {  	v3 =	vmul.f32 v63, v3;
	_ =	sdelay $0x1  }
0x3f: {  	v3 =	vmax.f32 v3, $8.000000110e-01  }
0x40: {  	[tilespmem:v2+s7+$0x0] =	vst.idx.add.f32.msk $0xffff, v0;
	v3 =	vmin.f32 v3, $1.200000050e+00  }
0x41: {  	s13 =	simm.s32 $0x40;
	[tilespmem:v2+s8+$0x0] =	vst.idx.add.f32.msk $0xffff, v3;
	v2 =	vmul.f32 v3, v1  }
0x42: {  	s11 =	simm.s32 $0x200;
	s9 =	sadd.s32 $0x800, s3;
	s3 =	sadd.s32 $0xA00, s3;
	v1 =	vld [tilespmem:s13+$0x1000]  }
.LBB2_1:
0x43: {  	p0 =	sne.s32 s11, $0x1F00;
	[tilespmem:s10+$0x1830] =	vst v2;
	s12 =	smov.u32 s11;
	s11 =	sadd.s32 $0x100, s11  }
0x44: {  	s10 =	smov.u32 s13;
	_ =	sdelay $0x2  }
0x45: {  	v1 =	vmax.f32 v1, $9.999999710e-10  }
0x46: {  	(erf) = vrcp.f32 v1;
	_ =	sdelay $0x3  }
0x47: {  	v2 =	vld [tilespmem:s10+$0x800]  }
0x48: {  	v3 =	vld [tilespmem:s10+$0x0];
	_ =	sdelay $0x3  }
0x49: {  	v4 =	vpop (erf)  }
0x4a: {  	v2 =	vmul.f32 v4, v2;
	_ =	sdelay $0x1  }
0x4b: {  	v2 =	vmax.f32 v2, $8.000000110e-01  }
0x4c: {  	v2 =	vmin.f32 v2, $1.200000050e+00;
	[tilespmem:v3+s7+$0x0] =	vst.idx.add.f32.msk $0xffff, v0  }
0x4d: {  	[tilespmem:v3+s8+$0x0] =	vst.idx.add.f32.msk $0xffff, v2;
	v1 =	vmul.f32 v2, v1  }
0x4e: {  	v2 =	vld [tilespmem:s10+$0x1010];
	_ =	sdelay $0x4  }
0x4f: {  	v2 =	vmax.f32 v2, $9.999999710e-10  }
0x50: {  	(erf) = vrcp.f32 v2;
	_ =	sdelay $0x3  }
0x51: {  	v3 =	vld [tilespmem:s10+$0x810]  }
0x52: {  	v4 =	vld [tilespmem:s10+$0x10];
	_ =	sdelay $0x3  }
0x53: {  	v5 =	vpop (erf)  }
0x54: {  	v3 =	vmul.f32 v5, v3;
	_ =	sdelay $0x1  }
0x55: {  	[tilespmem:s10+$0x1800] =	vst v1;
	v1 =	vmax.f32 v3, $8.000000110e-01  }
0x56: {  	v1 =	vmin.f32 v1, $1.200000050e+00;
	[tilespmem:v4+s7+$0x0] =	vst.idx.add.f32.msk $0xffff, v0  }
0x57: {  	[tilespmem:v4+s8+$0x0] =	vst.idx.add.f32.msk $0xffff, v1;
	v1 =	vmul.f32 v1, v2  }
0x58: {  	v2 =	vld [tilespmem:s10+$0x1020]  }
0x59: {  	[tilespmem:s10+$0x1810] =	vst v1;
	v1 =	vld [tilespmem:s10+$0x20]  }
0x5a: {  	v3 =	vld [tilespmem:s10+$0x820];
	_ =	sdelay $0x2  }
0x5b: {  	v2 =	vmax.f32 v2, $9.999999710e-10  }
0x5c: {  	(erf) = vrcp.f32 v2;
	_ =	sdelay $0x2  }
0x5d: {  	[tilespmem:v1+s7+$0x0] =	vst.idx.add.f32.msk $0xffff, v0;
	_ =	sdelay $0x5  }
0x5e: {  	v4 =	vpop (erf)  }
0x5f: {  	v3 =	vmul.f32 v4, v3;
	_ =	sdelay $0x1  }
0x60: {  	v3 =	vmax.f32 v3, $8.000000110e-01  }
0x61: {  	v3 =	vmin.f32 v3, $1.200000050e+00  }
0x62: {  	[tilespmem:v1+s8+$0x0] =	vst.idx.add.f32.msk $0xffff, v3;
	v1 =	vmul.f32 v3, v2  }
0x63: {  	v2 =	vld [tilespmem:s10+$0x1030]  }
0x64: {  	[tilespmem:s10+$0x1820] =	vst v1;
	v1 =	vld [tilespmem:s10+$0x30]  }
0x65: {  	v3 =	vld [tilespmem:s10+$0x830];
	_ =	sdelay $0x2  }
0x66: {  	v2 =	vmax.f32 v2, $9.999999710e-10  }
0x67: {  	(erf) = vrcp.f32 v2;
	_ =	sdelay $0x2  }
0x68: {  	[tilespmem:v1+s7+$0x0] =	vst.idx.add.f32.msk $0xffff, v0;
	_ =	sdelay $0x5  }
0x69: {  	v4 =	vpop (erf)  }
0x6a: {  	v3 =	vmul.f32 v4, v3  }
.Ltmp0:
0x6b: {  	(pc) =	sbr.rel @p0 .LBB2_1-.Ltmp0, $4  }
0x6c: {  	v3 =	vmax.f32 v3, $8.000000110e-01  }
0x6d: {  	v3 =	vmin.f32 v3, $1.200000050e+00  }
0x6e: {  	s13 =	sshra.s32 s12, $0x2;
	[tilespmem:v1+s8+$0x0] =	vst.idx.add.f32.msk $0xffff, v3;
	v2 =	vmul.f32 v3, v2  }
0x6f: {  	v1 =	vld [tilespmem:s13+$0x1000]  }
0x70: {  	_ =	sdelay $0x3  }
0x71: {  	v1 =	vmax.f32 v1, $9.999999710e-10  }
0x72: {  	(erf) = vrcp.f32 v1;
	_ =	sdelay $0x2  }
0x73: {  	[tilespmem:s10+$0x1830] =	vst v2  }
0x74: {  	v2 =	vld [tilespmem:s13+$0x800]  }
0x75: {  	v3 =	vld [tilespmem:s13+$0x0];
	_ =	sdelay $0x3  }
0x76: {  	v4 =	vpop (erf)  }
0x77: {  	v2 =	vmul.f32 v4, v2;
	_ =	sdelay $0x1  }
0x78: {  	v2 =	vmax.f32 v2, $8.000000110e-01  }
0x79: {  	[tilespmem:v3+s7+$0x0] =	vst.idx.add.f32.msk $0xffff, v0;
	v2 =	vmin.f32 v2, $1.200000050e+00  }
0x7a: {  	[tilespmem:v3+s8+$0x0] =	vst.idx.add.f32.msk $0xffff, v2  }
0x7b: {  	v3 =	vld [tilespmem:s13+$0x1010];
	_ =	sdelay $0x4  }
0x7c: {  	v3 =	vmax.f32 v3, $9.999999710e-10  }
0x7d: {  	(erf) = vrcp.f32 v3;
	_ =	sdelay $0x3  }
0x7e: {  	v43 =	vld [tilespmem:s13+$0x810]  }
0x7f: {  	v5 =	vld [tilespmem:s13+$0x10];
	_ =	sdelay $0x3  }
0x80: {  	v6 =	vpop (erf)  }
0x81: {  	v1 =	vmul.f32 v2, v1;
	v2 =	vmul.f32 v6, v43;
	_ =	sdelay $0x1  }
0x82: {  	[tilespmem:s13+$0x1800] =	vst v1;
	v1 =	vmax.f32 v2, $8.000000110e-01  }
0x83: {  	[tilespmem:v5+s7+$0x0] =	vst.idx.add.f32.msk $0xffff, v0;
	v1 =	vmin.f32 v1, $1.200000050e+00  }
0x84: {  	[tilespmem:v5+s8+$0x0] =	vst.idx.add.f32.msk $0xffff, v1  }
0x85: {  	v2 =	vld [tilespmem:s13+$0x1020];
	_ =	sdelay $0x4  }
0x86: {  	v2 =	vmax.f32 v2, $9.999999710e-10  }
0x87: {  	(erf) = vrcp.f32 v2;
	_ =	sdelay $0x2  }
0x88: {  	v1 =	vmul.f32 v1, v3  }
0x89: {  	v3 =	vld [tilespmem:s13+$0x820]  }
0x8a: {  	[tilespmem:s13+$0x1810] =	vst v1;
	v1 =	vld [tilespmem:s13+$0x20];
	_ =	sdelay $0x3  }
0x8b: {  	v44 =	vpop (erf)  }
0x8c: {  	v3 =	vmul.f32 v44, v3;
	_ =	sdelay $0x1  }
0x8d: {  	v3 =	vmax.f32 v3, $8.000000110e-01  }
0x8e: {  	[tilespmem:v1+s7+$0x0] =	vst.idx.add.f32.msk $0xffff, v0;
	v3 =	vmin.f32 v3, $1.200000050e+00  }
0x8f: {  	[tilespmem:v1+s8+$0x0] =	vst.idx.add.f32.msk $0xffff, v3  }
0x90: {  	v1 =	vld [tilespmem:s13+$0x1030];
	_ =	sdelay $0x4  }
0x91: {  	v1 =	vmax.f32 v1, $9.999999710e-10  }
0x92: {  	(erf) = vrcp.f32 v1;
	_ =	sdelay $0x2  }
0x93: {  	v2 =	vmul.f32 v3, v2;
	_ =	sdelay $0x1  }
0x94: {  	[tilespmem:s13+$0x1820] =	vst v2;
	v2 =	vld [tilespmem:s13+$0x830]  }
0x95: {  	v3 =	vld [tilespmem:s13+$0x30];
	_ =	sdelay $0x2  }
0x96: {  	v45 =	vpop (erf)  }
0x97: {  	v2 =	vmul.f32 v45, v2;
	_ =	sdelay $0x1  }
0x98: {  	v2 =	vmax.f32 v2, $8.000000110e-01  }
0x99: {  	v2 =	vmin.f32 v2, $1.200000050e+00  }
0x9a: {  	[tilespmem:v3+s7+$0x0] =	vst.idx.add.f32.msk $0xffff, v0;
	v0 =	vmul.f32 v2, v1  }
0x9b: {  	[tilespmem:v3+s8+$0x0] =	vst.idx.add.f32.msk $0xffff, v2  }
0x9c: {  	s10 =	sadd.s32 s2, s6;
	s23 =	simm.s32 $0x0;
	s24 =	simm.s32 $0x1800;
	[tilespmem:s13+$0x1830] =	vst v0  }
0x9d: {  	[hbm4b:s10+s23] =	stream.linear.scatter [tilespmem:s24], [sflag:$0x4], $0x800, $0x38;
	[tilespmem:$0xCB00] =	vst v63  }
0x9e: {  	v0 =	vld [tilespmem:$0xB000]  }
0x9f: {  	v1 =	vld [tilespmem:$0xB080];
	_ =	sdelay $0x3  }
0xa0: {  	s25 =	sshll.u32 s16, $0x5;
	[tilespmem:$0xB100] =	vst v0  }
0xa1: {  	s26 =	simm.s32 $0xB100;
	s28 =	simm.s32 $0x5;
	s7 =	sadd.s32 s9, s25;
	[tilespmem:$0xB180] =	vst v1  }
0xa2: {  	[hbm4b:s7+s23] =	stream.linear.scatter [tilespmem:s26], [sflag:$0x5], $0x100, $0x38;
	[tilespmem:$0xCB00] =	vst v63  }
0xa3: {  	_ =	swait.ge [sflag:s28], $0x100  }
0xa4: {  	[sflag:s28] =	ssyncset.done $0x0  }
0xa5: {  	[sflag:s28] =	ssyncadd.s32 $0xFFFFFF00  }
0xa6: {  	s29 =	simm.s32 $0xB200;
	[bflag:$0x0] =	sbarrier.arrive $0xFFFF  }
0xa7: {  	[tilespmem:s29], [sflag:$0x5] =	stream.linear.gather [hbm4b:s9+s23], $0x1000, $0x38;
	[tilespmem:$0xCB00] =	vst v63  }
0xa8: {  	_ =	swait.ge [sflag:s28], $0x1000  }
0xa9: {  	[sflag:s28] =	ssyncset.done $0x0  }
0xaa: {  	s30 =	simm.s32 $0x4;
	[sflag:s28] =	ssyncadd.s32 $0xFFFFF000  }
0xab: {  	_ =	swait.ge [sflag:s30], $0x800  }
0xac: {  	[sflag:s30] =	ssyncset.done $0x0  }
0xad: {  	[sflag:s30] =	ssyncadd.s32 $0xFFFFF800  }
0xae: {  	v0 =	vld [tilespmem:$0xB200]  }
0xaf: {  	v1 =	vld [tilespmem:$0xB280]  }
0xb0: {  	v2 =	vld [tilespmem:$0xB300]  }
0xb1: {  	v3 =	vld [tilespmem:$0xB380]  }
0xb2: {  	v46 =	vld [tilespmem:$0xB400]  }
0xb3: {  	v47 =	vld [tilespmem:$0xB480]  }
0xb4: {  	v48 =	vld [tilespmem:$0xB500]  }
0xb5: {  	v7 =	vld [tilespmem:$0xB600];
	v0 =	vadd.f32 v2, v0  }
0xb6: {  	v2 =	vld [tilespmem:$0xB580]  }
0xb7: {  	v49 =	vld [tilespmem:$0xB700];
	v1 =	vadd.f32 v3, v1;
	v0 =	vadd.f32 v46, v0  }
0xb8: {  	v3 =	vld [tilespmem:$0xB680]  }
0xb9: {  	v50 =	vld [tilespmem:$0xB780];
	v1 =	vadd.f32 v47, v1;
	v0 =	vadd.f32 v48, v0  }
0xba: {  	v51 =	vld [tilespmem:$0xB800]  }
0xbb: {  	v52 =	vld [tilespmem:$0xB900];
	v1 =	vadd.f32 v2, v1;
	v0 =	vadd.f32 v7, v0  }
0xbc: {  	v2 =	vld [tilespmem:$0xB880]  }
0xbd: {  	v53 =	vld [tilespmem:$0xBA00];
	v1 =	vadd.f32 v3, v1;
	v0 =	vadd.f32 v49, v0  }
0xbe: {  	v3 =	vld [tilespmem:$0xB980]  }
0xbf: {  	v54 =	vld [tilespmem:$0xBA80];
	v1 =	vadd.f32 v50, v1;
	v0 =	vadd.f32 v51, v0  }
0xc0: {  	v55 =	vld [tilespmem:$0xBB00]  }
0xc1: {  	v56 =	vld [tilespmem:$0xBC00];
	v1 =	vadd.f32 v2, v1;
	v0 =	vadd.f32 v52, v0  }
0xc2: {  	v2 =	vld [tilespmem:$0xBB80]  }
0xc3: {  	v57 =	vld [tilespmem:$0xBD00];
	v1 =	vadd.f32 v3, v1;
	v0 =	vadd.f32 v53, v0  }
0xc4: {  	v3 =	vld [tilespmem:$0xBC80]  }
0xc5: {  	v58 =	vld [tilespmem:$0xBD80];
	v1 =	vadd.f32 v54, v1;
	v0 =	vadd.f32 v55, v0  }
0xc6: {  	v59 =	vld [tilespmem:$0xBE00]  }
0xc7: {  	v60 =	vld [tilespmem:$0xBF00];
	v1 =	vadd.f32 v2, v1;
	v0 =	vadd.f32 v56, v0  }
0xc8: {  	v2 =	vld [tilespmem:$0xBE80]  }
0xc9: {  	v61 =	vld [tilespmem:$0xC000];
	v1 =	vadd.f32 v3, v1;
	v0 =	vadd.f32 v57, v0  }
0xca: {  	v3 =	vld [tilespmem:$0xBF80]  }
0xcb: {  	v62 =	vld [tilespmem:$0xC080];
	v1 =	vadd.f32 v58, v1;
	v0 =	vadd.f32 v59, v0  }
0xcc: {  	v63 =	vld [tilespmem:$0xC100]  }
0xcd: {  	v1 =	vadd.f32 v2, v1;
	v0 =	vadd.f32 v60, v0  }
0xce: {  	v2 =	vld [tilespmem:$0xC180]  }
0xcf: {  	v1 =	vadd.f32 v3, v1;
	v0 =	vadd.f32 v61, v0;
	_ =	sdelay $0x1  }
0xd0: {  	v3 =	vadd.f32 v62, v1;
	v1 =	vadd.f32 v63, v0;
	_ =	sdelay $0x1  }
0xd1: {  	v0 =	vadd.f32 v2, v3;
	v2 =	vmul.f32 $9.499999880e-01, v1;
	v3 =	vmul.f32 $1.049999950e+00, v1;
	_ =	sdelay $0x1  }
0xd2: {  	vm0 =	vge.f32 v0, v2;
	vm1 =	vle.f32 v0, v3  }
0xd3: {  	vm0 =	vmneg vm0;
	vm1 =	vmneg vm1  }
0xd4: {  	v2 =	vimm.f32 $1.000000000e+00;
	vm0 =	vmor vm0, vm1  }
0xd5: {  	v2 =	vsel vm0, $0x0, v2  }
0xd6: {  	(xrf0) =	vmin.scan.msk.f32 $0xffff, v2;
	_ =	sdelay $0x5  }
0xd7: {  	v2, _, _ =	vpop (xrf0)  }
0xd8: {  	(v2sf) =	vpush v2, $0xF;
	_ =	sdelay $0xe  }
0xd9: {  	s31 =	spop (v2sf)  }
0xda: {  	p0 =	sgt.f32 s31, $0.0e+00  }
.Ltmp1:
0xdb: {  	_ = 	snop;
	(pc) =	sbr.rel @p0 .LBB2_23-.Ltmp1, $1  }
0xdc: {  	_ =	sdelay $0x3  }
0xdd: {  	v2 =	vmov s16;
	v3 =	vlaneseq.u32  }
0xde: {  	v1 =	vtrunc.f32 v1;
	vm1 =	veq.s32 v2, v3  }
0xdf: {  	v1 =	vcvt.f32.s32 v1;
	v0 =	vnsel vm1, $0x0, v0  }
0xe0: {  	vm2 =	vgt.u32 v2, v3;
	(xrf2) =	vadd.scan.msk.f32 $0xffff, v0  }
0xe1: {  	v56 =	vnsel vm2, $0x0, v1  }
0xe2: {  	v57 =	vnsel vm1, $0x0, v1;
	(xrf0) =	vadd.scan.msk.s32 $0xffff, v56  }
0xe3: {  	v58 =	vimm.s32 $0x0;
	vm0 =	vmand vm1, vm0;
	(xrf0) =	vadd.scan.msk.s32 $0xffff, v57  }
0xe4: {  	v0 =	vsel vm0, $0x1, v58  }
0xe5: {  	(xrf0) =	vadd.scan.msk.s32 $0xffff, v0;
	_ =	sdelay $0x2  }
0xe6: {  	v59, _, _ =	vpop (xrf0)  }
0xe7: {  	v60, _, _ =	vpop (xrf0);
	(v2sf) =	vpush v59, $0xF  }
0xe8: {  	(v2sf) =	vpush v60, $0xF;
	v61, _, _ =	vpop (xrf2)  }
0xe9: {  	v62, _, _ =	vpop (xrf0);
	(v2sf) =	vpush v61, $0xF  }
0xea: {  	(v2sf) =	vpush v62, $0xF;
	_ =	sdelay $0xb  }
0xeb: {  	s9 =	spop (v2sf)  }
0xec: {  	s8 =	spop (v2sf)  }
0xed: {  	s13 =	spop (v2sf)  }
0xee: {  	s6 =	spop (v2sf)  }
0xef: {  	p0 =	slt.s32 s6, $0x1  }
.Ltmp2:
0xf0: {  	_ = 	snop;
	(pc) =	sbr.rel @p0 .LBB2_20-.Ltmp2, $3  }
0xf1: {  	_ =	sdelay $0x1  }
0xf2: {  	s7 =	sshll.u32 s16, $0x4;
	v63 =	vimm.f32 $0.0e+00  }
0xf3: {  	s2 =	sadd.s32 s3, s7;
	[tilespmem:$0xC200] =	vst v63  }
0xf4: {  	s0 =	sshra.s32 s9, $0x1F;
	s11 =	sand.u32 $0x7FF, s9;
	p0 =	slt.s32 s9, $0x1  }
0xf5: {  	s28 =	sadd.s32 s8, s9;
	s12 =	simm.s32 $0x1;
	s7 =	sshrl.u32 s0, $0x15  }
0xf6: {  	p1 =	sne.s32 s11, $0x0;
	s15 =	sadd.s32 $0x7FF, s28;
	s7 =	sadd.s32 s7, s9  }
0xf7: {  	p1 =	por !p0, !p1;
	s14 =	sshra.s32 s15, $0x1F;
	s16 =	sand.u32 $0x7FF, s15  }
0xf8: {  	p6 =	slt.s32 s15, $0x1;
	s7 =	sshra.s32 s7, $0xB;
	p1 =	por !p1, !p1  }
0xf9: {  	s17 =	sshrl.u32 s14, $0x15;
	p2 =	sne.s32 s16, $0x0;
	s12 =	simm.s32 @!p1 $0x0  }
0xfa: {  	s29 =	sadd.s32 s17, s15;
	p1 =	por !p6, !p2;
	s14 =	ssub.s32 s7, s12  }
0xfb: {  	s7 =	sshrl.u32 s29, $0xB;
	p1 =	por !p1, !p1;
	s12 =	simm.s32 $0x1  }
0xfc: {  	s7 =	ssub.s32 s7, s14;
	s12 =	simm.s32 @!p1 $0x0  }
0xfd: {  	s7 =	ssub.s32 s7, s12  }
0xfe: {  	s7 =	sshll.u32 s7, $0xB  }
0xff: {  	[dreg:$0x6] =	wrdreg s10;
	s15 =	sshra.s32 s7, $0xB  }
0x100: {  	s30 =	scvt.s32.f32 s8;
	[dreg:$0x7] =	wrdreg s3;
	p2 =	slt.s32 s15, $0x1  }
.Ltmp3:
0x101: {  	[dreg:$0x8] =	wrdreg s2;
	(pc) =	sbr.rel @p2 .LBB2_5-.Ltmp3, $4  }
0x102: {  	[dreg:$0x9] =	wrdreg s0;
	s31 =	smul.f32 $9.499999880e-01, s30  }
0x103: {  	[dreg:$0xa] =	wrdreg s28  }
0x104: {  	[dreg:$0xb] =	wrdreg s31  }
0x105: {  	p1 =	slt.f32 s13, s31;
	s13 =	simm.s32 $0x1;
	s7 =	smul.f32 $1.049999950e+00, s30  }
0x106: {  	s16 =	sadd.s32 s9, s8;
	s17 =	sshll.u32 s14, $0xB;
	s18 =	sshll.u32 s14, $0xD  }
0x107: {  	s19 =	simm.s32 $0x0;
	s20 =	simm.s32 $0xA000;
	s21 =	simm.s32 $0x5  }
0x108: {  	v0 =	vlaneseq.u32;
	s22 =	simm.s32 $0xA800;
	s23 =	simm.s32 $0x0;
	s18 =	sshra.s32 s18, $0x2  }
0x109: {  	v2 =	vimm.f32 $1.000000020e+30;
	v3 =	vimm.f32 $-1.000000020e+30;
	s16 =	ssub.s32 s16, s17;
	s17 =	ssub.s32 s9, s17;
	v1 =	vadd.s32 $0x1, v0;
	s18 =	sadd.s32 $0x2040, s18  }
.LBB2_7:
0x10a: {  	s24 =	sadd.s32 s14, s23  }
0x10b: {  	s24 =	sshll.u32 s24, $0x8  }
0x10c: {  	s24 =	sand.u32 $0x1FFFFF00, s24  }
0x10d: {  	s25 =	sadd.s32 s4, s24  }
0x10e: {  	[tilespmem:s20], [sflag:$0x5] =	stream.linear.gather [hbm4b:s25+s19], $0x800, $0x38;
	[tilespmem:$0xCB00] =	vst v63  }
0x10f: {  	_ =	swait.ge [sflag:s21], $0x800  }
0x110: {  	[sflag:s21] =	ssyncset.done $0x0  }
0x111: {  	s24 =	sadd.s32 s5, s24;
	[sflag:s21] =	ssyncadd.s32 $0xFFFFF800  }
0x112: {  	[tilespmem:s22], [sflag:$0x5] =	stream.linear.gather [hbm4b:s24+s19], $0x800, $0x38;
	[tilespmem:$0xCB00] =	vst v63  }
0x113: {  	_ =	swait.ge [sflag:s21], $0x800  }
0x114: {  	[sflag:s21] =	ssyncset.done $0x0  }
0x115: {  	s24 =	simm.s32 $0xA840;
	[sflag:s21] =	ssyncadd.s32 $0xFFFFF800  }
0x116: {  	v4 =	vld [tilespmem:s24+$0xFFFFFFC0];
	_ =	sdelay $0x4  }
0x117: {  	v4 =	vmax.f32 v4, $9.999999710e-10  }
0x118: {  	(erf) = vrcp.f32 v4;
	_ =	sdelay $0x3  }
0x119: {  	s25 =	simm.s32 $0xA040  }
0x11a: {  	v4 =	vld [tilespmem:s25+$0xFFFFFFC0];
	_ =	sdelay $0x2  }
0x11b: {  	s28 =	sadd.s32 $0x0, s17;
	s26 =	sadd.s32 $0x0, s16  }
0x11c: {  	v5 =	vmov s28;
	v6 =	vmov s26;
	v7 =	vpop (erf)  }
0x11d: {  	vm0 =	vlt.s32 v5, v1;
	vm1 =	vgt.s32 v6, v0;
	v4 =	vmul.f32 v7, v4  }
0x11e: {  	vm0 =	vmand vm0, vm1  }
0x11f: {  	v5 =	vnsel vm0, $0x7149F2CA, v4  }
0x120: {  	[tilespmem:s18+$0xFFFFFFC0] =	vst v5  }
0x121: {  	v6 =	vld [tilespmem:s24+$0xFFFFFFD0];
	_ =	sdelay $0x4  }
0x122: {  	v6 =	vmax.f32 v6, $9.999999710e-10  }
0x123: {  	(erf) = vrcp.f32 v6;
	_ =	sdelay $0x4  }
0x124: {  	v6 =	vld [tilespmem:s25+$0xFFFFFFD0];
	_ =	sdelay $0x2  }
0x125: {  	s29 =	sadd.s32 $0xFFFFFFF0, s28;
	s30 =	sadd.s32 $0xFFFFFFF0, s26  }
0x126: {  	v8 =	vmov s30;
	v7 =	vmov s29;
	v9 =	vpop (erf)  }
0x127: {  	vm2 =	vgt.s32 v8, v0;
	vm8 =	vlt.s32 v7, v1;
	v6 =	vmul.f32 v9, v6  }
0x128: {  	vm1 =	vmand vm8, vm2  }
0x129: {  	v7 =	vnsel vm1, $0x7149F2CA, v6  }
0x12a: {  	[tilespmem:s18+$0xFFFFFFD0] =	vst v7  }
0x12b: {  	v41 =	vld [tilespmem:s24+$0xFFFFFFE0];
	_ =	sdelay $0x4  }
0x12c: {  	v8 =	vmax.f32 v41, $9.999999710e-10  }
0x12d: {  	(erf) = vrcp.f32 v8;
	_ =	sdelay $0x4  }
0x12e: {  	v42 =	vld [tilespmem:s25+$0xFFFFFFE0];
	_ =	sdelay $0x2  }
0x12f: {  	s31 =	sadd.s32 $0xFFFFFFE0, s28;
	s0 =	sadd.s32 $0xFFFFFFE0, s26  }
0x130: {  	v43 =	vmov s31;
	v10 =	vmov s0;
	v11 =	vpop (erf)  }
0x131: {  	vm9 =	vlt.s32 v43, v1;
	vm3 =	vgt.s32 v10, v0;
	v8 =	vmul.f32 v11, v42  }
0x132: {  	vm2 =	vmand vm9, vm3  }
0x133: {  	v44 =	vnsel vm2, $0x7149F2CA, v8  }
0x134: {  	[tilespmem:s18+$0xFFFFFFE0] =	vst v44  }
0x135: {  	v45 =	vld [tilespmem:s24+$0xFFFFFFF0];
	_ =	sdelay $0x4  }
0x136: {  	v10 =	vmax.f32 v45, $9.999999710e-10  }
0x137: {  	(erf) = vrcp.f32 v10;
	_ =	sdelay $0x4  }
0x138: {  	v46 =	vld [tilespmem:s25+$0xFFFFFFF0];
	_ =	sdelay $0x2  }
0x139: {  	s1 =	sadd.s32 $0xFFFFFFD0, s28;
	s2 =	sadd.s32 $0xFFFFFFD0, s26  }
0x13a: {  	v47 =	vmov s2;
	v12 =	vmov s1;
	v13 =	vpop (erf)  }
0x13b: {  	vm10 =	vgt.s32 v47, v0;
	vm4 =	vlt.s32 v12, v1;
	v10 =	vmul.f32 v13, v46  }
0x13c: {  	vm3 =	vmand vm4, vm10  }
0x13d: {  	v48 =	vnsel vm3, $0x7149F2CA, v10  }
0x13e: {  	[tilespmem:s18+$0xFFFFFFF0] =	vst v48  }
0x13f: {  	v49 =	vld [tilespmem:s24+$0x0];
	_ =	sdelay $0x4  }
0x140: {  	v12 =	vmax.f32 v49, $9.999999710e-10  }
0x141: {  	(erf) = vrcp.f32 v12;
	_ =	sdelay $0x4  }
0x142: {  	v50 =	vld [tilespmem:s25+$0x0];
	_ =	sdelay $0x2  }
0x143: {  	s3 =	sadd.s32 $0xFFFFFFC0, s28;
	s6 =	sadd.s32 $0xFFFFFFC0, s26  }
0x144: {  	v51 =	vmov s3;
	v14 =	vmov s6;
	v15 =	vpop (erf)  }
0x145: {  	vm11 =	vlt.s32 v51, v1;
	vm5 =	vgt.s32 v14, v0;
	v12 =	vmul.f32 v15, v50  }
0x146: {  	vm4 =	vmand vm11, vm5  }
0x147: {  	v52 =	vnsel vm4, $0x7149F2CA, v12  }
0x148: {  	[tilespmem:s18+$0x0] =	vst v52  }
0x149: {  	v53 =	vld [tilespmem:s24+$0x10];
	_ =	sdelay $0x4  }
0x14a: {  	v14 =	vmax.f32 v53, $9.999999710e-10  }
0x14b: {  	(erf) = vrcp.f32 v14;
	_ =	sdelay $0x4  }
0x14c: {  	v54 =	vld [tilespmem:s25+$0x10];
	_ =	sdelay $0x2  }
0x14d: {  	s10 =	sadd.s32 $0xFFFFFFB0, s28;
	s11 =	sadd.s32 $0xFFFFFFB0, s26  }
0x14e: {  	v55 =	vmov s11;
	v16 =	vmov s10;
	v17 =	vpop (erf)  }
0x14f: {  	vm12 =	vgt.s32 v55, v0;
	vm6 =	vlt.s32 v16, v1;
	v14 =	vmul.f32 v17, v54  }
0x150: {  	vm5 =	vmand vm6, vm12  }
0x151: {  	v56 =	vnsel vm5, $0x7149F2CA, v14  }
0x152: {  	[tilespmem:s18+$0x10] =	vst v56  }
0x153: {  	v57 =	vld [tilespmem:s24+$0x20];
	_ =	sdelay $0x4  }
0x154: {  	v16 =	vmax.f32 v57, $9.999999710e-10  }
0x155: {  	(erf) = vrcp.f32 v16;
	_ =	sdelay $0x4  }
0x156: {  	v58 =	vld [tilespmem:s25+$0x20];
	_ =	sdelay $0x2  }
0x157: {  	s12 =	sadd.s32 $0xFFFFFFA0, s28;
	s31 =	sadd.s32 $0xFFFFFFA0, s26  }
0x158: {  	v59 =	vmov s12;
	v18 =	vmov s31;
	v19 =	vpop (erf)  }
0x159: {  	vm13 =	vlt.s32 v59, v1;
	vm7 =	vgt.s32 v18, v0;
	v16 =	vmul.f32 v19, v58  }
0x15a: {  	vm6 =	vmand vm13, vm7  }
0x15b: {  	v60 =	vnsel vm6, $0x7149F2CA, v16  }
0x15c: {  	[tilespmem:s18+$0x20] =	vst v60  }
0x15d: {  	v61 =	vld [tilespmem:s24+$0x30];
	_ =	sdelay $0x4  }
0x15e: {  	v18 =	vmax.f32 v61, $9.999999710e-10  }
0x15f: {  	(erf) = vrcp.f32 v18;
	_ =	sdelay $0x1  }
0x160: {  	s28 =	sadd.s32 $0xFFFFFF90, s28  }
0x161: {  	v62 =	vmov s28;
	s26 =	sadd.s32 $0xFFFFFF90, s26;
	v4 =	vnsel vm0, $0xF149F2CA, v4  }
0x162: {  	vm14 =	vlt.s32 v62, v1;
	v3 =	vmax.f32 v3, v4;
	v4 =	vmov s26  }
0x163: {  	v2 =	vmin.f32 v2, v5;
	vm15 =	vgt.s32 v4, v0;
	v6 =	vnsel vm1, $0xF149F2CA, v6;
	v63 =	vld [tilespmem:s25+$0x30]  }
0x164: {  	v3 =	vmax.f32 v3, v6;
	v2 =	vmin.f32 v2, v7;
	v8 =	vnsel vm2, $0xF149F2CA, v8  }
0x165: {  	v3 =	vmax.f32 v3, v8;
	v2 =	vmin.f32 v2, v44;
	v10 =	vnsel vm3, $0xF149F2CA, v10  }
0x166: {  	v3 =	vmax.f32 v3, v10;
	v2 =	vmin.f32 v2, v48;
	v12 =	vnsel vm4, $0xF149F2CA, v12  }
0x167: {  	v3 =	vmax.f32 v3, v12;
	v2 =	vmin.f32 v2, v52;
	v5 =	vnsel vm5, $0xF149F2CA, v14;
	v4 =	vpop (erf)  }
0x168: {  	v3 =	vmax.f32 v3, v5;
	v6 =	vnsel vm6, $0xF149F2CA, v16;
	v5 =	vmul.f32 v4, v63  }
0x169: {  	vm0 =	vmand vm14, vm15;
	v2 =	vmin.f32 v2, v56;
	v3 =	vmax.f32 v3, v6  }
0x16a: {  	s28 =	smov.u32 s18;
	s26 =	simm.s32 $0xFFFFFF80;
	v2 =	vmin.f32 v2, v60;
	v4 =	vnsel vm0, $0x7149F2CA, v5;
	v5 =	vnsel vm0, $0xF149F2CA, v5  }
.LBB2_8:
0x16b: {  	[tilespmem:s28+$0x30] =	vst v4;
	v2 =	vmin.f32 v2, v4;
	v3 =	vmax.f32 v3, v5;
	s24 =	sadd.s32 $0x80, s24;
	s25 =	sadd.s32 $0x80, s25;
	s28 =	sadd.s32 $0x80, s28  }
0x16c: {  	p2 =	sne.s32 s26, $0xFFFFF880;
	s29 =	smov.u32 s26;
	s26 =	sadd.s32 $0xFFFFFF80, s26;
	v4 =	vld [tilespmem:s24+$0xFFFFFFC0]  }
0x16d: {  	_ =	sdelay $0x3  }
0x16e: {  	v4 =	vmax.f32 v4, $9.999999710e-10  }
0x16f: {  	(erf) = vrcp.f32 v4;
	_ =	sdelay $0x4  }
0x170: {  	v4 =	vld [tilespmem:s25+$0xFFFFFFC0];
	_ =	sdelay $0x2  }
0x171: {  	s31 =	sadd.s32 s29, s17;
	s0 =	sadd.s32 s29, s16  }
0x172: {  	v5 =	vmov s31;
	v6 =	vmov s0;
	s6 =	sadd.s32 $0xFFFFFFF0, s31;
	s30 =	sadd.s32 $0xFFFFFFF0, s0;
	s10 =	sadd.s32 $0xFFFFFFE0, s31;
	v7 =	vpop (erf)  }
0x173: {  	s1 =	sadd.s32 $0xFFFFFFE0, s0;
	s29 =	sadd.s32 $0xFFFFFFD0, s31;
	s11 =	sadd.s32 $0xFFFFFFD0, s0;
	vm0 =	vlt.s32 v5, v1;
	vm1 =	vgt.s32 v6, v0;
	v7 =	vmul.f32 v7, v4  }
0x174: {  	s12 =	sadd.s32 $0xFFFFFFB0, s31;
	v5 =	vmov s6;
	v6 =	vmov s10;
	s6 =	sadd.s32 $0xFFFFFFC0, s31;
	s10 =	sadd.s32 $0xFFFFFFC0, s0;
	vm0 =	vmand vm0, vm1  }
0x175: {  	s3 =	sadd.s32 $0xFFFFFFA0, s31;
	s2 =	sadd.s32 $0xFFFFFFA0, s0;
	vm7 =	vlt.s32 v5, v1;
	v5 =	vmov s6;
	s6 =	sadd.s32 $0xFFFFFFB0, s0;
	v4 =	vnsel vm0, $0x7149F2CA, v7  }
0x176: {  	vm1 =	vlt.s32 v6, v1;
	v6 =	vmov s1;
	s1 =	sadd.s32 $0xFFFFFF90, s31;
	s0 =	sadd.s32 $0xFFFFFF90, s0;
	v8 =	vmov s6;
	[tilespmem:s28+$0xFFFFFFC0] =	vst v4  }
0x177: {  	vm2 =	vgt.s32 v6, v0;
	v6 =	vmov s11;
	v11 =	vmov s1;
	v9 =	vld [tilespmem:s24+$0xFFFFFFD0]  }
0x178: {  	vm3 =	vlt.s32 v5, v1;
	vm6 =	vmand vm1, vm2;
	vm5 =	vgt.s32 v6, v0  }
0x179: {  	v5 =	vmov s10;
	v6 =	vmov s12;
	vm1 =	vgt.s32 v8, v0  }
0x17a: {  	vm4 =	vgt.s32 v5, v0;
	v8 =	vmov s3;
	vm2 =	vlt.s32 v6, v1  }
0x17b: {  	v10 =	vmov s2;
	v6 =	vnsel vm0, $0xF149F2CA, v7;
	vm0 =	vlt.s32 v11, v1  }
0x17c: {  	v5 =	vmov s0;
	v7 =	vmax.f32 v9, $9.999999710e-10  }
0x17d: {  	(erf) = vrcp.f32 v7;
	_ =	sdelay $0x4  }
0x17e: {  	v7 =	vld [tilespmem:s25+$0xFFFFFFD0];
	_ =	sdelay $0x3  }
0x17f: {  	v9 =	vmov s30;
	v11 =	vpop (erf)  }
0x180: {  	vm8 =	vgt.s32 v9, v0;
	v11 =	vmul.f32 v11, v7  }
0x181: {  	vm7 =	vmand vm7, vm8  }
0x182: {  	v7 =	vnsel vm7, $0x7149F2CA, v11;
	v9 =	vnsel vm7, $0xF149F2CA, v11  }
0x183: {  	[tilespmem:s28+$0xFFFFFFD0] =	vst v7  }
0x184: {  	v11 =	vld [tilespmem:s24+$0xFFFFFFE0];
	_ =	sdelay $0x4  }
0x185: {  	v11 =	vmax.f32 v11, $9.999999710e-10  }
0x186: {  	(erf) = vrcp.f32 v11;
	_ =	sdelay $0x4  }
0x187: {  	v11 =	vld [tilespmem:s25+$0xFFFFFFE0];
	_ =	sdelay $0x3  }
0x188: {  	v12 =	vpop (erf)  }
0x189: {  	v12 =	vmul.f32 v12, v11;
	_ =	sdelay $0x1  }
0x18a: {  	v11 =	vnsel vm6, $0x7149F2CA, v12;
	v12 =	vnsel vm6, $0xF149F2CA, v12  }
0x18b: {  	[tilespmem:s28+$0xFFFFFFE0] =	vst v11  }
0x18c: {  	v13 =	vld [tilespmem:s24+$0xFFFFFFF0];
	_ =	sdelay $0x4  }
0x18d: {  	v13 =	vmax.f32 v13, $9.999999710e-10  }
0x18e: {  	(erf) = vrcp.f32 v13;
	_ =	sdelay $0x4  }
0x18f: {  	v13 =	vld [tilespmem:s25+$0xFFFFFFF0];
	_ =	sdelay $0x3  }
0x190: {  	v14 =	vmov s29;
	v15 =	vpop (erf)  }
0x191: {  	vm6 =	vlt.s32 v14, v1;
	v13 =	vmul.f32 v15, v13  }
0x192: {  	vm5 =	vmand vm6, vm5  }
0x193: {  	v14 =	vnsel vm5, $0x7149F2CA, v13;
	v13 =	vnsel vm5, $0xF149F2CA, v13  }
0x194: {  	[tilespmem:s28+$0xFFFFFFF0] =	vst v14  }
0x195: {  	v15 =	vld [tilespmem:s24+$0x0];
	_ =	sdelay $0x4  }
0x196: {  	v15 =	vmax.f32 v15, $9.999999710e-10  }
0x197: {  	(erf) = vrcp.f32 v15;
	_ =	sdelay $0x4  }
0x198: {  	v15 =	vld [tilespmem:s25+$0x0];
	_ =	sdelay $0x3  }
0x199: {  	v16 =	vpop (erf)  }
0x19a: {  	v15 =	vmul.f32 v16, v15  }
0x19b: {  	vm3 =	vmand vm3, vm4  }
0x19c: {  	v16 =	vnsel vm3, $0x7149F2CA, v15;
	v15 =	vnsel vm3, $0xF149F2CA, v15  }
0x19d: {  	[tilespmem:s28+$0x0] =	vst v16  }
0x19e: {  	v17 =	vld [tilespmem:s24+$0x10]  }
0x19f: {  	v18 =	vld [tilespmem:s25+$0x10];
	_ =	sdelay $0x3  }
0x1a0: {  	v17 =	vmax.f32 v17, $9.999999710e-10  }
0x1a1: {  	(erf) = vrcp.f32 v17;
	_ =	sdelay $0x8  }
0x1a2: {  	v17 =	vpop (erf)  }
0x1a3: {  	v17 =	vmul.f32 v17, v18  }
0x1a4: {  	vm1 =	vmand vm2, vm1  }
0x1a5: {  	v18 =	vnsel vm1, $0x7149F2CA, v17;
	v17 =	vnsel vm1, $0xF149F2CA, v17  }
0x1a6: {  	[tilespmem:s28+$0x10] =	vst v18  }
0x1a7: {  	v19 =	vld [tilespmem:s24+$0x20]  }
0x1a8: {  	v20 =	vld [tilespmem:s25+$0x20];
	_ =	sdelay $0x3  }
0x1a9: {  	v19 =	vmax.f32 v19, $9.999999710e-10  }
0x1aa: {  	(erf) = vrcp.f32 v19;
	_ =	sdelay $0x8  }
0x1ab: {  	v19 =	vpop (erf)  }
0x1ac: {  	vm2 =	vgt.s32 v10, v0;
	vm1 =	vlt.s32 v8, v1;
	v19 =	vmul.f32 v19, v20  }
0x1ad: {  	vm1 =	vmand vm1, vm2  }
0x1ae: {  	v8 =	vnsel vm1, $0x7149F2CA, v19;
	v10 =	vnsel vm1, $0xF149F2CA, v19  }
0x1af: {  	[tilespmem:s28+$0x20] =	vst v8  }
0x1b0: {  	v19 =	vld [tilespmem:s24+$0x30]  }
0x1b1: {  	v20 =	vld [tilespmem:s25+$0x30];
	_ =	sdelay $0x3  }
0x1b2: {  	v19 =	vmax.f32 v19, $9.999999710e-10  }
0x1b3: {  	(erf) = vrcp.f32 v19;
	_ =	sdelay $0x4  }
0x1b4: {  	v3 =	vmax.f32 v3, v6  }
0x1b5: {  	v2 =	vmin.f32 v2, v4;
	v3 =	vmax.f32 v3, v9  }
0x1b6: {  	v2 =	vmin.f32 v2, v7;
	v3 =	vmax.f32 v3, v12  }
.Ltmp4:
0x1b7: {  	v2 =	vmin.f32 v2, v11;
	v3 =	vmax.f32 v3, v13;
	(pc) =	sbr.rel @p2 .LBB2_8-.Ltmp4, $4  }
0x1b8: {  	v2 =	vmin.f32 v2, v14;
	v3 =	vmax.f32 v3, v15;
	vm1 =	vgt.s32 v5, v0;
	v4 =	vpop (erf)  }
0x1b9: {  	v2 =	vmin.f32 v2, v16;
	v3 =	vmax.f32 v3, v17;
	v5 =	vmul.f32 v4, v20  }
0x1ba: {  	v2 =	vmin.f32 v2, v18;
	v3 =	vmax.f32 v3, v10;
	vm0 =	vmand vm0, vm1  }
0x1bb: {  	v2 =	vmin.f32 v2, v8;
	v4 =	vnsel vm0, $0x7149F2CA, v5;
	v5 =	vnsel vm0, $0xF149F2CA, v5  }
0x1bc: {  	s23 =	sadd.s32 $0x1, s23  }
0x1bd: {  	p2 =	sne.s32 s23, s15  }
.Ltmp5:
0x1be: {  	_ = 	snop;
	(pc) =	sbr.rel @p2 .LBB2_7-.Ltmp5, $4  }
.Ltmp6:
0x1bf: {  	_ = 	snop;
	(pc) =	sbr.rel @!p2 .LBB2_10-.Ltmp6, $4  }
0x1c0: {  	_ = 	snop  }
0x1c1: {  	_ = 	snop  }
0x1c2: {  	[tilespmem:s28+$0x30] =	vst v4;
	v2 =	vmin.f32 v2, v4;
	v3 =	vmax.f32 v3, v5;
	s16 =	sadd.s32 $0xFFFFF800, s16;
	s17 =	sadd.s32 $0xFFFFF800, s17;
	s18 =	sadd.s32 $0x800, s18  }
0x1c3: {  	_ = 	snop  }
.LBB2_5:
0x1c4: {  	v3 =	vimm.f32 $-1.000000020e+30;
	v2 =	vimm.f32 $1.000000020e+30  }
.LBB2_10:
0x1c5: {  	(xrf0) =	vmin.scan.msk.f32 $0xffff, v2  }
0x1c6: {  	(xrf0) =	vmax.scan.msk.f32 $0xffff, v3;
	_ =	sdelay $0x4  }
0x1c7: {  	v0, _, _ =	vpop (xrf0)  }
0x1c8: {  	(v2sf) =	vpush v0, $0xF;
	v63, _, _ =	vpop (xrf0)  }
0x1c9: {  	(v2sf) =	vpush v63, $0xF;
	_ =	sdelay $0x2  }
0x1ca: {  	s26 =	rddreg [dreg:$0x9]  }
0x1cb: {  	s1 =	rddreg [dreg:$0xa]  }
0x1cc: {  	s0 =	sand.u32 $0x7F, s9;
	s4 =	rddreg [dreg:$0xb]  }
0x1cd: {  	s3 =	simm.s32 $0x1;
	s11 =	simm.s32 $0x0;
	s15 =	rddreg [dreg:$0x5]  }
0x1ce: {  	s16 =	stileid.u32;
	p2 =	sne.s32 s0, $0x0;
	s0 =	sshrl.u32 s26, $0x19  }
0x1cf: {  	s1 =	sadd.s32 $0x7F, s1;
	p0 =	por !p0, !p2;
	s0 =	sadd.s32 s0, s9  }
0x1d0: {  	s2 =	sand.u32 $0x7F, s1;
	s28 =	sshra.s32 s1, $0x1F;
	p6 =	slt.s32 s1, $0x1  }
0x1d1: {  	p0 =	por !p0, !p0;
	p5 =	sne.s32 s2, $0x0;
	s2 =	sshrl.u32 s28, $0x19  }
0x1d2: {  	s0 =	sshra.s32 s0, $0x7;
	s3 =	simm.s32 @!p0 $0x0;
	s1 =	sadd.s32 s2, s1  }
0x1d3: {  	p0 =	por !p6, !p5;
	s0 =	ssub.s32 s0, s3;
	s1 =	sshrl.u32 s1, $0x7  }
0x1d4: {  	s7 =	smov.u32 @p1 s4;
	p0 =	por !p0, !p0;
	s1 =	ssub.s32 s1, s0  }
0x1d5: {  	s13 =	simm.s32 @!p0 $0x0;
	s0 =	sshll.u32 s0, $0x9;
	s29 =	spop (v2sf)  }
0x1d6: {  	s1 =	ssub.s32 s1, s13;
	s30 =	spop (v2sf);
	s2 =	ssub.f32 $1.200000050e+00, s29  }
.Ltmp7:
0x1d7: {  	s1 =	sshll.u32 s1, $0x7;
	s3 =	ssub.f32 $8.000000110e-01, s30;
	(pc) =	sbr.rel .LBB2_11-.Ltmp7, $4  }
0x1d8: {  	s0 =	sshra.s32 s0, $0x2;
	s5 =	ssub.s32 s1, s8;
	s8 =	sadd.f32 $1.000000000e+00, s2  }
0x1d9: {  	s1 =	sshra.s32 s1, $0x7;
	s31 =	scvt.s32.f32 s5;
	s2 =	rddreg [dreg:$0x8]  }
0x1da: {  	s10 =	sadd.s32 $0x2040, s0;
	s9 =	ssub.s32 $0x0, s1;
	s4 =	sadd.f32 $-1.000000000e+00, s3  }
0x1db: {  	p0 =	slt.s32 s1, $0x1;
	s5 =	smul.f32 $1.200000050e+00, s31;
	s3 =	rddreg [dreg:$0x7]  }
.LBB2_12:
0x1dc: {  	v0 =	vimm.f32 $0.0e+00  }
.LBB2_18:
0x1dd: {  	(xrf2) =	vadd.scan.msk.f32 $0xffff, v0;
	_ =	sdelay $0x9  }
0x1de: {  	v0, _, _ =	vpop (xrf2)  }
0x1df: {  	(v2sf) =	vpush v0, $0xF;
	_ =	sdelay $0xe  }
0x1e0: {  	s11 =	sadd.s32 $0x1, s11;
	s0 =	spop (v2sf)  }
0x1e1: {  	p2 =	sne.s32 s11, $0x1E;
	s0 =	ssub.f32 s0, s5  }
.Ltmp8:
0x1e2: {  	_ = 	snop;
	(pc) =	sbr.rel @!p2 .LBB2_19-.Ltmp8, $4  }
0x1e3: {  	p1 =	slt.f32 s0, s7  }
0x1e4: {  	s0 =	smov.u32 s12  }
0x1e5: {  	s0 =	smov.u32 @p1 s8  }
0x1e6: {  	s4 =	smov.u32 @p1 s12;
	s8 =	smov.u32 s0  }
.LBB2_11:
.Ltmp9:
0x1e7: {  	(pc) =	sbr.rel @p0 .LBB2_12-.Ltmp9, $3  }
0x1e8: {  	_ = 	snop  }
0x1e9: {  	s0 =	sadd.f32 s8, s4;
	_ =	sdelay $0x1  }
0x1ea: {  	s12 =	smul.f32 $5.000000000e-01, s0  }
0x1eb: {  	v0 =	vld [tilespmem:s10+$0xFFFFFFC0]  }
0x1ec: {  	v2 =	vld [tilespmem:s10+$0x30]  }
0x1ed: {  	v3 =	vld [tilespmem:s10+$0xFFFFFFD0]  }
0x1ee: {  	v6 =	vld [tilespmem:s10+$0xFFFFFFF0]  }
0x1ef: {  	s13 =	sadd.s32 $0x1, s9  }
0x1f0: {  	v5 =	vld [tilespmem:s10+$0xFFFFFFE0];
	p2 =	seq.s32 s13, $0x0  }
.Ltmp10:
0x1f1: {  	v1 =	vmov s12;
	(pc) =	sbr.rel @p2 .LBB2_14-.Ltmp10, $4  }
0x1f2: {  	v0 =	vadd.f32 v0, v1;
	v8 =	vadd.f32 v2, v1  }
0x1f3: {  	v7 =	vld [tilespmem:s10+$0x20];
	v11 =	vadd.f32 v3, v1;
	v13 =	vadd.f32 v6, v1  }
0x1f4: {  	v9 =	vld [tilespmem:s10+$0x10];
	v2 =	vmax.f32 v0, $8.000000110e-01;
	v0 =	vimm.f32 $0.0e+00;
	v3 =	vmax.f32 v8, $8.000000110e-01  }
0x1f5: {  	v10 =	vld [tilespmem:s10+$0x0];
	s14 =	sadd.s32 $0x80, s10;
	p1 =	por $0x0, $0x0;
	v11 =	vmax.f32 v11, $8.000000110e-01;
	v4 =	vmin.f32 v2, $1.200000050e+00;
	v2 =	vadd.f32 v5, v1  }
0x1f6: {  	_ =	sdelay $0x1  }
0x1f7: {  	v5 =	vld [tilespmem:s14+$0xFFFFFFC0]  }
0x1f8: {  	v8 =	vld [tilespmem:s14+$0x30];
	v15 =	vmin.f32 v11, $1.200000050e+00  }
0x1f9: {  	v4 =	vadd.f32 v4, v0;
	v3 =	vmin.f32 v3, $1.200000050e+00;
	v10 =	vadd.f32 v10, v1  }
0x1fa: {  	v2 =	vmax.f32 v2, $8.000000110e-01;
	v6 =	vadd.f32 v9, v1;
	v9 =	vmax.f32 v13, $8.000000110e-01  }
0x1fb: {  	v11 =	vld [tilespmem:s14+$0xFFFFFFD0];
	v7 =	vadd.f32 v7, v1;
	v9 =	vmin.f32 v9, $1.200000050e+00;
	v10 =	vmax.f32 v10, $8.000000110e-01  }
0x1fc: {  	v16 =	vld [tilespmem:s14+$0xFFFFFFF0];
	s13 =	sadd.s32 $0x1, s13;
	v9 =	vadd.f32 v9, v0;
	v12 =	vadd.f32 v5, v1;
	v10 =	vmin.f32 v10, $1.200000050e+00  }
0x1fd: {  	p2 =	seq.s32 s13, $0x0;
	v13 =	vld [tilespmem:s14+$0xFFFFFFE0];
	v7 =	vmax.f32 v7, $8.000000110e-01;
	v5 =	vadd.f32 v10, v4;
	v10 =	vadd.f32 v8, v1  }
.Ltmp11:
0x1fe: {  	v4 =	vmax.f32 v6, $8.000000110e-01;
	v6 =	vadd.f32 v3, v9;
	v3 =	vmax.f32 v12, $8.000000110e-01;
	v9 =	vld [tilespmem:s14+$0x10];
	(pc) =	sbr.rel @p2 .LBB2_17-.Ltmp11, $4  }
0x1ff: {  	v8 =	vmin.f32 v4, $1.200000050e+00;
	v4 =	vmin.f32 v3, $1.200000050e+00;
	v3 =	vmax.f32 v10, $8.000000110e-01;
	v10 =	vld [tilespmem:s14+$0x0]  }
0x200: {  	v14 =	vmin.f32 v2, $1.200000050e+00;
	v11 =	vadd.f32 v11, v1;
	v12 =	vmin.f32 v7, $1.200000050e+00;
	v7 =	vld [tilespmem:s14+$0x20]  }
0x201: {  	v15 =	vadd.f32 v15, v0;
	v14 =	vadd.f32 v14, v0  }
0x202: {  	p1 =	por $0x1, $0x1;
	v11 =	vmax.f32 v11, $8.000000110e-01;
	v2 =	vadd.f32 v13, v1;
	v13 =	vadd.f32 v16, v1;
	s14 =	sadd.s32 $0x80, s14  }
.LBB2_16:
0x203: {  	v16 =	vld [tilespmem:s14+$0xFFFFFFC0];
	s13 =	sadd.s32 $0x1, s13;
	v9 =	vadd.f32 v9, v1;
	v14 =	vadd.f32 v12, v14  }
0x204: {  	v12 =	vld [tilespmem:s14+$0x30];
	p2 =	seq.s32 s13, $0x0;
	v13 =	vmax.f32 v13, $8.000000110e-01;
	v10 =	vadd.f32 v10, v1;
	v15 =	vadd.f32 v8, v15  }
0x205: {  	v17 =	vmin.f32 v11, $1.200000050e+00;
	v11 =	vadd.f32 v7, v1;
	v8 =	vmin.f32 v13, $1.200000050e+00;
	v7 =	vld [tilespmem:s14+$0x20]  }
0x206: {  	v4 =	vadd.f32 v4, v5;
	v13 =	vld [tilespmem:s14+$0xFFFFFFD0];
	v6 =	vadd.f32 v8, v6;
	v5 =	vmax.f32 v10, $8.000000110e-01  }
0x207: {  	v3 =	vmin.f32 v3, $1.200000050e+00;
	v11 =	vmax.f32 v11, $8.000000110e-01;
	v18 =	vld [tilespmem:s14+$0xFFFFFFE0];
	v5 =	vmin.f32 v5, $1.200000050e+00  }
0x208: {  	v10 =	vadd.f32 v16, v1;
	v16 =	vld [tilespmem:s14+$0xFFFFFFF0];
	v5 =	vadd.f32 v5, v4;
	v4 =	vmax.f32 v9, $8.000000110e-01  }
.Ltmp12:
0x209: {  	v6 =	vadd.f32 v3, v6;
	v9 =	vld [tilespmem:s14+$0x10];
	v19 =	vadd.f32 v12, v1;
	v8 =	vmin.f32 v4, $1.200000050e+00;
	(pc) =	sbr.rel @!p2 .LBB2_16-.Ltmp12, $4  }
0x20a: {  	v2 =	vmax.f32 v2, $8.000000110e-01;
	v12 =	vmin.f32 v11, $1.200000050e+00;
	v3 =	vmax.f32 v10, $8.000000110e-01;
	v10 =	vld [tilespmem:s14+$0x0]  }
0x20b: {  	v4 =	vmin.f32 v3, $1.200000050e+00;
	v11 =	vadd.f32 v13, v1;
	v13 =	vmin.f32 v2, $1.200000050e+00  }
0x20c: {  	v3 =	vmax.f32 v19, $8.000000110e-01;
	v2 =	vadd.f32 v18, v1;
	v14 =	vadd.f32 v13, v14  }
0x20d: {  	v15 =	vadd.f32 v17, v15;
	s14 =	sadd.s32 $0x80, s14;
	v11 =	vmax.f32 v11, $8.000000110e-01;
	v13 =	vadd.f32 v16, v1  }
.LBB2_17:
0x20e: {  	v9 =	vadd.f32 v9, v1  }
0x20f: {  	v12 =	vadd.f32 @p1 v12, v14;
	v11 =	vmin.f32 v11, $1.200000050e+00;
	v4 =	vadd.f32 v4, v5  }
0x210: {  	v3 =	vmin.f32 v3, $1.200000050e+00;
	v13 =	vmax.f32 v13, $8.000000110e-01;
	v10 =	vadd.f32 v10, v1  }
0x211: {  	v8 =	vadd.f32 @p1 v8, v15;
	v2 =	vmax.f32 v2, $8.000000110e-01;
	v1 =	vadd.f32 v7, v1  }
0x212: {  	v59 =	vmin.f32 v13, $1.200000050e+00;
	v2 =	vmin.f32 v2, $1.200000050e+00;
	v61 =	vpsel p1, v12, v0  }
0x213: {  	v62 =	vmax.f32 v9, $8.000000110e-01;
	v60 =	vmax.f32 v10, $8.000000110e-01;
	v6 =	vadd.f32 v59, v6  }
0x214: {  	v0 =	vpsel p1, v8, v0;
	v2 =	vadd.f32 v2, v61;
	v63 =	vmin.f32 v62, $1.200000050e+00  }
0x215: {  	v5 =	vmin.f32 v60, $1.200000050e+00;
	v1 =	vmax.f32 v1, $8.000000110e-01;
	v0 =	vadd.f32 v11, v0  }
0x216: {  	v4 =	vadd.f32 v5, v4;
	v3 =	vadd.f32 v3, v6;
	v1 =	vmin.f32 v1, $1.200000050e+00  }
0x217: {  	v1 =	vadd.f32 v1, v2;
	v0 =	vadd.f32 v63, v0  }
.Ltmp13:
0x218: {  	_ = 	snop;
	(pc) =	sbr.rel .LBB2_18-.Ltmp13, $2  }
0x219: {  	v0 =	vadd.f32 v0, v4;
	v1 =	vadd.f32 v3, v1;
	_ =	sdelay $0x1  }
0x21a: {  	v0 =	vadd.f32 v1, v0;
	_ =	sdelay $0x1  }
.LBB2_14:
.Ltmp14:
0x21b: {  	(pc) =	sbr.rel .LBB2_17-.Ltmp14, $2  }
0x21c: {  	_ =	sdelay $0x2  }
0x21d: {  	v5 =	vimm.f32 $0.0e+00;
	v6 =	vimm.f32 $0.0e+00  }
.LBB2_19:
0x21e: {  	v0 =	vmov s12  }
0x21f: {  	s10 =	rddreg [dreg:$0x6];
	[tilespmem:$0xC200] =	vst v0  }
.LBB2_20:
0x220: {  	s0 =	simm.s32 $0x0;
	s1 =	simm.s32 $0xC200;
	s30 =	simm.s32 $0x5  }
0x221: {  	[hbm4b:s2+s0] =	stream.linear.scatter [tilespmem:s1], [sflag:$0x5], $0x80, $0x38;
	[tilespmem:$0xCB00] =	vst v63  }
0x222: {  	_ =	swait.ge [sflag:s30], $0x80  }
0x223: {  	[sflag:s30] =	ssyncset.done $0x0  }
0x224: {  	[sflag:s30] =	ssyncadd.s32 $0xFFFFFF80  }
0x225: {  	s31 =	simm.s32 $0xC280;
	[bflag:$0x0] =	sbarrier.arrive $0xFFFF  }
0x226: {  	[tilespmem:s31], [sflag:$0x5] =	stream.linear.gather [hbm4b:s3+s0], $0x800, $0x38;
	[tilespmem:$0xCB00] =	vst v63  }
0x227: {  	_ =	swait.ge [sflag:s30], $0x800  }
0x228: {  	[sflag:s30] =	ssyncset.done $0x0  }
0x229: {  	[sflag:s30] =	ssyncadd.s32 $0xFFFFF800  }
0x22a: {  	v0 =	vld [tilespmem:$0xC280]  }
0x22b: {  	v1 =	vld [tilespmem:$0xC300]  }
0x22c: {  	v2 =	vld [tilespmem:$0xC380]  }
0x22d: {  	v3 =	vld [tilespmem:$0xC400]  }
0x22e: {  	v4 =	vld [tilespmem:$0xC480]  }
0x22f: {  	vm0 =	vmmov $0x1;
	v5 =	vld [tilespmem:$0xC500]  }
0x230: {  	vm14 =	vmmov $0x3;
	v0 =	vsel vm0, v0, v1;
	v1 =	vld [tilespmem:$0xC580]  }
0x231: {  	vm15 =	vmmov $0x7;
	v0 =	vsel vm14, v0, v2;
	v2 =	vld [tilespmem:$0xC600]  }
0x232: {  	vm4 =	vmmov $0xf;
	v0 =	vsel vm15, v0, v3;
	v3 =	vld [tilespmem:$0xC680]  }
0x233: {  	vm5 =	vmmov $0x1f;
	v58 =	vld [tilespmem:$0xC700];
	v0 =	vsel vm4, v0, v4  }
0x234: {  	vm6 =	vmmov $0x3f;
	v59 =	vld [tilespmem:$0xC780];
	v0 =	vsel vm5, v0, v5  }
0x235: {  	vm7 =	vmmov $0x7f;
	v0 =	vsel vm6, v0, v1;
	v1 =	vld [tilespmem:$0xC800]  }
0x236: {  	vm8 =	vmmov $0xff;
	v0 =	vsel vm7, v0, v2;
	v2 =	vld [tilespmem:$0xC880]  }
0x237: {  	vm9 =	vmmov $0x1ff;
	v0 =	vsel vm8, v0, v3;
	v3 =	vld [tilespmem:$0xC900]  }
0x238: {  	vm10 =	vmmov $0x3ff;
	v60 =	vld [tilespmem:$0xC980];
	v0 =	vsel vm9, v0, v58  }
0x239: {  	vm11 =	vmmov $0x7ff;
	v61 =	vld [tilespmem:$0xCA00];
	v0 =	vsel vm10, v0, v59  }
0x23a: {  	vm12 =	vmmov $0xfff;
	v0 =	vsel vm11, v0, v1  }
0x23b: {  	vm13 =	vmmov $0x1fff;
	v0 =	vsel vm12, v0, v2  }
0x23c: {  	vm14 =	vmmov $0x3fff;
	v0 =	vsel vm13, v0, v3  }
0x23d: {  	vm15 =	vmmov $0x7fff;
	v0 =	vsel vm14, v0, v60  }
0x23e: {  	v0 =	vsel vm15, v0, v61  }
0x23f: {  	s4 =	simm.s32 $0x0;
	[tilespmem:$0xCA80] =	vst v0  }
0x240: {  	v0 =	vld [tilespmem:s4+$0x1000];
	_ =	sdelay $0x4  }
0x241: {  	v1 =	vld [tilespmem:s4+$0x0];
	v0 =	vmax.f32 v0, $9.999999710e-10  }
0x242: {  	(erf) = vrcp.f32 v0;
	_ =	sdelay $0x4  }
0x243: {  	v2 =	vld [tilespmem:s4+$0x800]  }
0x244: {  	s3 =	simm.s32 $0xCA80  }
0x245: {  	v1 =	vld.idx.msk [tilespmem:v1+s3+$0x0], $0xffff  }
0x246: {  	v3 =	vld [tilespmem:s4+$0x1010]  }
0x247: {  	v62 =	vpop (erf)  }
0x248: {  	v2 =	vmul.f32 v62, v2;
	_ =	sdelay $0x1  }
0x249: {  	v1 =	vadd.f32 v2, v1;
	v2 =	vld [tilespmem:s4+$0x10]  }
0x24a: {  	v3 =	vmax.f32 v3, $9.999999710e-10  }
0x24b: {  	(erf) = vrcp.f32 v3  }
0x24c: {  	v1 =	vmax.f32 v1, $8.000000110e-01  }
0x24d: {  	v1 =	vmin.f32 v1, $1.200000050e+00  }
0x24e: {  	v0 =	vmul.f32 v1, v0;
	_ =	sdelay $0x1  }
0x24f: {  	[tilespmem:s4+$0x1800] =	vst v0;
	v0 =	vld [tilespmem:s4+$0x810]  }
0x250: {  	v1 =	vld.idx.msk [tilespmem:v2+s3+$0x0], $0xffff  }
0x251: {  	v2 =	vld [tilespmem:s4+$0x1020];
	_ =	sdelay $0x1  }
0x252: {  	v63 =	vpop (erf)  }
0x253: {  	v0 =	vmul.f32 v63, v0;
	_ =	sdelay $0x1  }
0x254: {  	v0 =	vadd.f32 v0, v1;
	v1 =	vld [tilespmem:s4+$0x20];
	v2 =	vmax.f32 v2, $9.999999710e-10  }
0x255: {  	(erf) = vrcp.f32 v2  }
0x256: {  	v0 =	vmax.f32 v0, $8.000000110e-01  }
0x257: {  	v0 =	vmin.f32 v0, $1.200000050e+00  }
0x258: {  	v0 =	vmul.f32 v0, v3;
	_ =	sdelay $0x1  }
0x259: {  	[tilespmem:s4+$0x1810] =	vst v0;
	v0 =	vld [tilespmem:s4+$0x820];
	_ =	sdelay $0x1  }
0x25a: {  	v1 =	vld.idx.msk [tilespmem:v1+s3+$0x0], $0xffff;
	_ =	sdelay $0x1  }
0x25b: {  	v3 =	vpop (erf)  }
0x25c: {  	v0 =	vmul.f32 v3, v0;
	_ =	sdelay $0x1  }
0x25d: {  	v0 =	vadd.f32 v0, v1  }
0x25e: {  	v1 =	vld [tilespmem:s4+$0x1030]  }
0x25f: {  	v0 =	vmax.f32 v0, $8.000000110e-01  }
0x260: {  	v0 =	vmin.f32 v0, $1.200000050e+00  }
0x261: {  	v0 =	vmul.f32 v0, v2  }
0x262: {  	v3 =	vld [tilespmem:s4+$0x30]  }
0x263: {  	[tilespmem:s4+$0x1820] =	vst v0;
	v0 =	vmax.f32 v1, $9.999999710e-10  }
0x264: {  	(erf) = vrcp.f32 v0;
	_ =	sdelay $0x4  }
0x265: {  	v1 =	vld [tilespmem:s4+$0x830]  }
0x266: {  	s6 =	simm.s32 $0x40;
	s5 =	simm.s32 $0x200;
	v2 =	vld.idx.msk [tilespmem:v3+s3+$0x0], $0xffff  }
.LBB2_21:
0x267: {  	p0 =	sne.s32 s5, $0x1F00;
	v3 =	vld [tilespmem:s6+$0x1000];
	_ =	sdelay $0x1  }
0x268: {  	v4 =	vpop (erf)  }
0x269: {  	v1 =	vmul.f32 v4, v1  }
0x26a: {  	v4 =	vld [tilespmem:s6+$0x0]  }
0x26b: {  	v3 =	vmax.f32 v3, $9.999999710e-10;
	v1 =	vadd.f32 v1, v2  }
0x26c: {  	(erf) = vrcp.f32 v3  }
0x26d: {  	v1 =	vmax.f32 v1, $8.000000110e-01  }
0x26e: {  	v1 =	vmin.f32 v1, $1.200000050e+00  }
0x26f: {  	v0 =	vmul.f32 v1, v0;
	_ =	sdelay $0x1  }
0x270: {  	v1 =	vld [tilespmem:s6+$0x800];
	[tilespmem:s4+$0x1830] =	vst v0;
	s4 =	smov.u32 s6  }
0x271: {  	v0 =	vld.idx.msk [tilespmem:v4+s3+$0x0], $0xffff  }
0x272: {  	v2 =	vld [tilespmem:s4+$0x1010];
	_ =	sdelay $0x1  }
0x273: {  	v4 =	vpop (erf)  }
0x274: {  	v1 =	vmul.f32 v4, v1  }
0x275: {  	v4 =	vld [tilespmem:s4+$0x10]  }
0x276: {  	v0 =	vadd.f32 v1, v0;
	v1 =	vmax.f32 v2, $9.999999710e-10  }
0x277: {  	(erf) = vrcp.f32 v1  }
0x278: {  	v0 =	vmax.f32 v0, $8.000000110e-01  }
0x279: {  	v0 =	vmin.f32 v0, $1.200000050e+00  }
0x27a: {  	v0 =	vmul.f32 v0, v3;
	_ =	sdelay $0x1  }
0x27b: {  	[tilespmem:s4+$0x1800] =	vst v0;
	v0 =	vld [tilespmem:s4+$0x810]  }
0x27c: {  	v2 =	vld.idx.msk [tilespmem:v4+s3+$0x0], $0xffff  }
0x27d: {  	v3 =	vld [tilespmem:s4+$0x1020];
	_ =	sdelay $0x1  }
0x27e: {  	v4 =	vpop (erf)  }
0x27f: {  	v0 =	vmul.f32 v4, v0  }
0x280: {  	v4 =	vld [tilespmem:s4+$0x20]  }
0x281: {  	v0 =	vadd.f32 v0, v2;
	v2 =	vmax.f32 v3, $9.999999710e-10  }
0x282: {  	(erf) = vrcp.f32 v2  }
0x283: {  	v0 =	vmax.f32 v0, $8.000000110e-01  }
0x284: {  	v0 =	vmin.f32 v0, $1.200000050e+00  }
0x285: {  	v0 =	vmul.f32 v0, v1;
	_ =	sdelay $0x1  }
0x286: {  	[tilespmem:s4+$0x1810] =	vst v0;
	v0 =	vld [tilespmem:s4+$0x820]  }
0x287: {  	v1 =	vld.idx.msk [tilespmem:v4+s3+$0x0], $0xffff  }
0x288: {  	v3 =	vld [tilespmem:s4+$0x1030];
	_ =	sdelay $0x1  }
0x289: {  	v4 =	vpop (erf)  }
0x28a: {  	v0 =	vmul.f32 v4, v0  }
0x28b: {  	v4 =	vld [tilespmem:s4+$0x30]  }
0x28c: {  	v1 =	vadd.f32 v0, v1;
	v0 =	vmax.f32 v3, $9.999999710e-10  }
0x28d: {  	(erf) = vrcp.f32 v0  }
0x28e: {  	v1 =	vmax.f32 v1, $8.000000110e-01  }
.Ltmp15:
0x28f: {  	v1 =	vmin.f32 v1, $1.200000050e+00;
	(pc) =	sbr.rel @p0 .LBB2_21-.Ltmp15, $3  }
0x290: {  	v1 =	vmul.f32 v1, v2;
	_ =	sdelay $0x1  }
0x291: {  	[tilespmem:s4+$0x1820] =	vst v1;
	v1 =	vld [tilespmem:s4+$0x830]  }
0x292: {  	s6 =	sshra.s32 s5, $0x2;
	s5 =	sadd.s32 $0x100, s5;
	v2 =	vld.idx.msk [tilespmem:v4+s3+$0x0], $0xffff  }
0x293: {  	v3 =	vld [tilespmem:s6+$0x1000];
	_ =	sdelay $0x1  }
0x294: {  	v4 =	vpop (erf)  }
0x295: {  	v1 =	vmul.f32 v4, v1;
	_ =	sdelay $0x1  }
0x296: {  	v49 =	vld [tilespmem:s6+$0x0];
	v3 =	vmax.f32 v3, $9.999999710e-10;
	v1 =	vadd.f32 v1, v2  }
0x297: {  	(erf) = vrcp.f32 v3  }
0x298: {  	v1 =	vmax.f32 v1, $8.000000110e-01  }
0x299: {  	v1 =	vmin.f32 v1, $1.200000050e+00  }
0x29a: {  	v0 =	vmul.f32 v1, v0;
	_ =	sdelay $0x1  }
0x29b: {  	v50 =	vld [tilespmem:s6+$0x800];
	[tilespmem:s4+$0x1830] =	vst v0  }
0x29c: {  	v51 =	vld [tilespmem:s6+$0x1010]  }
0x29d: {  	v0 =	vld.idx.msk [tilespmem:v49+s3+$0x0], $0xffff;
	_ =	sdelay $0x1  }
0x29e: {  	v52 =	vpop (erf)  }
0x29f: {  	v1 =	vmul.f32 v52, v50  }
0x2a0: {  	v53 =	vld [tilespmem:s6+$0x10];
	v2 =	vmax.f32 v51, $9.999999710e-10  }
0x2a1: {  	v0 =	vadd.f32 v1, v0;
	(erf) = vrcp.f32 v2;
	_ =	sdelay $0x1  }
0x2a2: {  	v0 =	vmax.f32 v0, $8.000000110e-01  }
0x2a3: {  	v0 =	vmin.f32 v0, $1.200000050e+00  }
0x2a4: {  	v0 =	vmul.f32 v0, v3  }
0x2a5: {  	v54 =	vld [tilespmem:s6+$0x810]  }
0x2a6: {  	v55 =	vld [tilespmem:s6+$0x1020];
	[tilespmem:s6+$0x1800] =	vst v0  }
0x2a7: {  	v1 =	vld.idx.msk [tilespmem:v53+s3+$0x0], $0xffff;
	_ =	sdelay $0x1  }
0x2a8: {  	v56 =	vpop (erf)  }
0x2a9: {  	v0 =	vmul.f32 v56, v54  }
0x2aa: {  	v57 =	vld [tilespmem:s6+$0x20];
	v3 =	vmax.f32 v55, $9.999999710e-10  }
0x2ab: {  	(erf) = vrcp.f32 v3;
	v0 =	vadd.f32 v0, v1;
	_ =	sdelay $0x1  }
0x2ac: {  	v0 =	vmax.f32 v0, $8.000000110e-01  }
0x2ad: {  	v0 =	vmin.f32 v0, $1.200000050e+00  }
0x2ae: {  	v0 =	vmul.f32 v0, v2  }
0x2af: {  	v58 =	vld [tilespmem:s6+$0x820]  }
0x2b0: {  	v59 =	vld [tilespmem:s6+$0x1030];
	[tilespmem:s6+$0x1810] =	vst v0  }
0x2b1: {  	v1 =	vld.idx.msk [tilespmem:v57+s3+$0x0], $0xffff;
	_ =	sdelay $0x1  }
0x2b2: {  	v60 =	vpop (erf)  }
0x2b3: {  	v0 =	vmul.f32 v60, v58  }
0x2b4: {  	v61 =	vld [tilespmem:s6+$0x30];
	v2 =	vmax.f32 v59, $9.999999710e-10  }
0x2b5: {  	(erf) = vrcp.f32 v2;
	v0 =	vadd.f32 v0, v1;
	_ =	sdelay $0x1  }
0x2b6: {  	v0 =	vmax.f32 v0, $8.000000110e-01  }
0x2b7: {  	v0 =	vmin.f32 v0, $1.200000050e+00  }
0x2b8: {  	v0 =	vmul.f32 v0, v3  }
0x2b9: {  	v62 =	vld [tilespmem:s6+$0x830]  }
0x2ba: {  	[tilespmem:s6+$0x1820] =	vst v0  }
0x2bb: {  	v1 =	vld.idx.msk [tilespmem:v61+s3+$0x0], $0xffff;
	_ =	sdelay $0x1  }
0x2bc: {  	v63 =	vpop (erf)  }
0x2bd: {  	v0 =	vmul.f32 v63, v62;
	_ =	sdelay $0x1  }
0x2be: {  	v0 =	vadd.f32 v0, v1;
	_ =	sdelay $0x1  }
0x2bf: {  	v0 =	vmax.f32 v0, $8.000000110e-01  }
0x2c0: {  	v0 =	vmin.f32 v0, $1.200000050e+00  }
0x2c1: {  	v0 =	vmul.f32 v0, v2;
	_ =	sdelay $0x1  }
0x2c2: {  	s0 =	simm.s32 $0x0;
	s1 =	simm.s32 $0x1800;
	s31 =	simm.s32 $0x5;
	[tilespmem:s6+$0x1830] =	vst v0  }
0x2c3: {  	[hbm4b:s10+s0] =	stream.linear.scatter [tilespmem:s1], [sflag:$0x5], $0x800, $0x38;
	[tilespmem:$0xCB00] =	vst v63  }
0x2c4: {  	_ =	swait.ge [sflag:s31], $0x800  }
0x2c5: {  	[sflag:s31] =	ssyncset.done $0x0  }
0x2c6: {  	[sflag:s31] =	ssyncadd.s32 $0xFFFFF800  }
.LBB2_23:
0x2c7: {  	_ =	sfence.sel $0x180000  }
0x2c8: {  	[bflag:$0x0] =	sbarrier.arrive $0xFFFF  }
0x2c9: {  	p0 =	sne.s32 s16, $0x0;
	_ =	strace $0x90000047  }
0x2ca: {  	s0 =	sadd.s32 @!p0 $0x100000, s15;
	[bflag:$0x2] =	sbarrier.arrive $0xFFFF  }
0x2cb: {  	[sflag:s0] =	ssyncadd.tile.s32 @!p0 $0x1;
	_ =	shalt  }
.Lfunc_end2:
_tile_overlayer_lowered:
.L_overlay_start_2:
0x2cc: {  	(tag) =	ssettag $0x2  }
0x2cd: {  	s0 =	rddreg [dreg:$0x0];
	s2 =	stileid.u32  }
0x2ce: {  	s1 =	rddreg [dreg:$0x1];
	p0 =	sne.s32 s2, $0x0  }
0x2cf: {  	s3 =	rddreg [dreg:$0x2];
	[bflag:$0x3] =	sbarrier.arrive $0xFFFF;
	s2 =	simm.s32 @!p0 $0x1C05  }
0x2d0: {  	[timem:s3], [sflag:s2] =	dma.local @!p0 [hbm:s0], s1  }
0x2d1: {  	s0 =	simm.s32 @!p0 $0x5  }
0x2d2: {  	_ =	swait.ge @!p0 [sflag:s0], s1  }
0x2d3: {  	s1 =	ssub.s32 @!p0 $0x0, s1;
	[sflag:s0] =	ssyncset.done @!p0 $0x0  }
0x2d4: {  	[sflag:s0] =	ssyncadd.s32 @!p0 s1  }
0x2d5: {  	[bflag:$0x3] =	sbarrier.arrive $0xFFFF  }
0x2d6: {  	_ =	shalt  }

</sc_bundles>
